<compile_context>
chip_gen: v7x
topology: tpu7x:2x2x1
jax: 0.10.2.dev20260603
libtpu: 0.0.44.dev20260713+nightly
codegen_flags: <defaults>
</compile_context>

<pallas_src>
import functools

import jax
import jax.numpy as jnp
from jax import lax
from jax.experimental import pallas as pl
from jax.experimental.pallas import tpu as pltpu
from jax.experimental.pallas import tpu_sc as plsc

BLOCK = 8
KEEP = 4
NROW = 4096
NCOL = 4096
NC = 2
NS = 16
L = 16
NW = NC * NS
ROWS_W = NROW // NW
RCH = 4
OUTER = ROWS_W // RCH
GROUPS = NCOL // (BLOCK * L)

_mesh = plsc.VectorSubcoreMesh(core_axis_name="c", subcore_axis_name="s")


@functools.partial(
    pl.kernel,
    out_type=jax.ShapeDtypeStruct((NROW, NCOL), jnp.float32),
    mesh=_mesh,
    scratch_types=[
        pltpu.VMEM((RCH, NCOL), jnp.float32),
        pltpu.VMEM((RCH, NCOL), jnp.float32),
        pltpu.VMEM((RCH, NCOL), jnp.float32),
        pltpu.VMEM((RCH, NCOL), jnp.float32),
        pltpu.VMEM((RCH, NCOL), jnp.float32),
        pltpu.VMEM((RCH, NCOL), jnp.float32),
        pltpu.SemaphoreType.DMA,
        pltpu.SemaphoreType.DMA,
        pltpu.SemaphoreType.DMA,
        pltpu.SemaphoreType.DMA,
        pltpu.SemaphoreType.DMA,
        pltpu.SemaphoreType.DMA,
    ],
    compiler_params=pltpu.CompilerParams(needs_layout_passes=False),
)
def _sparsify_sc(x_hbm, s_hbm, o_hbm,
                 sA, sB, xA, xB, oA, oB,
                 ssA, ssB, sxA, sxB, soA, soB):
    wid = lax.axis_index("s") * NC + lax.axis_index("c")
    row0 = wid * ROWS_W
    lane = lax.iota(jnp.int32, L)
    offs = tuple(lane * BLOCK + j for j in range(BLOCK))
    step = jnp.full((L,), BLOCK * L, jnp.int32)
    zerof = jnp.full((L,), 0.0, jnp.float32)

    slots = ((sA, xA, oA, ssA, sxA, soA), (sB, xB, oB, ssB, sxB, soB))

    def ce(a, b):
        return jnp.minimum(a, b), jnp.maximum(a, b)

    def sort4(a, b, c, d):
        a, b = ce(a, b)
        c, d = ce(c, d)
        a, c = ce(a, c)
        b, d = ce(b, d)
        b, c = ce(b, c)
        return a, b, c, d

    def compute_chunk(sbuf, xbuf, obuf):
        for rr in range(RCH):
            rowv = jnp.full((L,), rr, jnp.int32)

            def inner(g, idx):
                s = [plsc.load_gather(sbuf, [rowv, idx[j]])
                     for j in range(BLOCK)]
                x = [plsc.load_gather(xbuf, [rowv, idx[j]])
                     for j in range(BLOCK)]
                a = sort4(s[0], s[1], s[2], s[3])
                b = sort4(s[4], s[5], s[6], s[7])
                hi = [jnp.maximum(a[i], b[3 - i]) for i in range(4)]
                t = jnp.minimum(jnp.minimum(hi[0], hi[1]),
                                jnp.minimum(hi[2], hi[3]))
                for j in range(BLOCK):
                    ov = jnp.where(s[j] >= t, x[j], zerof)
                    plsc.store_scatter(obuf, [rowv, idx[j]], ov)
                return tuple(idx[j] + step for j in range(BLOCK))

            lax.fori_loop(0, GROUPS, inner, offs)

    def start_in(i, sbuf, xbuf, ssem, xsem):
        r = row0 + i * RCH
        pltpu.async_copy(s_hbm.at[pl.ds(r, RCH)], sbuf, ssem)
        pltpu.async_copy(x_hbm.at[pl.ds(r, RCH)], xbuf, xsem)

    for b in range(2):
        sbuf, xbuf, obuf, ssem, xsem, osem = slots[b]
        start_in(b, sbuf, xbuf, ssem, xsem)

    def outer(io, carry):
        for b in range(2):
            i = io * 2 + b
            sbuf, xbuf, obuf, ssem, xsem, osem = slots[b]
            r = row0 + i * RCH
            pltpu.make_async_copy(s_hbm.at[pl.ds(0, RCH)], sbuf, ssem).wait()
            pltpu.make_async_copy(x_hbm.at[pl.ds(0, RCH)], xbuf, xsem).wait()
            @pl.when(i >= 2)
            def _():
                pltpu.make_async_copy(obuf, o_hbm.at[pl.ds(0, RCH)],
                                      osem).wait()

            compute_chunk(sbuf, xbuf, obuf)
            pltpu.async_copy(obuf, o_hbm.at[pl.ds(r, RCH)], osem)

            @pl.when(i + 2 < OUTER)
            def _():
                start_in(i + 2, sbuf, xbuf, ssem, xsem)
        return carry

    lax.fori_loop(0, OUTER // 2, outer, None)

    for b in range(2):
        sbuf, xbuf, obuf, ssem, xsem, osem = slots[b]
        pltpu.make_async_copy(obuf, o_hbm.at[pl.ds(0, RCH)], osem).wait()


def kernel(x, score):
    return _sparsify_sc(x, score)

# --- scband reference (transcript-rebuilt; emitter-appended) ---
"""Pipeline reference for scband-sparsify-79869211836877 (READ-ONLY COPY).

The authoritative reference and input builder live on the scoring server;
editing this copy changes nothing except your own understanding.
"""

import jax, jax.numpy as jnp
import numpy as np

K = 4
BLOCK = 8
SHAPE = (4096, 4096)

def _get_mask(score):
    # BlockTopK.get_mask with block_dim=-1: no transpose needed
    s = score.reshape(-1, BLOCK)
    # torch.argsort ascending; zero out the (BLOCK-K) smallest entries per block
    idx = jnp.argsort(s, axis=1)[:, : BLOCK - K]
    rows = jnp.arange(s.shape[0])[:, None]
    mask = jnp.ones_like(s).at[rows, idx].set(0.0)
    return mask.reshape(score.shape)

def setup_inputs(seed: int = 0) -> dict:
    key = jax.random.key(seed)
    k1, k2 = jax.random.split(key)
    x = jax.random.normal(k1, SHAPE, dtype=jnp.float32)
    # learned score parameter (torch init is ones, which makes top-k degenerate;
    # use random values to exercise the sort meaningfully)
    score = jax.random.normal(k2, SHAPE, dtype=jnp.float32)
    return {"x": x, "score": score}

def reference(x, score):
    # Sparsify.forward in training mode with BlockTopK sparseness, STE backward:
    # mask = sparseness.get_mask(score); x = x * mask (mask detached in STE)
    mask = _get_mask(score)
    return x * mask

if __name__ == "__main__":
    import jax
    _d = setup_inputs()
    print(jax.jit(kernel)(*tuple(_d.values())))

</pallas_src>

<mosaic_0001>
#map = affine_map<(d0, d1) -> (0, 0)>
module attributes {stable_mosaic.version = 14 : i64} {
  func.func @_sparsify_sc(%arg0: i32, %arg1: i32, %arg2: memref<4096x4096xf32, #tpu.memory_space<hbm>>, %arg3: memref<4096x4096xf32, #tpu.memory_space<hbm>>, %arg4: memref<4096x4096xf32, #tpu.memory_space<hbm>>, %arg5: memref<4x4096xf32, #tpu.memory_space<vmem>>, %arg6: memref<4x4096xf32, #tpu.memory_space<vmem>>, %arg7: memref<4x4096xf32, #tpu.memory_space<vmem>>, %arg8: memref<4x4096xf32, #tpu.memory_space<vmem>>, %arg9: memref<4x4096xf32, #tpu.memory_space<vmem>>, %arg10: memref<4x4096xf32, #tpu.memory_space<vmem>>, %arg11: memref<!tpu.dma_semaphore, #tpu.memory_space<semaphore_mem>>, %arg12: memref<!tpu.dma_semaphore, #tpu.memory_space<semaphore_mem>>, %arg13: memref<!tpu.dma_semaphore, #tpu.memory_space<semaphore_mem>>, %arg14: memref<!tpu.dma_semaphore, #tpu.memory_space<semaphore_mem>>, %arg15: memref<!tpu.dma_semaphore, #tpu.memory_space<semaphore_mem>>, %arg16: memref<!tpu.dma_semaphore, #tpu.memory_space<semaphore_mem>>) attributes {dimension_semantics = [#tpu.dimension_semantics<core_parallel>, #tpu.dimension_semantics<subcore_parallel>], iteration_bounds = array<i64: 2, 16>, scalar_prefetch = 0 : i64, scratch_operands = 12 : i64, tpu.core_type = #tpu.core_type<sc_vector_subcore>, window_params = [{transform_indices = #map}, {transform_indices = #map}, {transform_indices = #map}]} {
    %mul3A = arith.constant 2 : i32
    %mul3A_0 = arith.muli %arg1, %mul3A : i32
    %add3A = arith.addi %mul3A_0, %arg0 : i32
    %mul3A_1 = arith.constant 128 : i32
    %mul3A_2 = arith.muli %add3A, %mul3A_1 : i32
    %iota3A = tpu.iota {dimensions = array<i32: 0>} : vector<16xi32>
    %mul3A_3 = arith.constant 8 : i32
    %mul3A_4 = vector.broadcast %mul3A_3 : i32 to vector<16xi32>
    %mul3A_5 = arith.muli %iota3A, %mul3A_4 : vector<16xi32>
    %add3A_6 = arith.constant 0 : i32
    %add3A_7 = vector.broadcast %add3A_6 : i32 to vector<16xi32>
    %add3A_8 = arith.addi %mul3A_5, %add3A_7 : vector<16xi32>
    %mul3A_9 = arith.constant 8 : i32
    %mul3A_10 = vector.broadcast %mul3A_9 : i32 to vector<16xi32>
    %mul3A_11 = arith.muli %iota3A, %mul3A_10 : vector<16xi32>
    %add3A_12 = arith.constant 1 : i32
    %add3A_13 = vector.broadcast %add3A_12 : i32 to vector<16xi32>
    %add3A_14 = arith.addi %mul3A_11, %add3A_13 : vector<16xi32>
    %mul3A_15 = arith.constant 8 : i32
    %mul3A_16 = vector.broadcast %mul3A_15 : i32 to vector<16xi32>
    %mul3A_17 = arith.muli %iota3A, %mul3A_16 : vector<16xi32>
    %add3A_18 = arith.constant 2 : i32
    %add3A_19 = vector.broadcast %add3A_18 : i32 to vector<16xi32>
    %add3A_20 = arith.addi %mul3A_17, %add3A_19 : vector<16xi32>
    %mul3A_21 = arith.constant 8 : i32
    %mul3A_22 = vector.broadcast %mul3A_21 : i32 to vector<16xi32>
    %mul3A_23 = arith.muli %iota3A, %mul3A_22 : vector<16xi32>
    %add3A_24 = arith.constant 3 : i32
    %add3A_25 = vector.broadcast %add3A_24 : i32 to vector<16xi32>
    %add3A_26 = arith.addi %mul3A_23, %add3A_25 : vector<16xi32>
    %mul3A_27 = arith.constant 8 : i32
    %mul3A_28 = vector.broadcast %mul3A_27 : i32 to vector<16xi32>
    %mul3A_29 = arith.muli %iota3A, %mul3A_28 : vector<16xi32>
    %add3A_30 = arith.constant 4 : i32
    %add3A_31 = vector.broadcast %add3A_30 : i32 to vector<16xi32>
    %add3A_32 = arith.addi %mul3A_29, %add3A_31 : vector<16xi32>
    %mul3A_33 = arith.constant 8 : i32
    %mul3A_34 = vector.broadcast %mul3A_33 : i32 to vector<16xi32>
    %mul3A_35 = arith.muli %iota3A, %mul3A_34 : vector<16xi32>
    %add3A_36 = arith.constant 5 : i32
    %add3A_37 = vector.broadcast %add3A_36 : i32 to vector<16xi32>
    %add3A_38 = arith.addi %mul3A_35, %add3A_37 : vector<16xi32>
    %mul3A_39 = arith.constant 8 : i32
    %mul3A_40 = vector.broadcast %mul3A_39 : i32 to vector<16xi32>
    %mul3A_41 = arith.muli %iota3A, %mul3A_40 : vector<16xi32>
    %add3A_42 = arith.constant 6 : i32
    %add3A_43 = vector.broadcast %add3A_42 : i32 to vector<16xi32>
    %add3A_44 = arith.addi %mul3A_41, %add3A_43 : vector<16xi32>
    %mul3A_45 = arith.constant 8 : i32
    %mul3A_46 = vector.broadcast %mul3A_45 : i32 to vector<16xi32>
    %mul3A_47 = arith.muli %iota3A, %mul3A_46 : vector<16xi32>
    %add3A_48 = arith.constant 7 : i32
    %add3A_49 = vector.broadcast %add3A_48 : i32 to vector<16xi32>
    %add3A_50 = arith.addi %mul3A_47, %add3A_49 : vector<16xi32>
    %broadcast_in_dim3A = arith.constant 128 : i32
    %broadcast_in_dim3A_51 = vector.broadcast %broadcast_in_dim3A : i32 to vector<16xi32>
    %broadcast_in_dim3A_52 = arith.constant 0.000000e+00 : f32
    %broadcast_in_dim3A_53 = vector.broadcast %broadcast_in_dim3A_52 : f32 to vector<16xf32>
    %add3A_54 = arith.constant 0 : i32
    %add3A_55 = arith.addi %mul3A_2, %add3A_54 : i32
    %dma_start3A = arith.constant 0 : i32
    %dma_start3A_56 = tpu.memref_slice %arg3[%add3A_55, %dma_start3A] : memref<4096x4096xf32, #tpu.memory_space<hbm>> -> memref<4x4096xf32, #tpu.memory_space<hbm>>
    %dma_start3A_57 = arith.constant 0 : i32
    %dma_start3A_58 = tpu.memref_slice %arg3[%add3A_55, %dma_start3A_57] : memref<4096x4096xf32, #tpu.memory_space<hbm>> -> memref<4x4096xf32, #tpu.memory_space<hbm>>
    tpu.enqueue_dma source(%dma_start3A_58 : memref<4x4096xf32, #tpu.memory_space<hbm>>) target(%arg5 : memref<4x4096xf32, #tpu.memory_space<vmem>>) target_semaphore(%arg11 : memref<!tpu.dma_semaphore, #tpu.memory_space<semaphore_mem>>)
    %dma_start3A_59 = arith.constant 0 : i32
    %dma_start3A_60 = tpu.memref_slice %arg2[%add3A_55, %dma_start3A_59] : memref<4096x4096xf32, #tpu.memory_space<hbm>> -> memref<4x4096xf32, #tpu.memory_space<hbm>>
    %dma_start3A_61 = arith.constant 0 : i32
    %dma_start3A_62 = tpu.memref_slice %arg2[%add3A_55, %dma_start3A_61] : memref<4096x4096xf32, #tpu.memory_space<hbm>> -> memref<4x4096xf32, #tpu.memory_space<hbm>>
    tpu.enqueue_dma source(%dma_start3A_62 : memref<4x4096xf32, #tpu.memory_space<hbm>>) target(%arg7 : memref<4x4096xf32, #tpu.memory_space<vmem>>) target_semaphore(%arg13 : memref<!tpu.dma_semaphore, #tpu.memory_space<semaphore_mem>>)
    %add3A_63 = arith.constant 4 : i32
    %add3A_64 = arith.addi %mul3A_2, %add3A_63 : i32
    %dma_start3A_65 = arith.constant 0 : i32
    %dma_start3A_66 = tpu.memref_slice %arg3[%add3A_64, %dma_start3A_65] : memref<4096x4096xf32, #tpu.memory_space<hbm>> -> memref<4x4096xf32, #tpu.memory_space<hbm>>
    %dma_start3A_67 = arith.constant 0 : i32
    %dma_start3A_68 = tpu.memref_slice %arg3[%add3A_64, %dma_start3A_67] : memref<4096x4096xf32, #tpu.memory_space<hbm>> -> memref<4x4096xf32, #tpu.memory_space<hbm>>
    tpu.enqueue_dma source(%dma_start3A_68 : memref<4x4096xf32, #tpu.memory_space<hbm>>) target(%arg6 : memref<4x4096xf32, #tpu.memory_space<vmem>>) target_semaphore(%arg12 : memref<!tpu.dma_semaphore, #tpu.memory_space<semaphore_mem>>)
    %dma_start3A_69 = arith.constant 0 : i32
    %dma_start3A_70 = tpu.memref_slice %arg2[%add3A_64, %dma_start3A_69] : memref<4096x4096xf32, #tpu.memory_space<hbm>> -> memref<4x4096xf32, #tpu.memory_space<hbm>>
    %dma_start3A_71 = arith.constant 0 : i32
    %dma_start3A_72 = tpu.memref_slice %arg2[%add3A_64, %dma_start3A_71] : memref<4096x4096xf32, #tpu.memory_space<hbm>> -> memref<4x4096xf32, #tpu.memory_space<hbm>>
    tpu.enqueue_dma source(%dma_start3A_72 : memref<4x4096xf32, #tpu.memory_space<hbm>>) target(%arg8 : memref<4x4096xf32, #tpu.memory_space<vmem>>) target_semaphore(%arg14 : memref<!tpu.dma_semaphore, #tpu.memory_space<semaphore_mem>>)
    %scan3A = arith.constant 0 : i32
    %scan3A_73 = arith.constant 16 : i32
    %scan3A_74 = arith.addi %scan3A, %scan3A_73 : i32
    %scan3A_75 = arith.constant 1 : i32
    scf.for %scan3A_88 = %scan3A to %scan3A_74 step %scan3A_75  : i32 {
      %mul3A_89 = arith.constant 2 : i32
      %mul3A_90 = arith.muli %scan3A_88, %mul3A_89 : i32
      %add3A_91 = arith.constant 0 : i32
      %add3A_92 = arith.addi %mul3A_90, %add3A_91 : i32
      %mul3A_93 = arith.constant 4 : i32
      %mul3A_94 = arith.muli %add3A_92, %mul3A_93 : i32
      %add3A_95 = arith.addi %mul3A_2, %mul3A_94 : i32
      %dma_wait3A_96 = arith.constant 0 : i32
      %dma_wait3A_97 = arith.constant 0 : i32
      %dma_wait3A_98 = tpu.memref_slice %arg3[%dma_wait3A_96, %dma_wait3A_97] : memref<4096x4096xf32, #tpu.memory_space<hbm>> -> memref<4x4096xf32, #tpu.memory_space<hbm>>
      %dma_wait3A_99 = arith.constant 0 : i32
      %dma_wait3A_100 = arith.constant 0 : i32
      %dma_wait3A_101 = tpu.memref_slice %arg3[%dma_wait3A_99, %dma_wait3A_100] : memref<4096x4096xf32, #tpu.memory_space<hbm>> -> memref<4x4096xf32, #tpu.memory_space<hbm>>
      tpu.wait_dma2 semaphore(%arg11 : memref<!tpu.dma_semaphore, #tpu.memory_space<semaphore_mem>>) src(%dma_wait3A_101 : memref<4x4096xf32, #tpu.memory_space<hbm>>) dst(%arg5 : memref<4x4096xf32, #tpu.memory_space<vmem>>)
      %dma_wait3A_102 = arith.constant 0 : i32
      %dma_wait3A_103 = arith.constant 0 : i32
      %dma_wait3A_104 = tpu.memref_slice %arg2[%dma_wait3A_102, %dma_wait3A_103] : memref<4096x4096xf32, #tpu.memory_space<hbm>> -> memref<4x4096xf32, #tpu.memory_space<hbm>>
      %dma_wait3A_105 = arith.constant 0 : i32
      %dma_wait3A_106 = arith.constant 0 : i32
      %dma_wait3A_107 = tpu.memref_slice %arg2[%dma_wait3A_105, %dma_wait3A_106] : memref<4096x4096xf32, #tpu.memory_space<hbm>> -> memref<4x4096xf32, #tpu.memory_space<hbm>>
      tpu.wait_dma2 semaphore(%arg13 : memref<!tpu.dma_semaphore, #tpu.memory_space<semaphore_mem>>) src(%dma_wait3A_107 : memref<4x4096xf32, #tpu.memory_space<hbm>>) dst(%arg7 : memref<4x4096xf32, #tpu.memory_space<vmem>>)
      %ge3A = arith.constant 2 : i32
      %ge3A_108 = arith.cmpi sge, %add3A_92, %ge3A : i32
      %convert_element_type3A = arith.extui %ge3A_108 : i1 to i32
      %cond3A = arith.constant 0 : i32
      %cond3A_109 = arith.cmpi ne, %convert_element_type3A, %cond3A : i32
      scf.if %cond3A_109 {
        %dma_wait3A_219 = arith.constant 0 : i32
        %dma_wait3A_220 = arith.constant 0 : i32
        %dma_wait3A_221 = tpu.memref_slice %arg4[%dma_wait3A_219, %dma_wait3A_220] : memref<4096x4096xf32, #tpu.memory_space<hbm>> -> memref<4x4096xf32, #tpu.memory_space<hbm>>
        %dma_wait3A_222 = arith.constant 0 : i32
        %dma_wait3A_223 = arith.constant 0 : i32
        %dma_wait3A_224 = tpu.memref_slice %arg4[%dma_wait3A_222, %dma_wait3A_223] : memref<4096x4096xf32, #tpu.memory_space<hbm>> -> memref<4x4096xf32, #tpu.memory_space<hbm>>
        tpu.wait_dma2 semaphore(%arg15 : memref<!tpu.dma_semaphore, #tpu.memory_space<semaphore_mem>>) src(%arg9 : memref<4x4096xf32, #tpu.memory_space<vmem>>) dst(%dma_wait3A_224 : memref<4x4096xf32, #tpu.memory_space<hbm>>)
      } else {
      }
      %broadcast_in_dim3A_110 = arith.constant 0 : i32
      %broadcast_in_dim3A_111 = vector.broadcast %broadcast_in_dim3A_110 : i32 to vector<16xi32>
      %scan3A_112 = arith.constant 0 : i32
      %scan3A_113 = arith.constant 32 : i32
      %scan3A_114 = arith.addi %scan3A_112, %scan3A_113 : i32
      %scan3A_115 = arith.constant 1 : i32
      %scan3A_116:8 = scf.for %scan3A_219 = %scan3A_112 to %scan3A_114 step %scan3A_115 iter_args(%scan3A_220 = %add3A_8, %scan3A_221 = %add3A_14, %scan3A_222 = %add3A_20, %scan3A_223 = %add3A_26, %scan3A_224 = %add3A_32, %scan3A_225 = %add3A_38, %scan3A_226 = %add3A_44, %scan3A_227 = %add3A_50) -> (vector<16xi32>, vector<16xi32>, vector<16xi32>, vector<16xi32>, vector<16xi32>, vector<16xi32>, vector<16xi32>, vector<16xi32>)  : i32 {
        %gather3A = tpu.vector_load_idx %arg5[%broadcast_in_dim3A_111, %scan3A_220] : memref<4x4096xf32, #tpu.memory_space<vmem>>[vector<16xi32>, vector<16xi32>], vector<16xf32>,
        %gather3A_228 = tpu.vector_load_idx %arg5[%broadcast_in_dim3A_111, %scan3A_221] : memref<4x4096xf32, #tpu.memory_space<vmem>>[vector<16xi32>, vector<16xi32>], vector<16xf32>,
        %gather3A_229 = tpu.vector_load_idx %arg5[%broadcast_in_dim3A_111, %scan3A_222] : memref<4x4096xf32, #tpu.memory_space<vmem>>[vector<16xi32>, vector<16xi32>], vector<16xf32>,
        %gather3A_230 = tpu.vector_load_idx %arg5[%broadcast_in_dim3A_111, %scan3A_223] : memref<4x4096xf32, #tpu.memory_space<vmem>>[vector<16xi32>, vector<16xi32>], vector<16xf32>,
        %gather3A_231 = tpu.vector_load_idx %arg5[%broadcast_in_dim3A_111, %scan3A_224] : memref<4x4096xf32, #tpu.memory_space<vmem>>[vector<16xi32>, vector<16xi32>], vector<16xf32>,
        %gather3A_232 = tpu.vector_load_idx %arg5[%broadcast_in_dim3A_111, %scan3A_225] : memref<4x4096xf32, #tpu.memory_space<vmem>>[vector<16xi32>, vector<16xi32>], vector<16xf32>,
        %gather3A_233 = tpu.vector_load_idx %arg5[%broadcast_in_dim3A_111, %scan3A_226] : memref<4x4096xf32, #tpu.memory_space<vmem>>[vector<16xi32>, vector<16xi32>], vector<16xf32>,
        %gather3A_234 = tpu.vector_load_idx %arg5[%broadcast_in_dim3A_111, %scan3A_227] : memref<4x4096xf32, #tpu.memory_space<vmem>>[vector<16xi32>, vector<16xi32>], vector<16xf32>,
        %gather3A_235 = tpu.vector_load_idx %arg7[%broadcast_in_dim3A_111, %scan3A_220] : memref<4x4096xf32, #tpu.memory_space<vmem>>[vector<16xi32>, vector<16xi32>], vector<16xf32>,
        %gather3A_236 = tpu.vector_load_idx %arg7[%broadcast_in_dim3A_111, %scan3A_221] : memref<4x4096xf32, #tpu.memory_space<vmem>>[vector<16xi32>, vector<16xi32>], vector<16xf32>,
        %gather3A_237 = tpu.vector_load_idx %arg7[%broadcast_in_dim3A_111, %scan3A_222] : memref<4x4096xf32, #tpu.memory_space<vmem>>[vector<16xi32>, vector<16xi32>], vector<16xf32>,
        %gather3A_238 = tpu.vector_load_idx %arg7[%broadcast_in_dim3A_111, %scan3A_223] : memref<4x4096xf32, #tpu.memory_space<vmem>>[vector<16xi32>, vector<16xi32>], vector<16xf32>,
        %gather3A_239 = tpu.vector_load_idx %arg7[%broadcast_in_dim3A_111, %scan3A_224] : memref<4x4096xf32, #tpu.memory_space<vmem>>[vector<16xi32>, vector<16xi32>], vector<16xf32>,
        %gather3A_240 = tpu.vector_load_idx %arg7[%broadcast_in_dim3A_111, %scan3A_225] : memref<4x4096xf32, #tpu.memory_space<vmem>>[vector<16xi32>, vector<16xi32>], vector<16xf32>,
        %gather3A_241 = tpu.vector_load_idx %arg7[%broadcast_in_dim3A_111, %scan3A_226] : memref<4x4096xf32, #tpu.memory_space<vmem>>[vector<16xi32>, vector<16xi32>], vector<16xf32>,
        %gather3A_242 = tpu.vector_load_idx %arg7[%broadcast_in_dim3A_111, %scan3A_227] : memref<4x4096xf32, #tpu.memory_space<vmem>>[vector<16xi32>, vector<16xi32>], vector<16xf32>,
        %min3A = arith.minimumf %gather3A, %gather3A_228 : vector<16xf32>
        %max3A = arith.maximumf %gather3A, %gather3A_228 : vector<16xf32>
        %min3A_243 = arith.minimumf %gather3A_229, %gather3A_230 : vector<16xf32>
        %max3A_244 = arith.maximumf %gather3A_229, %gather3A_230 : vector<16xf32>
        %min3A_245 = arith.minimumf %min3A, %min3A_243 : vector<16xf32>
        %max3A_246 = arith.maximumf %min3A, %min3A_243 : vector<16xf32>
        %min3A_247 = arith.minimumf %max3A, %max3A_244 : vector<16xf32>
        %max3A_248 = arith.maximumf %max3A, %max3A_244 : vector<16xf32>
        %min3A_249 = arith.minimumf %min3A_247, %max3A_246 : vector<16xf32>
        %max3A_250 = arith.maximumf %min3A_247, %max3A_246 : vector<16xf32>
        %min3A_251 = arith.minimumf %gather3A_231, %gather3A_232 : vector<16xf32>
        %max3A_252 = arith.maximumf %gather3A_231, %gather3A_232 : vector<16xf32>
        %min3A_253 = arith.minimumf %gather3A_233, %gather3A_234 : vector<16xf32>
        %max3A_254 = arith.maximumf %gather3A_233, %gather3A_234 : vector<16xf32>
        %min3A_255 = arith.minimumf %min3A_251, %min3A_253 : vector<16xf32>
        %max3A_256 = arith.maximumf %min3A_251, %min3A_253 : vector<16xf32>
        %min3A_257 = arith.minimumf %max3A_252, %max3A_254 : vector<16xf32>
        %max3A_258 = arith.maximumf %max3A_252, %max3A_254 : vector<16xf32>
        %min3A_259 = arith.minimumf %min3A_257, %max3A_256 : vector<16xf32>
        %max3A_260 = arith.maximumf %min3A_257, %max3A_256 : vector<16xf32>
        %max3A_261 = arith.maximumf %min3A_245, %max3A_258 : vector<16xf32>
        %max3A_262 = arith.maximumf %min3A_249, %max3A_260 : vector<16xf32>
        %max3A_263 = arith.maximumf %max3A_250, %min3A_259 : vector<16xf32>
        %max3A_264 = arith.maximumf %max3A_248, %min3A_255 : vector<16xf32>
        %min3A_265 = arith.minimumf %max3A_261, %max3A_262 : vector<16xf32>
        %min3A_266 = arith.minimumf %max3A_263, %max3A_264 : vector<16xf32>
        %min3A_267 = arith.minimumf %min3A_265, %min3A_266 : vector<16xf32>
        %ge3A_268 = arith.cmpf oge, %gather3A, %min3A_267 : vector<16xf32>
        %select_n3A = arith.select %ge3A_268, %gather3A_235, %broadcast_in_dim3A_53 : vector<16xi1>, vector<16xf32>
        tpu.vector_store_idx %arg9[%broadcast_in_dim3A_111, %scan3A_220], %select_n3A : memref<4x4096xf32, #tpu.memory_space<vmem>>[vector<16xi32>, vector<16xi32>], vector<16xf32>,
        %ge3A_269 = arith.cmpf oge, %gather3A_228, %min3A_267 : vector<16xf32>
        %select_n3A_270 = arith.select %ge3A_269, %gather3A_236, %broadcast_in_dim3A_53 : vector<16xi1>, vector<16xf32>
        tpu.vector_store_idx %arg9[%broadcast_in_dim3A_111, %scan3A_221], %select_n3A_270 : memref<4x4096xf32, #tpu.memory_space<vmem>>[vector<16xi32>, vector<16xi32>], vector<16xf32>,
        %ge3A_271 = arith.cmpf oge, %gather3A_229, %min3A_267 : vector<16xf32>
        %select_n3A_272 = arith.select %ge3A_271, %gather3A_237, %broadcast_in_dim3A_53 : vector<16xi1>, vector<16xf32>
        tpu.vector_store_idx %arg9[%broadcast_in_dim3A_111, %scan3A_222], %select_n3A_272 : memref<4x4096xf32, #tpu.memory_space<vmem>>[vector<16xi32>, vector<16xi32>], vector<16xf32>,
        %ge3A_273 = arith.cmpf oge, %gather3A_230, %min3A_267 : vector<16xf32>
        %select_n3A_274 = arith.select %ge3A_273, %gather3A_238, %broadcast_in_dim3A_53 : vector<16xi1>, vector<16xf32>
        tpu.vector_store_idx %arg9[%broadcast_in_dim3A_111, %scan3A_223], %select_n3A_274 : memref<4x4096xf32, #tpu.memory_space<vmem>>[vector<16xi32>, vector<16xi32>], vector<16xf32>,
        %ge3A_275 = arith.cmpf oge, %gather3A_231, %min3A_267 : vector<16xf32>
        %select_n3A_276 = arith.select %ge3A_275, %gather3A_239, %broadcast_in_dim3A_53 : vector<16xi1>, vector<16xf32>
        tpu.vector_store_idx %arg9[%broadcast_in_dim3A_111, %scan3A_224], %select_n3A_276 : memref<4x4096xf32, #tpu.memory_space<vmem>>[vector<16xi32>, vector<16xi32>], vector<16xf32>,
        %ge3A_277 = arith.cmpf oge, %gather3A_232, %min3A_267 : vector<16xf32>
        %select_n3A_278 = arith.select %ge3A_277, %gather3A_240, %broadcast_in_dim3A_53 : vector<16xi1>, vector<16xf32>
        tpu.vector_store_idx %arg9[%broadcast_in_dim3A_111, %scan3A_225], %select_n3A_278 : memref<4x4096xf32, #tpu.memory_space<vmem>>[vector<16xi32>, vector<16xi32>], vector<16xf32>,
        %ge3A_279 = arith.cmpf oge, %gather3A_233, %min3A_267 : vector<16xf32>
        %select_n3A_280 = arith.select %ge3A_279, %gather3A_241, %broadcast_in_dim3A_53 : vector<16xi1>, vector<16xf32>
        tpu.vector_store_idx %arg9[%broadcast_in_dim3A_111, %scan3A_226], %select_n3A_280 : memref<4x4096xf32, #tpu.memory_space<vmem>>[vector<16xi32>, vector<16xi32>], vector<16xf32>,
        %ge3A_281 = arith.cmpf oge, %gather3A_234, %min3A_267 : vector<16xf32>
        %select_n3A_282 = arith.select %ge3A_281, %gather3A_242, %broadcast_in_dim3A_53 : vector<16xi1>, vector<16xf32>
        tpu.vector_store_idx %arg9[%broadcast_in_dim3A_111, %scan3A_227], %select_n3A_282 : memref<4x4096xf32, #tpu.memory_space<vmem>>[vector<16xi32>, vector<16xi32>], vector<16xf32>,
        %add3A_283 = arith.addi %scan3A_220, %broadcast_in_dim3A_51 : vector<16xi32>
        %add3A_284 = arith.addi %scan3A_221, %broadcast_in_dim3A_51 : vector<16xi32>
        %add3A_285 = arith.addi %scan3A_222, %broadcast_in_dim3A_51 : vector<16xi32>
        %add3A_286 = arith.addi %scan3A_223, %broadcast_in_dim3A_51 : vector<16xi32>
        %add3A_287 = arith.addi %scan3A_224, %broadcast_in_dim3A_51 : vector<16xi32>
        %add3A_288 = arith.addi %scan3A_225, %broadcast_in_dim3A_51 : vector<16xi32>
        %add3A_289 = arith.addi %scan3A_226, %broadcast_in_dim3A_51 : vector<16xi32>
        %add3A_290 = arith.addi %scan3A_227, %broadcast_in_dim3A_51 : vector<16xi32>
        scf.yield %add3A_283, %add3A_284, %add3A_285, %add3A_286, %add3A_287, %add3A_288, %add3A_289, %add3A_290 : vector<16xi32>, vector<16xi32>, vector<16xi32>, vector<16xi32>, vector<16xi32>, vector<16xi32>, vector<16xi32>, vector<16xi32>
      }
      %scan3A_117 = arith.constant 32 : i32
      %broadcast_in_dim3A_118 = arith.constant 1 : i32
      %broadcast_in_dim3A_119 = vector.broadcast %broadcast_in_dim3A_118 : i32 to vector<16xi32>
      %scan3A_120 = arith.constant 0 : i32
      %scan3A_121 = arith.constant 32 : i32
      %scan3A_122 = arith.addi %scan3A_120, %scan3A_121 : i32
      %scan3A_123 = arith.constant 1 : i32
      %scan3A_124:8 = scf.for %scan3A_219 = %scan3A_120 to %scan3A_122 step %scan3A_123 iter_args(%scan3A_220 = %add3A_8, %scan3A_221 = %add3A_14, %scan3A_222 = %add3A_20, %scan3A_223 = %add3A_26, %scan3A_224 = %add3A_32, %scan3A_225 = %add3A_38, %scan3A_226 = %add3A_44, %scan3A_227 = %add3A_50) -> (vector<16xi32>, vector<16xi32>, vector<16xi32>, vector<16xi32>, vector<16xi32>, vector<16xi32>, vector<16xi32>, vector<16xi32>)  : i32 {
        %gather3A = tpu.vector_load_idx %arg5[%broadcast_in_dim3A_119, %scan3A_220] : memref<4x4096xf32, #tpu.memory_space<vmem>>[vector<16xi32>, vector<16xi32>], vector<16xf32>,
        %gather3A_228 = tpu.vector_load_idx %arg5[%broadcast_in_dim3A_119, %scan3A_221] : memref<4x4096xf32, #tpu.memory_space<vmem>>[vector<16xi32>, vector<16xi32>], vector<16xf32>,
        %gather3A_229 = tpu.vector_load_idx %arg5[%broadcast_in_dim3A_119, %scan3A_222] : memref<4x4096xf32, #tpu.memory_space<vmem>>[vector<16xi32>, vector<16xi32>], vector<16xf32>,
        %gather3A_230 = tpu.vector_load_idx %arg5[%broadcast_in_dim3A_119, %scan3A_223] : memref<4x4096xf32, #tpu.memory_space<vmem>>[vector<16xi32>, vector<16xi32>], vector<16xf32>,
        %gather3A_231 = tpu.vector_load_idx %arg5[%broadcast_in_dim3A_119, %scan3A_224] : memref<4x4096xf32, #tpu.memory_space<vmem>>[vector<16xi32>, vector<16xi32>], vector<16xf32>,
        %gather3A_232 = tpu.vector_load_idx %arg5[%broadcast_in_dim3A_119, %scan3A_225] : memref<4x4096xf32, #tpu.memory_space<vmem>>[vector<16xi32>, vector<16xi32>], vector<16xf32>,
        %gather3A_233 = tpu.vector_load_idx %arg5[%broadcast_in_dim3A_119, %scan3A_226] : memref<4x4096xf32, #tpu.memory_space<vmem>>[vector<16xi32>, vector<16xi32>], vector<16xf32>,
        %gather3A_234 = tpu.vector_load_idx %arg5[%broadcast_in_dim3A_119, %scan3A_227] : memref<4x4096xf32, #tpu.memory_space<vmem>>[vector<16xi32>, vector<16xi32>], vector<16xf32>,
        %gather3A_235 = tpu.vector_load_idx %arg7[%broadcast_in_dim3A_119, %scan3A_220] : memref<4x4096xf32, #tpu.memory_space<vmem>>[vector<16xi32>, vector<16xi32>], vector<16xf32>,
        %gather3A_236 = tpu.vector_load_idx %arg7[%broadcast_in_dim3A_119, %scan3A_221] : memref<4x4096xf32, #tpu.memory_space<vmem>>[vector<16xi32>, vector<16xi32>], vector<16xf32>,
        %gather3A_237 = tpu.vector_load_idx %arg7[%broadcast_in_dim3A_119, %scan3A_222] : memref<4x4096xf32, #tpu.memory_space<vmem>>[vector<16xi32>, vector<16xi32>], vector<16xf32>,
        %gather3A_238 = tpu.vector_load_idx %arg7[%broadcast_in_dim3A_119, %scan3A_223] : memref<4x4096xf32, #tpu.memory_space<vmem>>[vector<16xi32>, vector<16xi32>], vector<16xf32>,
        %gather3A_239 = tpu.vector_load_idx %arg7[%broadcast_in_dim3A_119, %scan3A_224] : memref<4x4096xf32, #tpu.memory_space<vmem>>[vector<16xi32>, vector<16xi32>], vector<16xf32>,
        %gather3A_240 = tpu.vector_load_idx %arg7[%broadcast_in_dim3A_119, %scan3A_225] : memref<4x4096xf32, #tpu.memory_space<vmem>>[vector<16xi32>, vector<16xi32>], vector<16xf32>,
        %gather3A_241 = tpu.vector_load_idx %arg7[%broadcast_in_dim3A_119, %scan3A_226] : memref<4x4096xf32, #tpu.memory_space<vmem>>[vector<16xi32>, vector<16xi32>], vector<16xf32>,
        %gather3A_242 = tpu.vector_load_idx %arg7[%broadcast_in_dim3A_119, %scan3A_227] : memref<4x4096xf32, #tpu.memory_space<vmem>>[vector<16xi32>, vector<16xi32>], vector<16xf32>,
        %min3A = arith.minimumf %gather3A, %gather3A_228 : vector<16xf32>
        %max3A = arith.maximumf %gather3A, %gather3A_228 : vector<16xf32>
        %min3A_243 = arith.minimumf %gather3A_229, %gather3A_230 : vector<16xf32>
        %max3A_244 = arith.maximumf %gather3A_229, %gather3A_230 : vector<16xf32>
        %min3A_245 = arith.minimumf %min3A, %min3A_243 : vector<16xf32>
        %max3A_246 = arith.maximumf %min3A, %min3A_243 : vector<16xf32>
        %min3A_247 = arith.minimumf %max3A, %max3A_244 : vector<16xf32>
        %max3A_248 = arith.maximumf %max3A, %max3A_244 : vector<16xf32>
        %min3A_249 = arith.minimumf %min3A_247, %max3A_246 : vector<16xf32>
        %max3A_250 = arith.maximumf %min3A_247, %max3A_246 : vector<16xf32>
        %min3A_251 = arith.minimumf %gather3A_231, %gather3A_232 : vector<16xf32>
        %max3A_252 = arith.maximumf %gather3A_231, %gather3A_232 : vector<16xf32>
        %min3A_253 = arith.minimumf %gather3A_233, %gather3A_234 : vector<16xf32>
        %max3A_254 = arith.maximumf %gather3A_233, %gather3A_234 : vector<16xf32>
        %min3A_255 = arith.minimumf %min3A_251, %min3A_253 : vector<16xf32>
        %max3A_256 = arith.maximumf %min3A_251, %min3A_253 : vector<16xf32>
        %min3A_257 = arith.minimumf %max3A_252, %max3A_254 : vector<16xf32>
        %max3A_258 = arith.maximumf %max3A_252, %max3A_254 : vector<16xf32>
        %min3A_259 = arith.minimumf %min3A_257, %max3A_256 : vector<16xf32>
        %max3A_260 = arith.maximumf %min3A_257, %max3A_256 : vector<16xf32>
        %max3A_261 = arith.maximumf %min3A_245, %max3A_258 : vector<16xf32>
        %max3A_262 = arith.maximumf %min3A_249, %max3A_260 : vector<16xf32>
        %max3A_263 = arith.maximumf %max3A_250, %min3A_259 : vector<16xf32>
        %max3A_264 = arith.maximumf %max3A_248, %min3A_255 : vector<16xf32>
        %min3A_265 = arith.minimumf %max3A_261, %max3A_262 : vector<16xf32>
        %min3A_266 = arith.minimumf %max3A_263, %max3A_264 : vector<16xf32>
        %min3A_267 = arith.minimumf %min3A_265, %min3A_266 : vector<16xf32>
        %ge3A_268 = arith.cmpf oge, %gather3A, %min3A_267 : vector<16xf32>
        %select_n3A = arith.select %ge3A_268, %gather3A_235, %broadcast_in_dim3A_53 : vector<16xi1>, vector<16xf32>
        tpu.vector_store_idx %arg9[%broadcast_in_dim3A_119, %scan3A_220], %select_n3A : memref<4x4096xf32, #tpu.memory_space<vmem>>[vector<16xi32>, vector<16xi32>], vector<16xf32>,
        %ge3A_269 = arith.cmpf oge, %gather3A_228, %min3A_267 : vector<16xf32>
        %select_n3A_270 = arith.select %ge3A_269, %gather3A_236, %broadcast_in_dim3A_53 : vector<16xi1>, vector<16xf32>
        tpu.vector_store_idx %arg9[%broadcast_in_dim3A_119, %scan3A_221], %select_n3A_270 : memref<4x4096xf32, #tpu.memory_space<vmem>>[vector<16xi32>, vector<16xi32>], vector<16xf32>,
        %ge3A_271 = arith.cmpf oge, %gather3A_229, %min3A_267 : vector<16xf32>
        %select_n3A_272 = arith.select %ge3A_271, %gather3A_237, %broadcast_in_dim3A_53 : vector<16xi1>, vector<16xf32>
        tpu.vector_store_idx %arg9[%broadcast_in_dim3A_119, %scan3A_222], %select_n3A_272 : memref<4x4096xf32, #tpu.memory_space<vmem>>[vector<16xi32>, vector<16xi32>], vector<16xf32>,
        %ge3A_273 = arith.cmpf oge, %gather3A_230, %min3A_267 : vector<16xf32>
        %select_n3A_274 = arith.select %ge3A_273, %gather3A_238, %broadcast_in_dim3A_53 : vector<16xi1>, vector<16xf32>
        tpu.vector_store_idx %arg9[%broadcast_in_dim3A_119, %scan3A_223], %select_n3A_274 : memref<4x4096xf32, #tpu.memory_space<vmem>>[vector<16xi32>, vector<16xi32>], vector<16xf32>,
        %ge3A_275 = arith.cmpf oge, %gather3A_231, %min3A_267 : vector<16xf32>
        %select_n3A_276 = arith.select %ge3A_275, %gather3A_239, %broadcast_in_dim3A_53 : vector<16xi1>, vector<16xf32>
        tpu.vector_store_idx %arg9[%broadcast_in_dim3A_119, %scan3A_224], %select_n3A_276 : memref<4x4096xf32, #tpu.memory_space<vmem>>[vector<16xi32>, vector<16xi32>], vector<16xf32>,
        %ge3A_277 = arith.cmpf oge, %gather3A_232, %min3A_267 : vector<16xf32>
        %select_n3A_278 = arith.select %ge3A_277, %gather3A_240, %broadcast_in_dim3A_53 : vector<16xi1>, vector<16xf32>
        tpu.vector_store_idx %arg9[%broadcast_in_dim3A_119, %scan3A_225], %select_n3A_278 : memref<4x4096xf32, #tpu.memory_space<vmem>>[vector<16xi32>, vector<16xi32>], vector<16xf32>,
        %ge3A_279 = arith.cmpf oge, %gather3A_233, %min3A_267 : vector<16xf32>
        %select_n3A_280 = arith.select %ge3A_279, %gather3A_241, %broadcast_in_dim3A_53 : vector<16xi1>, vector<16xf32>
        tpu.vector_store_idx %arg9[%broadcast_in_dim3A_119, %scan3A_226], %select_n3A_280 : memref<4x4096xf32, #tpu.memory_space<vmem>>[vector<16xi32>, vector<16xi32>], vector<16xf32>,
        %ge3A_281 = arith.cmpf oge, %gather3A_234, %min3A_267 : vector<16xf32>
        %select_n3A_282 = arith.select %ge3A_281, %gather3A_242, %broadcast_in_dim3A_53 : vector<16xi1>, vector<16xf32>
        tpu.vector_store_idx %arg9[%broadcast_in_dim3A_119, %scan3A_227], %select_n3A_282 : memref<4x4096xf32, #tpu.memory_space<vmem>>[vector<16xi32>, vector<16xi32>], vector<16xf32>,
        %add3A_283 = arith.addi %scan3A_220, %broadcast_in_dim3A_51 : vector<16xi32>
        %add3A_284 = arith.addi %scan3A_221, %broadcast_in_dim3A_51 : vector<16xi32>
        %add3A_285 = arith.addi %scan3A_222, %broadcast_in_dim3A_51 : vector<16xi32>
        %add3A_286 = arith.addi %scan3A_223, %broadcast_in_dim3A_51 : vector<16xi32>
        %add3A_287 = arith.addi %scan3A_224, %broadcast_in_dim3A_51 : vector<16xi32>
        %add3A_288 = arith.addi %scan3A_225, %broadcast_in_dim3A_51 : vector<16xi32>
        %add3A_289 = arith.addi %scan3A_226, %broadcast_in_dim3A_51 : vector<16xi32>
        %add3A_290 = arith.addi %scan3A_227, %broadcast_in_dim3A_51 : vector<16xi32>
        scf.yield %add3A_283, %add3A_284, %add3A_285, %add3A_286, %add3A_287, %add3A_288, %add3A_289, %add3A_290 : vector<16xi32>, vector<16xi32>, vector<16xi32>, vector<16xi32>, vector<16xi32>, vector<16xi32>, vector<16xi32>, vector<16xi32>
      }
      %scan3A_125 = arith.constant 32 : i32
      %broadcast_in_dim3A_126 = arith.constant 2 : i32
      %broadcast_in_dim3A_127 = vector.broadcast %broadcast_in_dim3A_126 : i32 to vector<16xi32>
      %scan3A_128 = arith.constant 0 : i32
      %scan3A_129 = arith.constant 32 : i32
      %scan3A_130 = arith.addi %scan3A_128, %scan3A_129 : i32
      %scan3A_131 = arith.constant 1 : i32
      %scan3A_132:8 = scf.for %scan3A_219 = %scan3A_128 to %scan3A_130 step %scan3A_131 iter_args(%scan3A_220 = %add3A_8, %scan3A_221 = %add3A_14, %scan3A_222 = %add3A_20, %scan3A_223 = %add3A_26, %scan3A_224 = %add3A_32, %scan3A_225 = %add3A_38, %scan3A_226 = %add3A_44, %scan3A_227 = %add3A_50) -> (vector<16xi32>, vector<16xi32>, vector<16xi32>, vector<16xi32>, vector<16xi32>, vector<16xi32>, vector<16xi32>, vector<16xi32>)  : i32 {
        %gather3A = tpu.vector_load_idx %arg5[%broadcast_in_dim3A_127, %scan3A_220] : memref<4x4096xf32, #tpu.memory_space<vmem>>[vector<16xi32>, vector<16xi32>], vector<16xf32>,
        %gather3A_228 = tpu.vector_load_idx %arg5[%broadcast_in_dim3A_127, %scan3A_221] : memref<4x4096xf32, #tpu.memory_space<vmem>>[vector<16xi32>, vector<16xi32>], vector<16xf32>,
        %gather3A_229 = tpu.vector_load_idx %arg5[%broadcast_in_dim3A_127, %scan3A_222] : memref<4x4096xf32, #tpu.memory_space<vmem>>[vector<16xi32>, vector<16xi32>], vector<16xf32>,
        %gather3A_230 = tpu.vector_load_idx %arg5[%broadcast_in_dim3A_127, %scan3A_223] : memref<4x4096xf32, #tpu.memory_space<vmem>>[vector<16xi32>, vector<16xi32>], vector<16xf32>,
        %gather3A_231 = tpu.vector_load_idx %arg5[%broadcast_in_dim3A_127, %scan3A_224] : memref<4x4096xf32, #tpu.memory_space<vmem>>[vector<16xi32>, vector<16xi32>], vector<16xf32>,
        %gather3A_232 = tpu.vector_load_idx %arg5[%broadcast_in_dim3A_127, %scan3A_225] : memref<4x4096xf32, #tpu.memory_space<vmem>>[vector<16xi32>, vector<16xi32>], vector<16xf32>,
        %gather3A_233 = tpu.vector_load_idx %arg5[%broadcast_in_dim3A_127, %scan3A_226] : memref<4x4096xf32, #tpu.memory_space<vmem>>[vector<16xi32>, vector<16xi32>], vector<16xf32>,
        %gather3A_234 = tpu.vector_load_idx %arg5[%broadcast_in_dim3A_127, %scan3A_227] : memref<4x4096xf32, #tpu.memory_space<vmem>>[vector<16xi32>, vector<16xi32>], vector<16xf32>,
        %gather3A_235 = tpu.vector_load_idx %arg7[%broadcast_in_dim3A_127, %scan3A_220] : memref<4x4096xf32, #tpu.memory_space<vmem>>[vector<16xi32>, vector<16xi32>], vector<16xf32>,
        %gather3A_236 = tpu.vector_load_idx %arg7[%broadcast_in_dim3A_127, %scan3A_221] : memref<4x4096xf32, #tpu.memory_space<vmem>>[vector<16xi32>, vector<16xi32>], vector<16xf32>,
        %gather3A_237 = tpu.vector_load_idx %arg7[%broadcast_in_dim3A_127, %scan3A_222] : memref<4x4096xf32, #tpu.memory_space<vmem>>[vector<16xi32>, vector<16xi32>], vector<16xf32>,
        %gather3A_238 = tpu.vector_load_idx %arg7[%broadcast_in_dim3A_127, %scan3A_223] : memref<4x4096xf32, #tpu.memory_space<vmem>>[vector<16xi32>, vector<16xi32>], vector<16xf32>,
        %gather3A_239 = tpu.vector_load_idx %arg7[%broadcast_in_dim3A_127, %scan3A_224] : memref<4x4096xf32, #tpu.memory_space<vmem>>[vector<16xi32>, vector<16xi32>], vector<16xf32>,
        %gather3A_240 = tpu.vector_load_idx %arg7[%broadcast_in_dim3A_127, %scan3A_225] : memref<4x4096xf32, #tpu.memory_space<vmem>>[vector<16xi32>, vector<16xi32>], vector<16xf32>,
        %gather3A_241 = tpu.vector_load_idx %arg7[%broadcast_in_dim3A_127, %scan3A_226] : memref<4x4096xf32, #tpu.memory_space<vmem>>[vector<16xi32>, vector<16xi32>], vector<16xf32>,
        %gather3A_242 = tpu.vector_load_idx %arg7[%broadcast_in_dim3A_127, %scan3A_227] : memref<4x4096xf32, #tpu.memory_space<vmem>>[vector<16xi32>, vector<16xi32>], vector<16xf32>,
        %min3A = arith.minimumf %gather3A, %gather3A_228 : vector<16xf32>
        %max3A = arith.maximumf %gather3A, %gather3A_228 : vector<16xf32>
        %min3A_243 = arith.minimumf %gather3A_229, %gather3A_230 : vector<16xf32>
        %max3A_244 = arith.maximumf %gather3A_229, %gather3A_230 : vector<16xf32>
        %min3A_245 = arith.minimumf %min3A, %min3A_243 : vector<16xf32>
        %max3A_246 = arith.maximumf %min3A, %min3A_243 : vector<16xf32>
        %min3A_247 = arith.minimumf %max3A, %max3A_244 : vector<16xf32>
        %max3A_248 = arith.maximumf %max3A, %max3A_244 : vector<16xf32>
        %min3A_249 = arith.minimumf %min3A_247, %max3A_246 : vector<16xf32>
        %max3A_250 = arith.maximumf %min3A_247, %max3A_246 : vector<16xf32>
        %min3A_251 = arith.minimumf %gather3A_231, %gather3A_232 : vector<16xf32>
        %max3A_252 = arith.maximumf %gather3A_231, %gather3A_232 : vector<16xf32>
        %min3A_253 = arith.minimumf %gather3A_233, %gather3A_234 : vector<16xf32>
        %max3A_254 = arith.maximumf %gather3A_233, %gather3A_234 : vector<16xf32>
        %min3A_255 = arith.minimumf %min3A_251, %min3A_253 : vector<16xf32>
        %max3A_256 = arith.maximumf %min3A_251, %min3A_253 : vector<16xf32>
        %min3A_257 = arith.minimumf %max3A_252, %max3A_254 : vector<16xf32>
        %max3A_258 = arith.maximumf %max3A_252, %max3A_254 : vector<16xf32>
        %min3A_259 = arith.minimumf %min3A_257, %max3A_256 : vector<16xf32>
        %max3A_260 = arith.maximumf %min3A_257, %max3A_256 : vector<16xf32>
        %max3A_261 = arith.maximumf %min3A_245, %max3A_258 : vector<16xf32>
        %max3A_262 = arith.maximumf %min3A_249, %max3A_260 : vector<16xf32>
        %max3A_263 = arith.maximumf %max3A_250, %min3A_259 : vector<16xf32>
        %max3A_264 = arith.maximumf %max3A_248, %min3A_255 : vector<16xf32>
        %min3A_265 = arith.minimumf %max3A_261, %max3A_262 : vector<16xf32>
        %min3A_266 = arith.minimumf %max3A_263, %max3A_264 : vector<16xf32>
        %min3A_267 = arith.minimumf %min3A_265, %min3A_266 : vector<16xf32>
        %ge3A_268 = arith.cmpf oge, %gather3A, %min3A_267 : vector<16xf32>
        %select_n3A = arith.select %ge3A_268, %gather3A_235, %broadcast_in_dim3A_53 : vector<16xi1>, vector<16xf32>
        tpu.vector_store_idx %arg9[%broadcast_in_dim3A_127, %scan3A_220], %select_n3A : memref<4x4096xf32, #tpu.memory_space<vmem>>[vector<16xi32>, vector<16xi32>], vector<16xf32>,
        %ge3A_269 = arith.cmpf oge, %gather3A_228, %min3A_267 : vector<16xf32>
        %select_n3A_270 = arith.select %ge3A_269, %gather3A_236, %broadcast_in_dim3A_53 : vector<16xi1>, vector<16xf32>
        tpu.vector_store_idx %arg9[%broadcast_in_dim3A_127, %scan3A_221], %select_n3A_270 : memref<4x4096xf32, #tpu.memory_space<vmem>>[vector<16xi32>, vector<16xi32>], vector<16xf32>,
        %ge3A_271 = arith.cmpf oge, %gather3A_229, %min3A_267 : vector<16xf32>
        %select_n3A_272 = arith.select %ge3A_271, %gather3A_237, %broadcast_in_dim3A_53 : vector<16xi1>, vector<16xf32>
        tpu.vector_store_idx %arg9[%broadcast_in_dim3A_127, %scan3A_222], %select_n3A_272 : memref<4x4096xf32, #tpu.memory_space<vmem>>[vector<16xi32>, vector<16xi32>], vector<16xf32>,
        %ge3A_273 = arith.cmpf oge, %gather3A_230, %min3A_267 : vector<16xf32>
        %select_n3A_274 = arith.select %ge3A_273, %gather3A_238, %broadcast_in_dim3A_53 : vector<16xi1>, vector<16xf32>
        tpu.vector_store_idx %arg9[%broadcast_in_dim3A_127, %scan3A_223], %select_n3A_274 : memref<4x4096xf32, #tpu.memory_space<vmem>>[vector<16xi32>, vector<16xi32>], vector<16xf32>,
        %ge3A_275 = arith.cmpf oge, %gather3A_231, %min3A_267 : vector<16xf32>
        %select_n3A_276 = arith.select %ge3A_275, %gather3A_239, %broadcast_in_dim3A_53 : vector<16xi1>, vector<16xf32>
        tpu.vector_store_idx %arg9[%broadcast_in_dim3A_127, %scan3A_224], %select_n3A_276 : memref<4x4096xf32, #tpu.memory_space<vmem>>[vector<16xi32>, vector<16xi32>], vector<16xf32>,
        %ge3A_277 = arith.cmpf oge, %gather3A_232, %min3A_267 : vector<16xf32>
        %select_n3A_278 = arith.select %ge3A_277, %gather3A_240, %broadcast_in_dim3A_53 : vector<16xi1>, vector<16xf32>
        tpu.vector_store_idx %arg9[%broadcast_in_dim3A_127, %scan3A_225], %select_n3A_278 : memref<4x4096xf32, #tpu.memory_space<vmem>>[vector<16xi32>, vector<16xi32>], vector<16xf32>,
        %ge3A_279 = arith.cmpf oge, %gather3A_233, %min3A_267 : vector<16xf32>
        %select_n3A_280 = arith.select %ge3A_279, %gather3A_241, %broadcast_in_dim3A_53 : vector<16xi1>, vector<16xf32>
        tpu.vector_store_idx %arg9[%broadcast_in_dim3A_127, %scan3A_226], %select_n3A_280 : memref<4x4096xf32, #tpu.memory_space<vmem>>[vector<16xi32>, vector<16xi32>], vector<16xf32>,
        %ge3A_281 = arith.cmpf oge, %gather3A_234, %min3A_267 : vector<16xf32>
        %select_n3A_282 = arith.select %ge3A_281, %gather3A_242, %broadcast_in_dim3A_53 : vector<16xi1>, vector<16xf32>
        tpu.vector_store_idx %arg9[%broadcast_in_dim3A_127, %scan3A_227], %select_n3A_282 : memref<4x4096xf32, #tpu.memory_space<vmem>>[vector<16xi32>, vector<16xi32>], vector<16xf32>,
        %add3A_283 = arith.addi %scan3A_220, %broadcast_in_dim3A_51 : vector<16xi32>
        %add3A_284 = arith.addi %scan3A_221, %broadcast_in_dim3A_51 : vector<16xi32>
        %add3A_285 = arith.addi %scan3A_222, %broadcast_in_dim3A_51 : vector<16xi32>
        %add3A_286 = arith.addi %scan3A_223, %broadcast_in_dim3A_51 : vector<16xi32>
        %add3A_287 = arith.addi %scan3A_224, %broadcast_in_dim3A_51 : vector<16xi32>
        %add3A_288 = arith.addi %scan3A_225, %broadcast_in_dim3A_51 : vector<16xi32>
        %add3A_289 = arith.addi %scan3A_226, %broadcast_in_dim3A_51 : vector<16xi32>
        %add3A_290 = arith.addi %scan3A_227, %broadcast_in_dim3A_51 : vector<16xi32>
        scf.yield %add3A_283, %add3A_284, %add3A_285, %add3A_286, %add3A_287, %add3A_288, %add3A_289, %add3A_290 : vector<16xi32>, vector<16xi32>, vector<16xi32>, vector<16xi32>, vector<16xi32>, vector<16xi32>, vector<16xi32>, vector<16xi32>
      }
      %scan3A_133 = arith.constant 32 : i32
      %broadcast_in_dim3A_134 = arith.constant 3 : i32
      %broadcast_in_dim3A_135 = vector.broadcast %broadcast_in_dim3A_134 : i32 to vector<16xi32>
      %scan3A_136 = arith.constant 0 : i32
      %scan3A_137 = arith.constant 32 : i32
      %scan3A_138 = arith.addi %scan3A_136, %scan3A_137 : i32
      %scan3A_139 = arith.constant 1 : i32
      %scan3A_140:8 = scf.for %scan3A_219 = %scan3A_136 to %scan3A_138 step %scan3A_139 iter_args(%scan3A_220 = %add3A_8, %scan3A_221 = %add3A_14, %scan3A_222 = %add3A_20, %scan3A_223 = %add3A_26, %scan3A_224 = %add3A_32, %scan3A_225 = %add3A_38, %scan3A_226 = %add3A_44, %scan3A_227 = %add3A_50) -> (vector<16xi32>, vector<16xi32>, vector<16xi32>, vector<16xi32>, vector<16xi32>, vector<16xi32>, vector<16xi32>, vector<16xi32>)  : i32 {
        %gather3A = tpu.vector_load_idx %arg5[%broadcast_in_dim3A_135, %scan3A_220] : memref<4x4096xf32, #tpu.memory_space<vmem>>[vector<16xi32>, vector<16xi32>], vector<16xf32>,
        %gather3A_228 = tpu.vector_load_idx %arg5[%broadcast_in_dim3A_135, %scan3A_221] : memref<4x4096xf32, #tpu.memory_space<vmem>>[vector<16xi32>, vector<16xi32>], vector<16xf32>,
        %gather3A_229 = tpu.vector_load_idx %arg5[%broadcast_in_dim3A_135, %scan3A_222] : memref<4x4096xf32, #tpu.memory_space<vmem>>[vector<16xi32>, vector<16xi32>], vector<16xf32>,
        %gather3A_230 = tpu.vector_load_idx %arg5[%broadcast_in_dim3A_135, %scan3A_223] : memref<4x4096xf32, #tpu.memory_space<vmem>>[vector<16xi32>, vector<16xi32>], vector<16xf32>,
        %gather3A_231 = tpu.vector_load_idx %arg5[%broadcast_in_dim3A_135, %scan3A_224] : memref<4x4096xf32, #tpu.memory_space<vmem>>[vector<16xi32>, vector<16xi32>], vector<16xf32>,
        %gather3A_232 = tpu.vector_load_idx %arg5[%broadcast_in_dim3A_135, %scan3A_225] : memref<4x4096xf32, #tpu.memory_space<vmem>>[vector<16xi32>, vector<16xi32>], vector<16xf32>,
        %gather3A_233 = tpu.vector_load_idx %arg5[%broadcast_in_dim3A_135, %scan3A_226] : memref<4x4096xf32, #tpu.memory_space<vmem>>[vector<16xi32>, vector<16xi32>], vector<16xf32>,
        %gather3A_234 = tpu.vector_load_idx %arg5[%broadcast_in_dim3A_135, %scan3A_227] : memref<4x4096xf32, #tpu.memory_space<vmem>>[vector<16xi32>, vector<16xi32>], vector<16xf32>,
        %gather3A_235 = tpu.vector_load_idx %arg7[%broadcast_in_dim3A_135, %scan3A_220] : memref<4x4096xf32, #tpu.memory_space<vmem>>[vector<16xi32>, vector<16xi32>], vector<16xf32>,
        %gather3A_236 = tpu.vector_load_idx %arg7[%broadcast_in_dim3A_135, %scan3A_221] : memref<4x4096xf32, #tpu.memory_space<vmem>>[vector<16xi32>, vector<16xi32>], vector<16xf32>,
        %gather3A_237 = tpu.vector_load_idx %arg7[%broadcast_in_dim3A_135, %scan3A_222] : memref<4x4096xf32, #tpu.memory_space<vmem>>[vector<16xi32>, vector<16xi32>], vector<16xf32>,
        %gather3A_238 = tpu.vector_load_idx %arg7[%broadcast_in_dim3A_135, %scan3A_223] : memref<4x4096xf32, #tpu.memory_space<vmem>>[vector<16xi32>, vector<16xi32>], vector<16xf32>,
        %gather3A_239 = tpu.vector_load_idx %arg7[%broadcast_in_dim3A_135, %scan3A_224] : memref<4x4096xf32, #tpu.memory_space<vmem>>[vector<16xi32>, vector<16xi32>], vector<16xf32>,
        %gather3A_240 = tpu.vector_load_idx %arg7[%broadcast_in_dim3A_135, %scan3A_225] : memref<4x4096xf32, #tpu.memory_space<vmem>>[vector<16xi32>, vector<16xi32>], vector<16xf32>,
        %gather3A_241 = tpu.vector_load_idx %arg7[%broadcast_in_dim3A_135, %scan3A_226] : memref<4x4096xf32, #tpu.memory_space<vmem>>[vector<16xi32>, vector<16xi32>], vector<16xf32>,
        %gather3A_242 = tpu.vector_load_idx %arg7[%broadcast_in_dim3A_135, %scan3A_227] : memref<4x4096xf32, #tpu.memory_space<vmem>>[vector<16xi32>, vector<16xi32>], vector<16xf32>,
        %min3A = arith.minimumf %gather3A, %gather3A_228 : vector<16xf32>
        %max3A = arith.maximumf %gather3A, %gather3A_228 : vector<16xf32>
        %min3A_243 = arith.minimumf %gather3A_229, %gather3A_230 : vector<16xf32>
        %max3A_244 = arith.maximumf %gather3A_229, %gather3A_230 : vector<16xf32>
        %min3A_245 = arith.minimumf %min3A, %min3A_243 : vector<16xf32>
        %max3A_246 = arith.maximumf %min3A, %min3A_243 : vector<16xf32>
        %min3A_247 = arith.minimumf %max3A, %max3A_244 : vector<16xf32>
        %max3A_248 = arith.maximumf %max3A, %max3A_244 : vector<16xf32>
        %min3A_249 = arith.minimumf %min3A_247, %max3A_246 : vector<16xf32>
        %max3A_250 = arith.maximumf %min3A_247, %max3A_246 : vector<16xf32>
        %min3A_251 = arith.minimumf %gather3A_231, %gather3A_232 : vector<16xf32>
        %max3A_252 = arith.maximumf %gather3A_231, %gather3A_232 : vector<16xf32>
        %min3A_253 = arith.minimumf %gather3A_233, %gather3A_234 : vector<16xf32>
        %max3A_254 = arith.maximumf %gather3A_233, %gather3A_234 : vector<16xf32>
        %min3A_255 = arith.minimumf %min3A_251, %min3A_253 : vector<16xf32>
        %max3A_256 = arith.maximumf %min3A_251, %min3A_253 : vector<16xf32>
        %min3A_257 = arith.minimumf %max3A_252, %max3A_254 : vector<16xf32>
        %max3A_258 = arith.maximumf %max3A_252, %max3A_254 : vector<16xf32>
        %min3A_259 = arith.minimumf %min3A_257, %max3A_256 : vector<16xf32>
        %max3A_260 = arith.maximumf %min3A_257, %max3A_256 : vector<16xf32>
        %max3A_261 = arith.maximumf %min3A_245, %max3A_258 : vector<16xf32>
        %max3A_262 = arith.maximumf %min3A_249, %max3A_260 : vector<16xf32>
        %max3A_263 = arith.maximumf %max3A_250, %min3A_259 : vector<16xf32>
        %max3A_264 = arith.maximumf %max3A_248, %min3A_255 : vector<16xf32>
        %min3A_265 = arith.minimumf %max3A_261, %max3A_262 : vector<16xf32>
        %min3A_266 = arith.minimumf %max3A_263, %max3A_264 : vector<16xf32>
        %min3A_267 = arith.minimumf %min3A_265, %min3A_266 : vector<16xf32>
        %ge3A_268 = arith.cmpf oge, %gather3A, %min3A_267 : vector<16xf32>
        %select_n3A = arith.select %ge3A_268, %gather3A_235, %broadcast_in_dim3A_53 : vector<16xi1>, vector<16xf32>
        tpu.vector_store_idx %arg9[%broadcast_in_dim3A_135, %scan3A_220], %select_n3A : memref<4x4096xf32, #tpu.memory_space<vmem>>[vector<16xi32>, vector<16xi32>], vector<16xf32>,
        %ge3A_269 = arith.cmpf oge, %gather3A_228, %min3A_267 : vector<16xf32>
        %select_n3A_270 = arith.select %ge3A_269, %gather3A_236, %broadcast_in_dim3A_53 : vector<16xi1>, vector<16xf32>
        tpu.vector_store_idx %arg9[%broadcast_in_dim3A_135, %scan3A_221], %select_n3A_270 : memref<4x4096xf32, #tpu.memory_space<vmem>>[vector<16xi32>, vector<16xi32>], vector<16xf32>,
        %ge3A_271 = arith.cmpf oge, %gather3A_229, %min3A_267 : vector<16xf32>
        %select_n3A_272 = arith.select %ge3A_271, %gather3A_237, %broadcast_in_dim3A_53 : vector<16xi1>, vector<16xf32>
        tpu.vector_store_idx %arg9[%broadcast_in_dim3A_135, %scan3A_222], %select_n3A_272 : memref<4x4096xf32, #tpu.memory_space<vmem>>[vector<16xi32>, vector<16xi32>], vector<16xf32>,
        %ge3A_273 = arith.cmpf oge, %gather3A_230, %min3A_267 : vector<16xf32>
        %select_n3A_274 = arith.select %ge3A_273, %gather3A_238, %broadcast_in_dim3A_53 : vector<16xi1>, vector<16xf32>
        tpu.vector_store_idx %arg9[%broadcast_in_dim3A_135, %scan3A_223], %select_n3A_274 : memref<4x4096xf32, #tpu.memory_space<vmem>>[vector<16xi32>, vector<16xi32>], vector<16xf32>,
        %ge3A_275 = arith.cmpf oge, %gather3A_231, %min3A_267 : vector<16xf32>
        %select_n3A_276 = arith.select %ge3A_275, %gather3A_239, %broadcast_in_dim3A_53 : vector<16xi1>, vector<16xf32>
        tpu.vector_store_idx %arg9[%broadcast_in_dim3A_135, %scan3A_224], %select_n3A_276 : memref<4x4096xf32, #tpu.memory_space<vmem>>[vector<16xi32>, vector<16xi32>], vector<16xf32>,
        %ge3A_277 = arith.cmpf oge, %gather3A_232, %min3A_267 : vector<16xf32>
        %select_n3A_278 = arith.select %ge3A_277, %gather3A_240, %broadcast_in_dim3A_53 : vector<16xi1>, vector<16xf32>
        tpu.vector_store_idx %arg9[%broadcast_in_dim3A_135, %scan3A_225], %select_n3A_278 : memref<4x4096xf32, #tpu.memory_space<vmem>>[vector<16xi32>, vector<16xi32>], vector<16xf32>,
        %ge3A_279 = arith.cmpf oge, %gather3A_233, %min3A_267 : vector<16xf32>
        %select_n3A_280 = arith.select %ge3A_279, %gather3A_241, %broadcast_in_dim3A_53 : vector<16xi1>, vector<16xf32>
        tpu.vector_store_idx %arg9[%broadcast_in_dim3A_135, %scan3A_226], %select_n3A_280 : memref<4x4096xf32, #tpu.memory_space<vmem>>[vector<16xi32>, vector<16xi32>], vector<16xf32>,
        %ge3A_281 = arith.cmpf oge, %gather3A_234, %min3A_267 : vector<16xf32>
        %select_n3A_282 = arith.select %ge3A_281, %gather3A_242, %broadcast_in_dim3A_53 : vector<16xi1>, vector<16xf32>
        tpu.vector_store_idx %arg9[%broadcast_in_dim3A_135, %scan3A_227], %select_n3A_282 : memref<4x4096xf32, #tpu.memory_space<vmem>>[vector<16xi32>, vector<16xi32>], vector<16xf32>,
        %add3A_283 = arith.addi %scan3A_220, %broadcast_in_dim3A_51 : vector<16xi32>
        %add3A_284 = arith.addi %scan3A_221, %broadcast_in_dim3A_51 : vector<16xi32>
        %add3A_285 = arith.addi %scan3A_222, %broadcast_in_dim3A_51 : vector<16xi32>
        %add3A_286 = arith.addi %scan3A_223, %broadcast_in_dim3A_51 : vector<16xi32>
        %add3A_287 = arith.addi %scan3A_224, %broadcast_in_dim3A_51 : vector<16xi32>
        %add3A_288 = arith.addi %scan3A_225, %broadcast_in_dim3A_51 : vector<16xi32>
        %add3A_289 = arith.addi %scan3A_226, %broadcast_in_dim3A_51 : vector<16xi32>
        %add3A_290 = arith.addi %scan3A_227, %broadcast_in_dim3A_51 : vector<16xi32>
        scf.yield %add3A_283, %add3A_284, %add3A_285, %add3A_286, %add3A_287, %add3A_288, %add3A_289, %add3A_290 : vector<16xi32>, vector<16xi32>, vector<16xi32>, vector<16xi32>, vector<16xi32>, vector<16xi32>, vector<16xi32>, vector<16xi32>
      }
      %scan3A_141 = arith.constant 32 : i32
      %dma_start3A_142 = arith.constant 0 : i32
      %dma_start3A_143 = tpu.memref_slice %arg4[%add3A_95, %dma_start3A_142] : memref<4096x4096xf32, #tpu.memory_space<hbm>> -> memref<4x4096xf32, #tpu.memory_space<hbm>>
      %dma_start3A_144 = arith.constant 0 : i32
      %dma_start3A_145 = tpu.memref_slice %arg4[%add3A_95, %dma_start3A_144] : memref<4096x4096xf32, #tpu.memory_space<hbm>> -> memref<4x4096xf32, #tpu.memory_space<hbm>>
      tpu.enqueue_dma source(%arg9 : memref<4x4096xf32, #tpu.memory_space<vmem>>) target(%dma_start3A_145 : memref<4x4096xf32, #tpu.memory_space<hbm>>) target_semaphore(%arg15 : memref<!tpu.dma_semaphore, #tpu.memory_space<semaphore_mem>>)
      %add3A_146 = arith.constant 2 : i32
      %add3A_147 = arith.addi %add3A_92, %add3A_146 : i32
      %lt3A = arith.constant 32 : i32
      %lt3A_148 = arith.cmpi slt, %add3A_147, %lt3A : i32
      %convert_element_type3A_149 = arith.extui %lt3A_148 : i1 to i32
      %cond3A_150 = arith.constant 0 : i32
      %cond3A_151 = arith.cmpi ne, %convert_element_type3A_149, %cond3A_150 : i32
      scf.if %cond3A_151 {
        %add3A_219 = arith.constant 2 : i32
        %add3A_220 = arith.addi %add3A_92, %add3A_219 : i32
        %mul3A_221 = arith.constant 4 : i32
        %mul3A_222 = arith.muli %add3A_220, %mul3A_221 : i32
        %add3A_223 = arith.addi %mul3A_2, %mul3A_222 : i32
        %dma_start3A_224 = arith.constant 0 : i32
        %dma_start3A_225 = tpu.memref_slice %arg3[%add3A_223, %dma_start3A_224] : memref<4096x4096xf32, #tpu.memory_space<hbm>> -> memref<4x4096xf32, #tpu.memory_space<hbm>>
        %dma_start3A_226 = arith.constant 0 : i32
        %dma_start3A_227 = tpu.memref_slice %arg3[%add3A_223, %dma_start3A_226] : memref<4096x4096xf32, #tpu.memory_space<hbm>> -> memref<4x4096xf32, #tpu.memory_space<hbm>>
        tpu.enqueue_dma source(%dma_start3A_227 : memref<4x4096xf32, #tpu.memory_space<hbm>>) target(%arg5 : memref<4x4096xf32, #tpu.memory_space<vmem>>) target_semaphore(%arg11 : memref<!tpu.dma_semaphore, #tpu.memory_space<semaphore_mem>>)
        %dma_start3A_228 = arith.constant 0 : i32
        %dma_start3A_229 = tpu.memref_slice %arg2[%add3A_223, %dma_start3A_228] : memref<4096x4096xf32, #tpu.memory_space<hbm>> -> memref<4x4096xf32, #tpu.memory_space<hbm>>
        %dma_start3A_230 = arith.constant 0 : i32
        %dma_start3A_231 = tpu.memref_slice %arg2[%add3A_223, %dma_start3A_230] : memref<4096x4096xf32, #tpu.memory_space<hbm>> -> memref<4x4096xf32, #tpu.memory_space<hbm>>
        tpu.enqueue_dma source(%dma_start3A_231 : memref<4x4096xf32, #tpu.memory_space<hbm>>) target(%arg7 : memref<4x4096xf32, #tpu.memory_space<vmem>>) target_semaphore(%arg13 : memref<!tpu.dma_semaphore, #tpu.memory_space<semaphore_mem>>)
      } else {
      }
      %mul3A_152 = arith.constant 2 : i32
      %mul3A_153 = arith.muli %scan3A_88, %mul3A_152 : i32
      %add3A_154 = arith.constant 1 : i32
      %add3A_155 = arith.addi %mul3A_153, %add3A_154 : i32
      %mul3A_156 = arith.constant 4 : i32
      %mul3A_157 = arith.muli %add3A_155, %mul3A_156 : i32
      %add3A_158 = arith.addi %mul3A_2, %mul3A_157 : i32
      %dma_wait3A_159 = arith.constant 0 : i32
      %dma_wait3A_160 = arith.constant 0 : i32
      %dma_wait3A_161 = tpu.memref_slice %arg3[%dma_wait3A_159, %dma_wait3A_160] : memref<4096x4096xf32, #tpu.memory_space<hbm>> -> memref<4x4096xf32, #tpu.memory_space<hbm>>
      %dma_wait3A_162 = arith.constant 0 : i32
      %dma_wait3A_163 = arith.constant 0 : i32
      %dma_wait3A_164 = tpu.memref_slice %arg3[%dma_wait3A_162, %dma_wait3A_163] : memref<4096x4096xf32, #tpu.memory_space<hbm>> -> memref<4x4096xf32, #tpu.memory_space<hbm>>
      tpu.wait_dma2 semaphore(%arg12 : memref<!tpu.dma_semaphore, #tpu.memory_space<semaphore_mem>>) src(%dma_wait3A_164 : memref<4x4096xf32, #tpu.memory_space<hbm>>) dst(%arg6 : memref<4x4096xf32, #tpu.memory_space<vmem>>)
      %dma_wait3A_165 = arith.constant 0 : i32
      %dma_wait3A_166 = arith.constant 0 : i32
      %dma_wait3A_167 = tpu.memref_slice %arg2[%dma_wait3A_165, %dma_wait3A_166] : memref<4096x4096xf32, #tpu.memory_space<hbm>> -> memref<4x4096xf32, #tpu.memory_space<hbm>>
      %dma_wait3A_168 = arith.constant 0 : i32
      %dma_wait3A_169 = arith.constant 0 : i32
      %dma_wait3A_170 = tpu.memref_slice %arg2[%dma_wait3A_168, %dma_wait3A_169] : memref<4096x4096xf32, #tpu.memory_space<hbm>> -> memref<4x4096xf32, #tpu.memory_space<hbm>>
      tpu.wait_dma2 semaphore(%arg14 : memref<!tpu.dma_semaphore, #tpu.memory_space<semaphore_mem>>) src(%dma_wait3A_170 : memref<4x4096xf32, #tpu.memory_space<hbm>>) dst(%arg8 : memref<4x4096xf32, #tpu.memory_space<vmem>>)
      %ge3A_171 = arith.constant 2 : i32
      %ge3A_172 = arith.cmpi sge, %add3A_155, %ge3A_171 : i32
      %convert_element_type3A_173 = arith.extui %ge3A_172 : i1 to i32
      %cond3A_174 = arith.constant 0 : i32
      %cond3A_175 = arith.cmpi ne, %convert_element_type3A_173, %cond3A_174 : i32
      scf.if %cond3A_175 {
        %dma_wait3A_219 = arith.constant 0 : i32
        %dma_wait3A_220 = arith.constant 0 : i32
        %dma_wait3A_221 = tpu.memref_slice %arg4[%dma_wait3A_219, %dma_wait3A_220] : memref<4096x4096xf32, #tpu.memory_space<hbm>> -> memref<4x4096xf32, #tpu.memory_space<hbm>>
        %dma_wait3A_222 = arith.constant 0 : i32
        %dma_wait3A_223 = arith.constant 0 : i32
        %dma_wait3A_224 = tpu.memref_slice %arg4[%dma_wait3A_222, %dma_wait3A_223] : memref<4096x4096xf32, #tpu.memory_space<hbm>> -> memref<4x4096xf32, #tpu.memory_space<hbm>>
        tpu.wait_dma2 semaphore(%arg16 : memref<!tpu.dma_semaphore, #tpu.memory_space<semaphore_mem>>) src(%arg10 : memref<4x4096xf32, #tpu.memory_space<vmem>>) dst(%dma_wait3A_224 : memref<4x4096xf32, #tpu.memory_space<hbm>>)
      } else {
      }
      %broadcast_in_dim3A_176 = arith.constant 0 : i32
      %broadcast_in_dim3A_177 = vector.broadcast %broadcast_in_dim3A_176 : i32 to vector<16xi32>
      %scan3A_178 = arith.constant 0 : i32
      %scan3A_179 = arith.constant 32 : i32
      %scan3A_180 = arith.addi %scan3A_178, %scan3A_179 : i32
      %scan3A_181 = arith.constant 1 : i32
      %scan3A_182:8 = scf.for %scan3A_219 = %scan3A_178 to %scan3A_180 step %scan3A_181 iter_args(%scan3A_220 = %add3A_8, %scan3A_221 = %add3A_14, %scan3A_222 = %add3A_20, %scan3A_223 = %add3A_26, %scan3A_224 = %add3A_32, %scan3A_225 = %add3A_38, %scan3A_226 = %add3A_44, %scan3A_227 = %add3A_50) -> (vector<16xi32>, vector<16xi32>, vector<16xi32>, vector<16xi32>, vector<16xi32>, vector<16xi32>, vector<16xi32>, vector<16xi32>)  : i32 {
        %gather3A = tpu.vector_load_idx %arg6[%broadcast_in_dim3A_177, %scan3A_220] : memref<4x4096xf32, #tpu.memory_space<vmem>>[vector<16xi32>, vector<16xi32>], vector<16xf32>,
        %gather3A_228 = tpu.vector_load_idx %arg6[%broadcast_in_dim3A_177, %scan3A_221] : memref<4x4096xf32, #tpu.memory_space<vmem>>[vector<16xi32>, vector<16xi32>], vector<16xf32>,
        %gather3A_229 = tpu.vector_load_idx %arg6[%broadcast_in_dim3A_177, %scan3A_222] : memref<4x4096xf32, #tpu.memory_space<vmem>>[vector<16xi32>, vector<16xi32>], vector<16xf32>,
        %gather3A_230 = tpu.vector_load_idx %arg6[%broadcast_in_dim3A_177, %scan3A_223] : memref<4x4096xf32, #tpu.memory_space<vmem>>[vector<16xi32>, vector<16xi32>], vector<16xf32>,
        %gather3A_231 = tpu.vector_load_idx %arg6[%broadcast_in_dim3A_177, %scan3A_224] : memref<4x4096xf32, #tpu.memory_space<vmem>>[vector<16xi32>, vector<16xi32>], vector<16xf32>,
        %gather3A_232 = tpu.vector_load_idx %arg6[%broadcast_in_dim3A_177, %scan3A_225] : memref<4x4096xf32, #tpu.memory_space<vmem>>[vector<16xi32>, vector<16xi32>], vector<16xf32>,
        %gather3A_233 = tpu.vector_load_idx %arg6[%broadcast_in_dim3A_177, %scan3A_226] : memref<4x4096xf32, #tpu.memory_space<vmem>>[vector<16xi32>, vector<16xi32>], vector<16xf32>,
        %gather3A_234 = tpu.vector_load_idx %arg6[%broadcast_in_dim3A_177, %scan3A_227] : memref<4x4096xf32, #tpu.memory_space<vmem>>[vector<16xi32>, vector<16xi32>], vector<16xf32>,
        %gather3A_235 = tpu.vector_load_idx %arg8[%broadcast_in_dim3A_177, %scan3A_220] : memref<4x4096xf32, #tpu.memory_space<vmem>>[vector<16xi32>, vector<16xi32>], vector<16xf32>,
        %gather3A_236 = tpu.vector_load_idx %arg8[%broadcast_in_dim3A_177, %scan3A_221] : memref<4x4096xf32, #tpu.memory_space<vmem>>[vector<16xi32>, vector<16xi32>], vector<16xf32>,
        %gather3A_237 = tpu.vector_load_idx %arg8[%broadcast_in_dim3A_177, %scan3A_222] : memref<4x4096xf32, #tpu.memory_space<vmem>>[vector<16xi32>, vector<16xi32>], vector<16xf32>,
        %gather3A_238 = tpu.vector_load_idx %arg8[%broadcast_in_dim3A_177, %scan3A_223] : memref<4x4096xf32, #tpu.memory_space<vmem>>[vector<16xi32>, vector<16xi32>], vector<16xf32>,
        %gather3A_239 = tpu.vector_load_idx %arg8[%broadcast_in_dim3A_177, %scan3A_224] : memref<4x4096xf32, #tpu.memory_space<vmem>>[vector<16xi32>, vector<16xi32>], vector<16xf32>,
        %gather3A_240 = tpu.vector_load_idx %arg8[%broadcast_in_dim3A_177, %scan3A_225] : memref<4x4096xf32, #tpu.memory_space<vmem>>[vector<16xi32>, vector<16xi32>], vector<16xf32>,
        %gather3A_241 = tpu.vector_load_idx %arg8[%broadcast_in_dim3A_177, %scan3A_226] : memref<4x4096xf32, #tpu.memory_space<vmem>>[vector<16xi32>, vector<16xi32>], vector<16xf32>,
        %gather3A_242 = tpu.vector_load_idx %arg8[%broadcast_in_dim3A_177, %scan3A_227] : memref<4x4096xf32, #tpu.memory_space<vmem>>[vector<16xi32>, vector<16xi32>], vector<16xf32>,
        %min3A = arith.minimumf %gather3A, %gather3A_228 : vector<16xf32>
        %max3A = arith.maximumf %gather3A, %gather3A_228 : vector<16xf32>
        %min3A_243 = arith.minimumf %gather3A_229, %gather3A_230 : vector<16xf32>
        %max3A_244 = arith.maximumf %gather3A_229, %gather3A_230 : vector<16xf32>
        %min3A_245 = arith.minimumf %min3A, %min3A_243 : vector<16xf32>
        %max3A_246 = arith.maximumf %min3A, %min3A_243 : vector<16xf32>
        %min3A_247 = arith.minimumf %max3A, %max3A_244 : vector<16xf32>
        %max3A_248 = arith.maximumf %max3A, %max3A_244 : vector<16xf32>
        %min3A_249 = arith.minimumf %min3A_247, %max3A_246 : vector<16xf32>
        %max3A_250 = arith.maximumf %min3A_247, %max3A_246 : vector<16xf32>
        %min3A_251 = arith.minimumf %gather3A_231, %gather3A_232 : vector<16xf32>
        %max3A_252 = arith.maximumf %gather3A_231, %gather3A_232 : vector<16xf32>
        %min3A_253 = arith.minimumf %gather3A_233, %gather3A_234 : vector<16xf32>
        %max3A_254 = arith.maximumf %gather3A_233, %gather3A_234 : vector<16xf32>
        %min3A_255 = arith.minimumf %min3A_251, %min3A_253 : vector<16xf32>
        %max3A_256 = arith.maximumf %min3A_251, %min3A_253 : vector<16xf32>
        %min3A_257 = arith.minimumf %max3A_252, %max3A_254 : vector<16xf32>
        %max3A_258 = arith.maximumf %max3A_252, %max3A_254 : vector<16xf32>
        %min3A_259 = arith.minimumf %min3A_257, %max3A_256 : vector<16xf32>
        %max3A_260 = arith.maximumf %min3A_257, %max3A_256 : vector<16xf32>
        %max3A_261 = arith.maximumf %min3A_245, %max3A_258 : vector<16xf32>
        %max3A_262 = arith.maximumf %min3A_249, %max3A_260 : vector<16xf32>
        %max3A_263 = arith.maximumf %max3A_250, %min3A_259 : vector<16xf32>
        %max3A_264 = arith.maximumf %max3A_248, %min3A_255 : vector<16xf32>
        %min3A_265 = arith.minimumf %max3A_261, %max3A_262 : vector<16xf32>
        %min3A_266 = arith.minimumf %max3A_263, %max3A_264 : vector<16xf32>
        %min3A_267 = arith.minimumf %min3A_265, %min3A_266 : vector<16xf32>
        %ge3A_268 = arith.cmpf oge, %gather3A, %min3A_267 : vector<16xf32>
        %select_n3A = arith.select %ge3A_268, %gather3A_235, %broadcast_in_dim3A_53 : vector<16xi1>, vector<16xf32>
        tpu.vector_store_idx %arg10[%broadcast_in_dim3A_177, %scan3A_220], %select_n3A : memref<4x4096xf32, #tpu.memory_space<vmem>>[vector<16xi32>, vector<16xi32>], vector<16xf32>,
        %ge3A_269 = arith.cmpf oge, %gather3A_228, %min3A_267 : vector<16xf32>
        %select_n3A_270 = arith.select %ge3A_269, %gather3A_236, %broadcast_in_dim3A_53 : vector<16xi1>, vector<16xf32>
        tpu.vector_store_idx %arg10[%broadcast_in_dim3A_177, %scan3A_221], %select_n3A_270 : memref<4x4096xf32, #tpu.memory_space<vmem>>[vector<16xi32>, vector<16xi32>], vector<16xf32>,
        %ge3A_271 = arith.cmpf oge, %gather3A_229, %min3A_267 : vector<16xf32>
        %select_n3A_272 = arith.select %ge3A_271, %gather3A_237, %broadcast_in_dim3A_53 : vector<16xi1>, vector<16xf32>
        tpu.vector_store_idx %arg10[%broadcast_in_dim3A_177, %scan3A_222], %select_n3A_272 : memref<4x4096xf32, #tpu.memory_space<vmem>>[vector<16xi32>, vector<16xi32>], vector<16xf32>,
        %ge3A_273 = arith.cmpf oge, %gather3A_230, %min3A_267 : vector<16xf32>
        %select_n3A_274 = arith.select %ge3A_273, %gather3A_238, %broadcast_in_dim3A_53 : vector<16xi1>, vector<16xf32>
        tpu.vector_store_idx %arg10[%broadcast_in_dim3A_177, %scan3A_223], %select_n3A_274 : memref<4x4096xf32, #tpu.memory_space<vmem>>[vector<16xi32>, vector<16xi32>], vector<16xf32>,
        %ge3A_275 = arith.cmpf oge, %gather3A_231, %min3A_267 : vector<16xf32>
        %select_n3A_276 = arith.select %ge3A_275, %gather3A_239, %broadcast_in_dim3A_53 : vector<16xi1>, vector<16xf32>
        tpu.vector_store_idx %arg10[%broadcast_in_dim3A_177, %scan3A_224], %select_n3A_276 : memref<4x4096xf32, #tpu.memory_space<vmem>>[vector<16xi32>, vector<16xi32>], vector<16xf32>,
        %ge3A_277 = arith.cmpf oge, %gather3A_232, %min3A_267 : vector<16xf32>
        %select_n3A_278 = arith.select %ge3A_277, %gather3A_240, %broadcast_in_dim3A_53 : vector<16xi1>, vector<16xf32>
        tpu.vector_store_idx %arg10[%broadcast_in_dim3A_177, %scan3A_225], %select_n3A_278 : memref<4x4096xf32, #tpu.memory_space<vmem>>[vector<16xi32>, vector<16xi32>], vector<16xf32>,
        %ge3A_279 = arith.cmpf oge, %gather3A_233, %min3A_267 : vector<16xf32>
        %select_n3A_280 = arith.select %ge3A_279, %gather3A_241, %broadcast_in_dim3A_53 : vector<16xi1>, vector<16xf32>
        tpu.vector_store_idx %arg10[%broadcast_in_dim3A_177, %scan3A_226], %select_n3A_280 : memref<4x4096xf32, #tpu.memory_space<vmem>>[vector<16xi32>, vector<16xi32>], vector<16xf32>,
        %ge3A_281 = arith.cmpf oge, %gather3A_234, %min3A_267 : vector<16xf32>
        %select_n3A_282 = arith.select %ge3A_281, %gather3A_242, %broadcast_in_dim3A_53 : vector<16xi1>, vector<16xf32>
        tpu.vector_store_idx %arg10[%broadcast_in_dim3A_177, %scan3A_227], %select_n3A_282 : memref<4x4096xf32, #tpu.memory_space<vmem>>[vector<16xi32>, vector<16xi32>], vector<16xf32>,
        %add3A_283 = arith.addi %scan3A_220, %broadcast_in_dim3A_51 : vector<16xi32>
        %add3A_284 = arith.addi %scan3A_221, %broadcast_in_dim3A_51 : vector<16xi32>
        %add3A_285 = arith.addi %scan3A_222, %broadcast_in_dim3A_51 : vector<16xi32>
        %add3A_286 = arith.addi %scan3A_223, %broadcast_in_dim3A_51 : vector<16xi32>
        %add3A_287 = arith.addi %scan3A_224, %broadcast_in_dim3A_51 : vector<16xi32>
        %add3A_288 = arith.addi %scan3A_225, %broadcast_in_dim3A_51 : vector<16xi32>
        %add3A_289 = arith.addi %scan3A_226, %broadcast_in_dim3A_51 : vector<16xi32>
        %add3A_290 = arith.addi %scan3A_227, %broadcast_in_dim3A_51 : vector<16xi32>
        scf.yield %add3A_283, %add3A_284, %add3A_285, %add3A_286, %add3A_287, %add3A_288, %add3A_289, %add3A_290 : vector<16xi32>, vector<16xi32>, vector<16xi32>, vector<16xi32>, vector<16xi32>, vector<16xi32>, vector<16xi32>, vector<16xi32>
      }
      %scan3A_183 = arith.constant 32 : i32
      %broadcast_in_dim3A_184 = arith.constant 1 : i32
      %broadcast_in_dim3A_185 = vector.broadcast %broadcast_in_dim3A_184 : i32 to vector<16xi32>
      %scan3A_186 = arith.constant 0 : i32
      %scan3A_187 = arith.constant 32 : i32
      %scan3A_188 = arith.addi %scan3A_186, %scan3A_187 : i32
      %scan3A_189 = arith.constant 1 : i32
      %scan3A_190:8 = scf.for %scan3A_219 = %scan3A_186 to %scan3A_188 step %scan3A_189 iter_args(%scan3A_220 = %add3A_8, %scan3A_221 = %add3A_14, %scan3A_222 = %add3A_20, %scan3A_223 = %add3A_26, %scan3A_224 = %add3A_32, %scan3A_225 = %add3A_38, %scan3A_226 = %add3A_44, %scan3A_227 = %add3A_50) -> (vector<16xi32>, vector<16xi32>, vector<16xi32>, vector<16xi32>, vector<16xi32>, vector<16xi32>, vector<16xi32>, vector<16xi32>)  : i32 {
        %gather3A = tpu.vector_load_idx %arg6[%broadcast_in_dim3A_185, %scan3A_220] : memref<4x4096xf32, #tpu.memory_space<vmem>>[vector<16xi32>, vector<16xi32>], vector<16xf32>,
        %gather3A_228 = tpu.vector_load_idx %arg6[%broadcast_in_dim3A_185, %scan3A_221] : memref<4x4096xf32, #tpu.memory_space<vmem>>[vector<16xi32>, vector<16xi32>], vector<16xf32>,
        %gather3A_229 = tpu.vector_load_idx %arg6[%broadcast_in_dim3A_185, %scan3A_222] : memref<4x4096xf32, #tpu.memory_space<vmem>>[vector<16xi32>, vector<16xi32>], vector<16xf32>,
        %gather3A_230 = tpu.vector_load_idx %arg6[%broadcast_in_dim3A_185, %scan3A_223] : memref<4x4096xf32, #tpu.memory_space<vmem>>[vector<16xi32>, vector<16xi32>], vector<16xf32>,
        %gather3A_231 = tpu.vector_load_idx %arg6[%broadcast_in_dim3A_185, %scan3A_224] : memref<4x4096xf32, #tpu.memory_space<vmem>>[vector<16xi32>, vector<16xi32>], vector<16xf32>,
        %gather3A_232 = tpu.vector_load_idx %arg6[%broadcast_in_dim3A_185, %scan3A_225] : memref<4x4096xf32, #tpu.memory_space<vmem>>[vector<16xi32>, vector<16xi32>], vector<16xf32>,
        %gather3A_233 = tpu.vector_load_idx %arg6[%broadcast_in_dim3A_185, %scan3A_226] : memref<4x4096xf32, #tpu.memory_space<vmem>>[vector<16xi32>, vector<16xi32>], vector<16xf32>,
        %gather3A_234 = tpu.vector_load_idx %arg6[%broadcast_in_dim3A_185, %scan3A_227] : memref<4x4096xf32, #tpu.memory_space<vmem>>[vector<16xi32>, vector<16xi32>], vector<16xf32>,
        %gather3A_235 = tpu.vector_load_idx %arg8[%broadcast_in_dim3A_185, %scan3A_220] : memref<4x4096xf32, #tpu.memory_space<vmem>>[vector<16xi32>, vector<16xi32>], vector<16xf32>,
        %gather3A_236 = tpu.vector_load_idx %arg8[%broadcast_in_dim3A_185, %scan3A_221] : memref<4x4096xf32, #tpu.memory_space<vmem>>[vector<16xi32>, vector<16xi32>], vector<16xf32>,
        %gather3A_237 = tpu.vector_load_idx %arg8[%broadcast_in_dim3A_185, %scan3A_222] : memref<4x4096xf32, #tpu.memory_space<vmem>>[vector<16xi32>, vector<16xi32>], vector<16xf32>,
        %gather3A_238 = tpu.vector_load_idx %arg8[%broadcast_in_dim3A_185, %scan3A_223] : memref<4x4096xf32, #tpu.memory_space<vmem>>[vector<16xi32>, vector<16xi32>], vector<16xf32>,
        %gather3A_239 = tpu.vector_load_idx %arg8[%broadcast_in_dim3A_185, %scan3A_224] : memref<4x4096xf32, #tpu.memory_space<vmem>>[vector<16xi32>, vector<16xi32>], vector<16xf32>,
        %gather3A_240 = tpu.vector_load_idx %arg8[%broadcast_in_dim3A_185, %scan3A_225] : memref<4x4096xf32, #tpu.memory_space<vmem>>[vector<16xi32>, vector<16xi32>], vector<16xf32>,
        %gather3A_241 = tpu.vector_load_idx %arg8[%broadcast_in_dim3A_185, %scan3A_226] : memref<4x4096xf32, #tpu.memory_space<vmem>>[vector<16xi32>, vector<16xi32>], vector<16xf32>,
        %gather3A_242 = tpu.vector_load_idx %arg8[%broadcast_in_dim3A_185, %scan3A_227] : memref<4x4096xf32, #tpu.memory_space<vmem>>[vector<16xi32>, vector<16xi32>], vector<16xf32>,
        %min3A = arith.minimumf %gather3A, %gather3A_228 : vector<16xf32>
        %max3A = arith.maximumf %gather3A, %gather3A_228 : vector<16xf32>
        %min3A_243 = arith.minimumf %gather3A_229, %gather3A_230 : vector<16xf32>
        %max3A_244 = arith.maximumf %gather3A_229, %gather3A_230 : vector<16xf32>
        %min3A_245 = arith.minimumf %min3A, %min3A_243 : vector<16xf32>
        %max3A_246 = arith.maximumf %min3A, %min3A_243 : vector<16xf32>
        %min3A_247 = arith.minimumf %max3A, %max3A_244 : vector<16xf32>
        %max3A_248 = arith.maximumf %max3A, %max3A_244 : vector<16xf32>
        %min3A_249 = arith.minimumf %min3A_247, %max3A_246 : vector<16xf32>
        %max3A_250 = arith.maximumf %min3A_247, %max3A_246 : vector<16xf32>
        %min3A_251 = arith.minimumf %gather3A_231, %gather3A_232 : vector<16xf32>
        %max3A_252 = arith.maximumf %gather3A_231, %gather3A_232 : vector<16xf32>
        %min3A_253 = arith.minimumf %gather3A_233, %gather3A_234 : vector<16xf32>
        %max3A_254 = arith.maximumf %gather3A_233, %gather3A_234 : vector<16xf32>
        %min3A_255 = arith.minimumf %min3A_251, %min3A_253 : vector<16xf32>
        %max3A_256 = arith.maximumf %min3A_251, %min3A_253 : vector<16xf32>
        %min3A_257 = arith.minimumf %max3A_252, %max3A_254 : vector<16xf32>
        %max3A_258 = arith.maximumf %max3A_252, %max3A_254 : vector<16xf32>
        %min3A_259 = arith.minimumf %min3A_257, %max3A_256 : vector<16xf32>
        %max3A_260 = arith.maximumf %min3A_257, %max3A_256 : vector<16xf32>
        %max3A_261 = arith.maximumf %min3A_245, %max3A_258 : vector<16xf32>
        %max3A_262 = arith.maximumf %min3A_249, %max3A_260 : vector<16xf32>
        %max3A_263 = arith.maximumf %max3A_250, %min3A_259 : vector<16xf32>
        %max3A_264 = arith.maximumf %max3A_248, %min3A_255 : vector<16xf32>
        %min3A_265 = arith.minimumf %max3A_261, %max3A_262 : vector<16xf32>
        %min3A_266 = arith.minimumf %max3A_263, %max3A_264 : vector<16xf32>
        %min3A_267 = arith.minimumf %min3A_265, %min3A_266 : vector<16xf32>
        %ge3A_268 = arith.cmpf oge, %gather3A, %min3A_267 : vector<16xf32>
        %select_n3A = arith.select %ge3A_268, %gather3A_235, %broadcast_in_dim3A_53 : vector<16xi1>, vector<16xf32>
        tpu.vector_store_idx %arg10[%broadcast_in_dim3A_185, %scan3A_220], %select_n3A : memref<4x4096xf32, #tpu.memory_space<vmem>>[vector<16xi32>, vector<16xi32>], vector<16xf32>,
        %ge3A_269 = arith.cmpf oge, %gather3A_228, %min3A_267 : vector<16xf32>
        %select_n3A_270 = arith.select %ge3A_269, %gather3A_236, %broadcast_in_dim3A_53 : vector<16xi1>, vector<16xf32>
        tpu.vector_store_idx %arg10[%broadcast_in_dim3A_185, %scan3A_221], %select_n3A_270 : memref<4x4096xf32, #tpu.memory_space<vmem>>[vector<16xi32>, vector<16xi32>], vector<16xf32>,
        %ge3A_271 = arith.cmpf oge, %gather3A_229, %min3A_267 : vector<16xf32>
        %select_n3A_272 = arith.select %ge3A_271, %gather3A_237, %broadcast_in_dim3A_53 : vector<16xi1>, vector<16xf32>
        tpu.vector_store_idx %arg10[%broadcast_in_dim3A_185, %scan3A_222], %select_n3A_272 : memref<4x4096xf32, #tpu.memory_space<vmem>>[vector<16xi32>, vector<16xi32>], vector<16xf32>,
        %ge3A_273 = arith.cmpf oge, %gather3A_230, %min3A_267 : vector<16xf32>
        %select_n3A_274 = arith.select %ge3A_273, %gather3A_238, %broadcast_in_dim3A_53 : vector<16xi1>, vector<16xf32>
        tpu.vector_store_idx %arg10[%broadcast_in_dim3A_185, %scan3A_223], %select_n3A_274 : memref<4x4096xf32, #tpu.memory_space<vmem>>[vector<16xi32>, vector<16xi32>], vector<16xf32>,
        %ge3A_275 = arith.cmpf oge, %gather3A_231, %min3A_267 : vector<16xf32>
        %select_n3A_276 = arith.select %ge3A_275, %gather3A_239, %broadcast_in_dim3A_53 : vector<16xi1>, vector<16xf32>
        tpu.vector_store_idx %arg10[%broadcast_in_dim3A_185, %scan3A_224], %select_n3A_276 : memref<4x4096xf32, #tpu.memory_space<vmem>>[vector<16xi32>, vector<16xi32>], vector<16xf32>,
        %ge3A_277 = arith.cmpf oge, %gather3A_232, %min3A_267 : vector<16xf32>
        %select_n3A_278 = arith.select %ge3A_277, %gather3A_240, %broadcast_in_dim3A_53 : vector<16xi1>, vector<16xf32>
        tpu.vector_store_idx %arg10[%broadcast_in_dim3A_185, %scan3A_225], %select_n3A_278 : memref<4x4096xf32, #tpu.memory_space<vmem>>[vector<16xi32>, vector<16xi32>], vector<16xf32>,
        %ge3A_279 = arith.cmpf oge, %gather3A_233, %min3A_267 : vector<16xf32>
        %select_n3A_280 = arith.select %ge3A_279, %gather3A_241, %broadcast_in_dim3A_53 : vector<16xi1>, vector<16xf32>
        tpu.vector_store_idx %arg10[%broadcast_in_dim3A_185, %scan3A_226], %select_n3A_280 : memref<4x4096xf32, #tpu.memory_space<vmem>>[vector<16xi32>, vector<16xi32>], vector<16xf32>,
        %ge3A_281 = arith.cmpf oge, %gather3A_234, %min3A_267 : vector<16xf32>
        %select_n3A_282 = arith.select %ge3A_281, %gather3A_242, %broadcast_in_dim3A_53 : vector<16xi1>, vector<16xf32>
        tpu.vector_store_idx %arg10[%broadcast_in_dim3A_185, %scan3A_227], %select_n3A_282 : memref<4x4096xf32, #tpu.memory_space<vmem>>[vector<16xi32>, vector<16xi32>], vector<16xf32>,
        %add3A_283 = arith.addi %scan3A_220, %broadcast_in_dim3A_51 : vector<16xi32>
        %add3A_284 = arith.addi %scan3A_221, %broadcast_in_dim3A_51 : vector<16xi32>
        %add3A_285 = arith.addi %scan3A_222, %broadcast_in_dim3A_51 : vector<16xi32>
        %add3A_286 = arith.addi %scan3A_223, %broadcast_in_dim3A_51 : vector<16xi32>
        %add3A_287 = arith.addi %scan3A_224, %broadcast_in_dim3A_51 : vector<16xi32>
        %add3A_288 = arith.addi %scan3A_225, %broadcast_in_dim3A_51 : vector<16xi32>
        %add3A_289 = arith.addi %scan3A_226, %broadcast_in_dim3A_51 : vector<16xi32>
        %add3A_290 = arith.addi %scan3A_227, %broadcast_in_dim3A_51 : vector<16xi32>
        scf.yield %add3A_283, %add3A_284, %add3A_285, %add3A_286, %add3A_287, %add3A_288, %add3A_289, %add3A_290 : vector<16xi32>, vector<16xi32>, vector<16xi32>, vector<16xi32>, vector<16xi32>, vector<16xi32>, vector<16xi32>, vector<16xi32>
      }
      %scan3A_191 = arith.constant 32 : i32
      %broadcast_in_dim3A_192 = arith.constant 2 : i32
      %broadcast_in_dim3A_193 = vector.broadcast %broadcast_in_dim3A_192 : i32 to vector<16xi32>
      %scan3A_194 = arith.constant 0 : i32
      %scan3A_195 = arith.constant 32 : i32
      %scan3A_196 = arith.addi %scan3A_194, %scan3A_195 : i32
      %scan3A_197 = arith.constant 1 : i32
      %scan3A_198:8 = scf.for %scan3A_219 = %scan3A_194 to %scan3A_196 step %scan3A_197 iter_args(%scan3A_220 = %add3A_8, %scan3A_221 = %add3A_14, %scan3A_222 = %add3A_20, %scan3A_223 = %add3A_26, %scan3A_224 = %add3A_32, %scan3A_225 = %add3A_38, %scan3A_226 = %add3A_44, %scan3A_227 = %add3A_50) -> (vector<16xi32>, vector<16xi32>, vector<16xi32>, vector<16xi32>, vector<16xi32>, vector<16xi32>, vector<16xi32>, vector<16xi32>)  : i32 {
        %gather3A = tpu.vector_load_idx %arg6[%broadcast_in_dim3A_193, %scan3A_220] : memref<4x4096xf32, #tpu.memory_space<vmem>>[vector<16xi32>, vector<16xi32>], vector<16xf32>,
        %gather3A_228 = tpu.vector_load_idx %arg6[%broadcast_in_dim3A_193, %scan3A_221] : memref<4x4096xf32, #tpu.memory_space<vmem>>[vector<16xi32>, vector<16xi32>], vector<16xf32>,
        %gather3A_229 = tpu.vector_load_idx %arg6[%broadcast_in_dim3A_193, %scan3A_222] : memref<4x4096xf32, #tpu.memory_space<vmem>>[vector<16xi32>, vector<16xi32>], vector<16xf32>,
        %gather3A_230 = tpu.vector_load_idx %arg6[%broadcast_in_dim3A_193, %scan3A_223] : memref<4x4096xf32, #tpu.memory_space<vmem>>[vector<16xi32>, vector<16xi32>], vector<16xf32>,
        %gather3A_231 = tpu.vector_load_idx %arg6[%broadcast_in_dim3A_193, %scan3A_224] : memref<4x4096xf32, #tpu.memory_space<vmem>>[vector<16xi32>, vector<16xi32>], vector<16xf32>,
        %gather3A_232 = tpu.vector_load_idx %arg6[%broadcast_in_dim3A_193, %scan3A_225] : memref<4x4096xf32, #tpu.memory_space<vmem>>[vector<16xi32>, vector<16xi32>], vector<16xf32>,
        %gather3A_233 = tpu.vector_load_idx %arg6[%broadcast_in_dim3A_193, %scan3A_226] : memref<4x4096xf32, #tpu.memory_space<vmem>>[vector<16xi32>, vector<16xi32>], vector<16xf32>,
        %gather3A_234 = tpu.vector_load_idx %arg6[%broadcast_in_dim3A_193, %scan3A_227] : memref<4x4096xf32, #tpu.memory_space<vmem>>[vector<16xi32>, vector<16xi32>], vector<16xf32>,
        %gather3A_235 = tpu.vector_load_idx %arg8[%broadcast_in_dim3A_193, %scan3A_220] : memref<4x4096xf32, #tpu.memory_space<vmem>>[vector<16xi32>, vector<16xi32>], vector<16xf32>,
        %gather3A_236 = tpu.vector_load_idx %arg8[%broadcast_in_dim3A_193, %scan3A_221] : memref<4x4096xf32, #tpu.memory_space<vmem>>[vector<16xi32>, vector<16xi32>], vector<16xf32>,
        %gather3A_237 = tpu.vector_load_idx %arg8[%broadcast_in_dim3A_193, %scan3A_222] : memref<4x4096xf32, #tpu.memory_space<vmem>>[vector<16xi32>, vector<16xi32>], vector<16xf32>,
        %gather3A_238 = tpu.vector_load_idx %arg8[%broadcast_in_dim3A_193, %scan3A_223] : memref<4x4096xf32, #tpu.memory_space<vmem>>[vector<16xi32>, vector<16xi32>], vector<16xf32>,
        %gather3A_239 = tpu.vector_load_idx %arg8[%broadcast_in_dim3A_193, %scan3A_224] : memref<4x4096xf32, #tpu.memory_space<vmem>>[vector<16xi32>, vector<16xi32>], vector<16xf32>,
        %gather3A_240 = tpu.vector_load_idx %arg8[%broadcast_in_dim3A_193, %scan3A_225] : memref<4x4096xf32, #tpu.memory_space<vmem>>[vector<16xi32>, vector<16xi32>], vector<16xf32>,
        %gather3A_241 = tpu.vector_load_idx %arg8[%broadcast_in_dim3A_193, %scan3A_226] : memref<4x4096xf32, #tpu.memory_space<vmem>>[vector<16xi32>, vector<16xi32>], vector<16xf32>,
        %gather3A_242 = tpu.vector_load_idx %arg8[%broadcast_in_dim3A_193, %scan3A_227] : memref<4x4096xf32, #tpu.memory_space<vmem>>[vector<16xi32>, vector<16xi32>], vector<16xf32>,
        %min3A = arith.minimumf %gather3A, %gather3A_228 : vector<16xf32>
        %max3A = arith.maximumf %gather3A, %gather3A_228 : vector<16xf32>
        %min3A_243 = arith.minimumf %gather3A_229, %gather3A_230 : vector<16xf32>
        %max3A_244 = arith.maximumf %gather3A_229, %gather3A_230 : vector<16xf32>
        %min3A_245 = arith.minimumf %min3A, %min3A_243 : vector<16xf32>
        %max3A_246 = arith.maximumf %min3A, %min3A_243 : vector<16xf32>
        %min3A_247 = arith.minimumf %max3A, %max3A_244 : vector<16xf32>
        %max3A_248 = arith.maximumf %max3A, %max3A_244 : vector<16xf32>
        %min3A_249 = arith.minimumf %min3A_247, %max3A_246 : vector<16xf32>
        %max3A_250 = arith.maximumf %min3A_247, %max3A_246 : vector<16xf32>
        %min3A_251 = arith.minimumf %gather3A_231, %gather3A_232 : vector<16xf32>
        %max3A_252 = arith.maximumf %gather3A_231, %gather3A_232 : vector<16xf32>
        %min3A_253 = arith.minimumf %gather3A_233, %gather3A_234 : vector<16xf32>
        %max3A_254 = arith.maximumf %gather3A_233, %gather3A_234 : vector<16xf32>
        %min3A_255 = arith.minimumf %min3A_251, %min3A_253 : vector<16xf32>
        %max3A_256 = arith.maximumf %min3A_251, %min3A_253 : vector<16xf32>
        %min3A_257 = arith.minimumf %max3A_252, %max3A_254 : vector<16xf32>
        %max3A_258 = arith.maximumf %max3A_252, %max3A_254 : vector<16xf32>
        %min3A_259 = arith.minimumf %min3A_257, %max3A_256 : vector<16xf32>
        %max3A_260 = arith.maximumf %min3A_257, %max3A_256 : vector<16xf32>
        %max3A_261 = arith.maximumf %min3A_245, %max3A_258 : vector<16xf32>
        %max3A_262 = arith.maximumf %min3A_249, %max3A_260 : vector<16xf32>
        %max3A_263 = arith.maximumf %max3A_250, %min3A_259 : vector<16xf32>
        %max3A_264 = arith.maximumf %max3A_248, %min3A_255 : vector<16xf32>
        %min3A_265 = arith.minimumf %max3A_261, %max3A_262 : vector<16xf32>
        %min3A_266 = arith.minimumf %max3A_263, %max3A_264 : vector<16xf32>
        %min3A_267 = arith.minimumf %min3A_265, %min3A_266 : vector<16xf32>
        %ge3A_268 = arith.cmpf oge, %gather3A, %min3A_267 : vector<16xf32>
        %select_n3A = arith.select %ge3A_268, %gather3A_235, %broadcast_in_dim3A_53 : vector<16xi1>, vector<16xf32>
        tpu.vector_store_idx %arg10[%broadcast_in_dim3A_193, %scan3A_220], %select_n3A : memref<4x4096xf32, #tpu.memory_space<vmem>>[vector<16xi32>, vector<16xi32>], vector<16xf32>,
        %ge3A_269 = arith.cmpf oge, %gather3A_228, %min3A_267 : vector<16xf32>
        %select_n3A_270 = arith.select %ge3A_269, %gather3A_236, %broadcast_in_dim3A_53 : vector<16xi1>, vector<16xf32>
        tpu.vector_store_idx %arg10[%broadcast_in_dim3A_193, %scan3A_221], %select_n3A_270 : memref<4x4096xf32, #tpu.memory_space<vmem>>[vector<16xi32>, vector<16xi32>], vector<16xf32>,
        %ge3A_271 = arith.cmpf oge, %gather3A_229, %min3A_267 : vector<16xf32>
        %select_n3A_272 = arith.select %ge3A_271, %gather3A_237, %broadcast_in_dim3A_53 : vector<16xi1>, vector<16xf32>
        tpu.vector_store_idx %arg10[%broadcast_in_dim3A_193, %scan3A_222], %select_n3A_272 : memref<4x4096xf32, #tpu.memory_space<vmem>>[vector<16xi32>, vector<16xi32>], vector<16xf32>,
        %ge3A_273 = arith.cmpf oge, %gather3A_230, %min3A_267 : vector<16xf32>
        %select_n3A_274 = arith.select %ge3A_273, %gather3A_238, %broadcast_in_dim3A_53 : vector<16xi1>, vector<16xf32>
        tpu.vector_store_idx %arg10[%broadcast_in_dim3A_193, %scan3A_223], %select_n3A_274 : memref<4x4096xf32, #tpu.memory_space<vmem>>[vector<16xi32>, vector<16xi32>], vector<16xf32>,
        %ge3A_275 = arith.cmpf oge, %gather3A_231, %min3A_267 : vector<16xf32>
        %select_n3A_276 = arith.select %ge3A_275, %gather3A_239, %broadcast_in_dim3A_53 : vector<16xi1>, vector<16xf32>
        tpu.vector_store_idx %arg10[%broadcast_in_dim3A_193, %scan3A_224], %select_n3A_276 : memref<4x4096xf32, #tpu.memory_space<vmem>>[vector<16xi32>, vector<16xi32>], vector<16xf32>,
        %ge3A_277 = arith.cmpf oge, %gather3A_232, %min3A_267 : vector<16xf32>
        %select_n3A_278 = arith.select %ge3A_277, %gather3A_240, %broadcast_in_dim3A_53 : vector<16xi1>, vector<16xf32>
        tpu.vector_store_idx %arg10[%broadcast_in_dim3A_193, %scan3A_225], %select_n3A_278 : memref<4x4096xf32, #tpu.memory_space<vmem>>[vector<16xi32>, vector<16xi32>], vector<16xf32>,
        %ge3A_279 = arith.cmpf oge, %gather3A_233, %min3A_267 : vector<16xf32>
        %select_n3A_280 = arith.select %ge3A_279, %gather3A_241, %broadcast_in_dim3A_53 : vector<16xi1>, vector<16xf32>
        tpu.vector_store_idx %arg10[%broadcast_in_dim3A_193, %scan3A_226], %select_n3A_280 : memref<4x4096xf32, #tpu.memory_space<vmem>>[vector<16xi32>, vector<16xi32>], vector<16xf32>,
        %ge3A_281 = arith.cmpf oge, %gather3A_234, %min3A_267 : vector<16xf32>
        %select_n3A_282 = arith.select %ge3A_281, %gather3A_242, %broadcast_in_dim3A_53 : vector<16xi1>, vector<16xf32>
        tpu.vector_store_idx %arg10[%broadcast_in_dim3A_193, %scan3A_227], %select_n3A_282 : memref<4x4096xf32, #tpu.memory_space<vmem>>[vector<16xi32>, vector<16xi32>], vector<16xf32>,
        %add3A_283 = arith.addi %scan3A_220, %broadcast_in_dim3A_51 : vector<16xi32>
        %add3A_284 = arith.addi %scan3A_221, %broadcast_in_dim3A_51 : vector<16xi32>
        %add3A_285 = arith.addi %scan3A_222, %broadcast_in_dim3A_51 : vector<16xi32>
        %add3A_286 = arith.addi %scan3A_223, %broadcast_in_dim3A_51 : vector<16xi32>
        %add3A_287 = arith.addi %scan3A_224, %broadcast_in_dim3A_51 : vector<16xi32>
        %add3A_288 = arith.addi %scan3A_225, %broadcast_in_dim3A_51 : vector<16xi32>
        %add3A_289 = arith.addi %scan3A_226, %broadcast_in_dim3A_51 : vector<16xi32>
        %add3A_290 = arith.addi %scan3A_227, %broadcast_in_dim3A_51 : vector<16xi32>
        scf.yield %add3A_283, %add3A_284, %add3A_285, %add3A_286, %add3A_287, %add3A_288, %add3A_289, %add3A_290 : vector<16xi32>, vector<16xi32>, vector<16xi32>, vector<16xi32>, vector<16xi32>, vector<16xi32>, vector<16xi32>, vector<16xi32>
      }
      %scan3A_199 = arith.constant 32 : i32
      %broadcast_in_dim3A_200 = arith.constant 3 : i32
      %broadcast_in_dim3A_201 = vector.broadcast %broadcast_in_dim3A_200 : i32 to vector<16xi32>
      %scan3A_202 = arith.constant 0 : i32
      %scan3A_203 = arith.constant 32 : i32
      %scan3A_204 = arith.addi %scan3A_202, %scan3A_203 : i32
      %scan3A_205 = arith.constant 1 : i32
      %scan3A_206:8 = scf.for %scan3A_219 = %scan3A_202 to %scan3A_204 step %scan3A_205 iter_args(%scan3A_220 = %add3A_8, %scan3A_221 = %add3A_14, %scan3A_222 = %add3A_20, %scan3A_223 = %add3A_26, %scan3A_224 = %add3A_32, %scan3A_225 = %add3A_38, %scan3A_226 = %add3A_44, %scan3A_227 = %add3A_50) -> (vector<16xi32>, vector<16xi32>, vector<16xi32>, vector<16xi32>, vector<16xi32>, vector<16xi32>, vector<16xi32>, vector<16xi32>)  : i32 {
        %gather3A = tpu.vector_load_idx %arg6[%broadcast_in_dim3A_201, %scan3A_220] : memref<4x4096xf32, #tpu.memory_space<vmem>>[vector<16xi32>, vector<16xi32>], vector<16xf32>,
        %gather3A_228 = tpu.vector_load_idx %arg6[%broadcast_in_dim3A_201, %scan3A_221] : memref<4x4096xf32, #tpu.memory_space<vmem>>[vector<16xi32>, vector<16xi32>], vector<16xf32>,
        %gather3A_229 = tpu.vector_load_idx %arg6[%broadcast_in_dim3A_201, %scan3A_222] : memref<4x4096xf32, #tpu.memory_space<vmem>>[vector<16xi32>, vector<16xi32>], vector<16xf32>,
        %gather3A_230 = tpu.vector_load_idx %arg6[%broadcast_in_dim3A_201, %scan3A_223] : memref<4x4096xf32, #tpu.memory_space<vmem>>[vector<16xi32>, vector<16xi32>], vector<16xf32>,
        %gather3A_231 = tpu.vector_load_idx %arg6[%broadcast_in_dim3A_201, %scan3A_224] : memref<4x4096xf32, #tpu.memory_space<vmem>>[vector<16xi32>, vector<16xi32>], vector<16xf32>,
        %gather3A_232 = tpu.vector_load_idx %arg6[%broadcast_in_dim3A_201, %scan3A_225] : memref<4x4096xf32, #tpu.memory_space<vmem>>[vector<16xi32>, vector<16xi32>], vector<16xf32>,
        %gather3A_233 = tpu.vector_load_idx %arg6[%broadcast_in_dim3A_201, %scan3A_226] : memref<4x4096xf32, #tpu.memory_space<vmem>>[vector<16xi32>, vector<16xi32>], vector<16xf32>,
        %gather3A_234 = tpu.vector_load_idx %arg6[%broadcast_in_dim3A_201, %scan3A_227] : memref<4x4096xf32, #tpu.memory_space<vmem>>[vector<16xi32>, vector<16xi32>], vector<16xf32>,
        %gather3A_235 = tpu.vector_load_idx %arg8[%broadcast_in_dim3A_201, %scan3A_220] : memref<4x4096xf32, #tpu.memory_space<vmem>>[vector<16xi32>, vector<16xi32>], vector<16xf32>,
        %gather3A_236 = tpu.vector_load_idx %arg8[%broadcast_in_dim3A_201, %scan3A_221] : memref<4x4096xf32, #tpu.memory_space<vmem>>[vector<16xi32>, vector<16xi32>], vector<16xf32>,
        %gather3A_237 = tpu.vector_load_idx %arg8[%broadcast_in_dim3A_201, %scan3A_222] : memref<4x4096xf32, #tpu.memory_space<vmem>>[vector<16xi32>, vector<16xi32>], vector<16xf32>,
        %gather3A_238 = tpu.vector_load_idx %arg8[%broadcast_in_dim3A_201, %scan3A_223] : memref<4x4096xf32, #tpu.memory_space<vmem>>[vector<16xi32>, vector<16xi32>], vector<16xf32>,
        %gather3A_239 = tpu.vector_load_idx %arg8[%broadcast_in_dim3A_201, %scan3A_224] : memref<4x4096xf32, #tpu.memory_space<vmem>>[vector<16xi32>, vector<16xi32>], vector<16xf32>,
        %gather3A_240 = tpu.vector_load_idx %arg8[%broadcast_in_dim3A_201, %scan3A_225] : memref<4x4096xf32, #tpu.memory_space<vmem>>[vector<16xi32>, vector<16xi32>], vector<16xf32>,
        %gather3A_241 = tpu.vector_load_idx %arg8[%broadcast_in_dim3A_201, %scan3A_226] : memref<4x4096xf32, #tpu.memory_space<vmem>>[vector<16xi32>, vector<16xi32>], vector<16xf32>,
        %gather3A_242 = tpu.vector_load_idx %arg8[%broadcast_in_dim3A_201, %scan3A_227] : memref<4x4096xf32, #tpu.memory_space<vmem>>[vector<16xi32>, vector<16xi32>], vector<16xf32>,
        %min3A = arith.minimumf %gather3A, %gather3A_228 : vector<16xf32>
        %max3A = arith.maximumf %gather3A, %gather3A_228 : vector<16xf32>
        %min3A_243 = arith.minimumf %gather3A_229, %gather3A_230 : vector<16xf32>
        %max3A_244 = arith.maximumf %gather3A_229, %gather3A_230 : vector<16xf32>
        %min3A_245 = arith.minimumf %min3A, %min3A_243 : vector<16xf32>
        %max3A_246 = arith.maximumf %min3A, %min3A_243 : vector<16xf32>
        %min3A_247 = arith.minimumf %max3A, %max3A_244 : vector<16xf32>
        %max3A_248 = arith.maximumf %max3A, %max3A_244 : vector<16xf32>
        %min3A_249 = arith.minimumf %min3A_247, %max3A_246 : vector<16xf32>
        %max3A_250 = arith.maximumf %min3A_247, %max3A_246 : vector<16xf32>
        %min3A_251 = arith.minimumf %gather3A_231, %gather3A_232 : vector<16xf32>
        %max3A_252 = arith.maximumf %gather3A_231, %gather3A_232 : vector<16xf32>
        %min3A_253 = arith.minimumf %gather3A_233, %gather3A_234 : vector<16xf32>
        %max3A_254 = arith.maximumf %gather3A_233, %gather3A_234 : vector<16xf32>
        %min3A_255 = arith.minimumf %min3A_251, %min3A_253 : vector<16xf32>
        %max3A_256 = arith.maximumf %min3A_251, %min3A_253 : vector<16xf32>
        %min3A_257 = arith.minimumf %max3A_252, %max3A_254 : vector<16xf32>
        %max3A_258 = arith.maximumf %max3A_252, %max3A_254 : vector<16xf32>
        %min3A_259 = arith.minimumf %min3A_257, %max3A_256 : vector<16xf32>
        %max3A_260 = arith.maximumf %min3A_257, %max3A_256 : vector<16xf32>
        %max3A_261 = arith.maximumf %min3A_245, %max3A_258 : vector<16xf32>
        %max3A_262 = arith.maximumf %min3A_249, %max3A_260 : vector<16xf32>
        %max3A_263 = arith.maximumf %max3A_250, %min3A_259 : vector<16xf32>
        %max3A_264 = arith.maximumf %max3A_248, %min3A_255 : vector<16xf32>
        %min3A_265 = arith.minimumf %max3A_261, %max3A_262 : vector<16xf32>
        %min3A_266 = arith.minimumf %max3A_263, %max3A_264 : vector<16xf32>
        %min3A_267 = arith.minimumf %min3A_265, %min3A_266 : vector<16xf32>
        %ge3A_268 = arith.cmpf oge, %gather3A, %min3A_267 : vector<16xf32>
        %select_n3A = arith.select %ge3A_268, %gather3A_235, %broadcast_in_dim3A_53 : vector<16xi1>, vector<16xf32>
        tpu.vector_store_idx %arg10[%broadcast_in_dim3A_201, %scan3A_220], %select_n3A : memref<4x4096xf32, #tpu.memory_space<vmem>>[vector<16xi32>, vector<16xi32>], vector<16xf32>,
        %ge3A_269 = arith.cmpf oge, %gather3A_228, %min3A_267 : vector<16xf32>
        %select_n3A_270 = arith.select %ge3A_269, %gather3A_236, %broadcast_in_dim3A_53 : vector<16xi1>, vector<16xf32>
        tpu.vector_store_idx %arg10[%broadcast_in_dim3A_201, %scan3A_221], %select_n3A_270 : memref<4x4096xf32, #tpu.memory_space<vmem>>[vector<16xi32>, vector<16xi32>], vector<16xf32>,
        %ge3A_271 = arith.cmpf oge, %gather3A_229, %min3A_267 : vector<16xf32>
        %select_n3A_272 = arith.select %ge3A_271, %gather3A_237, %broadcast_in_dim3A_53 : vector<16xi1>, vector<16xf32>
        tpu.vector_store_idx %arg10[%broadcast_in_dim3A_201, %scan3A_222], %select_n3A_272 : memref<4x4096xf32, #tpu.memory_space<vmem>>[vector<16xi32>, vector<16xi32>], vector<16xf32>,
        %ge3A_273 = arith.cmpf oge, %gather3A_230, %min3A_267 : vector<16xf32>
        %select_n3A_274 = arith.select %ge3A_273, %gather3A_238, %broadcast_in_dim3A_53 : vector<16xi1>, vector<16xf32>
        tpu.vector_store_idx %arg10[%broadcast_in_dim3A_201, %scan3A_223], %select_n3A_274 : memref<4x4096xf32, #tpu.memory_space<vmem>>[vector<16xi32>, vector<16xi32>], vector<16xf32>,
        %ge3A_275 = arith.cmpf oge, %gather3A_231, %min3A_267 : vector<16xf32>
        %select_n3A_276 = arith.select %ge3A_275, %gather3A_239, %broadcast_in_dim3A_53 : vector<16xi1>, vector<16xf32>
        tpu.vector_store_idx %arg10[%broadcast_in_dim3A_201, %scan3A_224], %select_n3A_276 : memref<4x4096xf32, #tpu.memory_space<vmem>>[vector<16xi32>, vector<16xi32>], vector<16xf32>,
        %ge3A_277 = arith.cmpf oge, %gather3A_232, %min3A_267 : vector<16xf32>
        %select_n3A_278 = arith.select %ge3A_277, %gather3A_240, %broadcast_in_dim3A_53 : vector<16xi1>, vector<16xf32>
        tpu.vector_store_idx %arg10[%broadcast_in_dim3A_201, %scan3A_225], %select_n3A_278 : memref<4x4096xf32, #tpu.memory_space<vmem>>[vector<16xi32>, vector<16xi32>], vector<16xf32>,
        %ge3A_279 = arith.cmpf oge, %gather3A_233, %min3A_267 : vector<16xf32>
        %select_n3A_280 = arith.select %ge3A_279, %gather3A_241, %broadcast_in_dim3A_53 : vector<16xi1>, vector<16xf32>
        tpu.vector_store_idx %arg10[%broadcast_in_dim3A_201, %scan3A_226], %select_n3A_280 : memref<4x4096xf32, #tpu.memory_space<vmem>>[vector<16xi32>, vector<16xi32>], vector<16xf32>,
        %ge3A_281 = arith.cmpf oge, %gather3A_234, %min3A_267 : vector<16xf32>
        %select_n3A_282 = arith.select %ge3A_281, %gather3A_242, %broadcast_in_dim3A_53 : vector<16xi1>, vector<16xf32>
        tpu.vector_store_idx %arg10[%broadcast_in_dim3A_201, %scan3A_227], %select_n3A_282 : memref<4x4096xf32, #tpu.memory_space<vmem>>[vector<16xi32>, vector<16xi32>], vector<16xf32>,
        %add3A_283 = arith.addi %scan3A_220, %broadcast_in_dim3A_51 : vector<16xi32>
        %add3A_284 = arith.addi %scan3A_221, %broadcast_in_dim3A_51 : vector<16xi32>
        %add3A_285 = arith.addi %scan3A_222, %broadcast_in_dim3A_51 : vector<16xi32>
        %add3A_286 = arith.addi %scan3A_223, %broadcast_in_dim3A_51 : vector<16xi32>
        %add3A_287 = arith.addi %scan3A_224, %broadcast_in_dim3A_51 : vector<16xi32>
        %add3A_288 = arith.addi %scan3A_225, %broadcast_in_dim3A_51 : vector<16xi32>
        %add3A_289 = arith.addi %scan3A_226, %broadcast_in_dim3A_51 : vector<16xi32>
        %add3A_290 = arith.addi %scan3A_227, %broadcast_in_dim3A_51 : vector<16xi32>
        scf.yield %add3A_283, %add3A_284, %add3A_285, %add3A_286, %add3A_287, %add3A_288, %add3A_289, %add3A_290 : vector<16xi32>, vector<16xi32>, vector<16xi32>, vector<16xi32>, vector<16xi32>, vector<16xi32>, vector<16xi32>, vector<16xi32>
      }
      %scan3A_207 = arith.constant 32 : i32
      %dma_start3A_208 = arith.constant 0 : i32
      %dma_start3A_209 = tpu.memref_slice %arg4[%add3A_158, %dma_start3A_208] : memref<4096x4096xf32, #tpu.memory_space<hbm>> -> memref<4x4096xf32, #tpu.memory_space<hbm>>
      %dma_start3A_210 = arith.constant 0 : i32
      %dma_start3A_211 = tpu.memref_slice %arg4[%add3A_158, %dma_start3A_210] : memref<4096x4096xf32, #tpu.memory_space<hbm>> -> memref<4x4096xf32, #tpu.memory_space<hbm>>
      tpu.enqueue_dma source(%arg10 : memref<4x4096xf32, #tpu.memory_space<vmem>>) target(%dma_start3A_211 : memref<4x4096xf32, #tpu.memory_space<hbm>>) target_semaphore(%arg16 : memref<!tpu.dma_semaphore, #tpu.memory_space<semaphore_mem>>)
      %add3A_212 = arith.constant 2 : i32
      %add3A_213 = arith.addi %add3A_155, %add3A_212 : i32
      %lt3A_214 = arith.constant 32 : i32
      %lt3A_215 = arith.cmpi slt, %add3A_213, %lt3A_214 : i32
      %convert_element_type3A_216 = arith.extui %lt3A_215 : i1 to i32
      %cond3A_217 = arith.constant 0 : i32
      %cond3A_218 = arith.cmpi ne, %convert_element_type3A_216, %cond3A_217 : i32
      scf.if %cond3A_218 {
        %add3A_219 = arith.constant 2 : i32
        %add3A_220 = arith.addi %add3A_155, %add3A_219 : i32
        %mul3A_221 = arith.constant 4 : i32
        %mul3A_222 = arith.muli %add3A_220, %mul3A_221 : i32
        %add3A_223 = arith.addi %mul3A_2, %mul3A_222 : i32
        %dma_start3A_224 = arith.constant 0 : i32
        %dma_start3A_225 = tpu.memref_slice %arg3[%add3A_223, %dma_start3A_224] : memref<4096x4096xf32, #tpu.memory_space<hbm>> -> memref<4x4096xf32, #tpu.memory_space<hbm>>
        %dma_start3A_226 = arith.constant 0 : i32
        %dma_start3A_227 = tpu.memref_slice %arg3[%add3A_223, %dma_start3A_226] : memref<4096x4096xf32, #tpu.memory_space<hbm>> -> memref<4x4096xf32, #tpu.memory_space<hbm>>
        tpu.enqueue_dma source(%dma_start3A_227 : memref<4x4096xf32, #tpu.memory_space<hbm>>) target(%arg6 : memref<4x4096xf32, #tpu.memory_space<vmem>>) target_semaphore(%arg12 : memref<!tpu.dma_semaphore, #tpu.memory_space<semaphore_mem>>)
        %dma_start3A_228 = arith.constant 0 : i32
        %dma_start3A_229 = tpu.memref_slice %arg2[%add3A_223, %dma_start3A_228] : memref<4096x4096xf32, #tpu.memory_space<hbm>> -> memref<4x4096xf32, #tpu.memory_space<hbm>>
        %dma_start3A_230 = arith.constant 0 : i32
        %dma_start3A_231 = tpu.memref_slice %arg2[%add3A_223, %dma_start3A_230] : memref<4096x4096xf32, #tpu.memory_space<hbm>> -> memref<4x4096xf32, #tpu.memory_space<hbm>>
        tpu.enqueue_dma source(%dma_start3A_231 : memref<4x4096xf32, #tpu.memory_space<hbm>>) target(%arg8 : memref<4x4096xf32, #tpu.memory_space<vmem>>) target_semaphore(%arg14 : memref<!tpu.dma_semaphore, #tpu.memory_space<semaphore_mem>>)
      } else {
      }
    }
    %scan3A_76 = arith.constant 16 : i32
    %dma_wait3A = arith.constant 0 : i32
    %dma_wait3A_77 = arith.constant 0 : i32
    %dma_wait3A_78 = tpu.memref_slice %arg4[%dma_wait3A, %dma_wait3A_77] : memref<4096x4096xf32, #tpu.memory_space<hbm>> -> memref<4x4096xf32, #tpu.memory_space<hbm>>
    %dma_wait3A_79 = arith.constant 0 : i32
    %dma_wait3A_80 = arith.constant 0 : i32
    %dma_wait3A_81 = tpu.memref_slice %arg4[%dma_wait3A_79, %dma_wait3A_80] : memref<4096x4096xf32, #tpu.memory_space<hbm>> -> memref<4x4096xf32, #tpu.memory_space<hbm>>
    tpu.wait_dma2 semaphore(%arg15 : memref<!tpu.dma_semaphore, #tpu.memory_space<semaphore_mem>>) src(%arg9 : memref<4x4096xf32, #tpu.memory_space<vmem>>) dst(%dma_wait3A_81 : memref<4x4096xf32, #tpu.memory_space<hbm>>)
    %dma_wait3A_82 = arith.constant 0 : i32
    %dma_wait3A_83 = arith.constant 0 : i32
    %dma_wait3A_84 = tpu.memref_slice %arg4[%dma_wait3A_82, %dma_wait3A_83] : memref<4096x4096xf32, #tpu.memory_space<hbm>> -> memref<4x4096xf32, #tpu.memory_space<hbm>>
    %dma_wait3A_85 = arith.constant 0 : i32
    %dma_wait3A_86 = arith.constant 0 : i32
    %dma_wait3A_87 = tpu.memref_slice %arg4[%dma_wait3A_85, %dma_wait3A_86] : memref<4096x4096xf32, #tpu.memory_space<hbm>> -> memref<4x4096xf32, #tpu.memory_space<hbm>>
    tpu.wait_dma2 semaphore(%arg16 : memref<!tpu.dma_semaphore, #tpu.memory_space<semaphore_mem>>) src(%arg10 : memref<4x4096xf32, #tpu.memory_space<vmem>>) dst(%dma_wait3A_87 : memref<4x4096xf32, #tpu.memory_space<hbm>>)
    return
  }
}

</mosaic_0001>

<sc_bundles>
// kernel: kernel.3.cloned.1.call-start
scs
__scs_entry_jumppad:
0x0: {  	(pc) =	sbr.rel $0x88, $3  }
0x1: {  	(tag) =	ssettag $0x0;
	lr =	simm.s32 $0x1  }
0x2: {  	[smem:$0x3F9F] =	sst lr;
	_ =	strace $0xD0000000  }
0x3: {  	_ = 	snop  }
0x4: {  	_ = 	snop  }
0x5: {  	_ = 	snop  }
0x6: {  	_ = 	snop  }
0x7: {  	_ = 	snop  }
__scs_overlays_trampoline_lowered:
0x8: {  	[smem:$0x3FAE] =	sst s0  }
0x9: {  	[smem:$0x3FAF] =	sst s1  }
0xa: {  	[smem:$0x3FB0] =	sst s2  }
0xb: {  	[smem:$0x3FB1] =	sst s3  }
0xc: {  	[smem:$0x3FB2] =	sst s4  }
0xd: {  	[smem:$0x3FB3] =	sst s5  }
0xe: {  	[smem:$0x3FB4] =	sst s6  }
0xf: {  	[smem:$0x3FB5] =	sst s7  }
0x10: {  	[smem:$0x3FB6] =	sst s8  }
0x11: {  	[smem:$0x3FB7] =	sst s9;
	s0 =	simm.s32 @!p0 $0x0  }
0x12: {  	s1 =	sld [smem:$0x3F9D];
	s0 =	simm.s32 @p0 $0x1  }
0x13: {  	[smem:$0x3FB8] =	sst s0;
	s0 =	simm.s32 @!p1 $0x0  }
0x14: {  	s2 =	sld [smem:$0x3F9C];
	s0 =	simm.s32 @p1 $0x1  }
0x15: {  	[smem:$0x3FB9] =	sst s0;
	s0 =	simm.s32 @!p2 $0x0  }
0x16: {  	s3 =	sld [smem:$0x3FDB];
	s0 =	simm.s32 @p2 $0x1  }
0x17: {  	s4 =	simm.s32 $0x1BF5;
	[smem:$0x3FBB] =	sst s0  }
0x18: {  	s0 =	sld [smem:$0x3F9E];
	_ =	swait.ge [sflag:s4], $0x0  }
0x19: {  	s7 =	sld [smem:$0x3F9F]  }
0x1a: {  	s8 =	sadd.s32 $0xFFFFE003, lr  }
0x1b: {  	s9 =	sadd.s32 $0xFFFFFEF7, lr;
	s5 =	simm.s32 $0xFFFFFFFF;
	p2 =	slt.u32 s8, $0xFFFFF086  }
0x1c: {  	p1 =	slt.u32 s9, $0xF7A;
	s5 =	simm.s32 @!p2 $0x0  }
0x1d: {  	s5 =	simm.s32 @p1 $0x1;
	p0 =	seq.s32 s7, s2  }
0x1e: {  	s7 =	smul.u32 @!p0 $0xF7A, s2;
	p2 =	seq.s32 @!p0 s5, $0x0  }
0x1f: {  	s9 =	smul.u32 $0xF7A, s1;
	s8 =	simm.s32 @!p0 $0x1BF5;
	p2 =	por !p2, p0  }
0x20: {  	[sflag:s8] =	ssyncset.s32 @!p0 $0xFFFFF086;
	s6 =	sadd.s32 @!p0 s3, s7;
	s7 =	simm.s32 @!p0 $0x108  }
0x21: {  	s3 =	sadd.s32 s3, s9;
	s6 =	sadd.s32 @!p0 $0x88, s6;
	s7 =	simm.s32 @p2 $0x1082  }
0x22: {  	[simem:s7], [sflag:s8] =	dma.local @!p0 [hbm:s6], $0xF7A  }
0x23: {  	s9 =	sor.u32 $0xD0000000, s2;
	s6 =	simm.s32 $0x108;
	_ =	swait.ge @!p0 [sflag:s8], $0x0  }
0x24: {  	s3 =	sadd.s32 $0x88, s3;
	s6 =	simm.s32 @!p1 $0x1082;
	[sflag:s4] =	ssyncset.s32 $0xFFFFF086  }
0x25: {  	[simem:s6], [sflag:s4] =	dma.local [hbm:s3], $0xF7A  }
0x26: {  	[smem:$0x3F9F] =	sst s1;
	(tag) =	ssettag s2;
	_ =	strace s9  }
0x27: {  	s1 =	sld [smem:$0x3FAF]  }
0x28: {  	s2 =	sld [smem:$0x3FB0]  }
0x29: {  	s4 =	sld [smem:$0x3FB2]  }
0x2a: {  	p0 =	seq.s32 s5, $0x0;
	s5 =	sld [smem:$0x3FB3]  }
0x2b: {  	s6 =	sld [smem:$0x3FB4]  }
0x2c: {  	s7 =	sld [smem:$0x3FB5]  }
0x2d: {  	s3 =	simm.s32 $0x108;
	s8 =	sld [smem:$0x3FB6]  }
0x2e: {  	s3 =	simm.s32 @!p0 $0x1082;
	s9 =	sld [smem:$0x3FB7]  }
0x2f: {  	lr =	sadd.s32 s0, s3;
	s0 =	sld [smem:$0x3FAE]  }
0x30: {  	s3 =	sld [smem:$0x3FB1]  }
0x31: {  	[smem:$0x3FBA] =	sst s10  }
0x32: {  	s10 =	sld [smem:$0x3FB8];
	_ =	sdelay $0x3  }
0x33: {  	p0 =	seq.s32 s10, $0x1;
	s10 =	sld [smem:$0x3FBA];
	_ =	sdelay $0x3  }
0x34: {  	[smem:$0x3FBA] =	sst s10  }
0x35: {  	s10 =	sld [smem:$0x3FB9];
	_ =	sdelay $0x3  }
0x36: {  	p1 =	seq.s32 s10, $0x1;
	s10 =	sld [smem:$0x3FBA];
	_ =	sdelay $0x3  }
0x37: {  	[smem:$0x3FBA] =	sst s10  }
0x38: {  	s10 =	sld [smem:$0x3FBB]  }
0x39: {  	_ = 	snop;
	(pc) =	sbr.ind lr, $3  }
0x3a: {  	_ = 	snop  }
0x3b: {  	_ = 	snop  }
0x3c: {  	p2 =	seq.s32 s10, $0x1;
	s10 =	sld [smem:$0x3FBA]  }
0x3d: {  	_ =	shalt  }
0x3e: {  	_ =	shalt  }
0x3f: {  	_ =	shalt  }
0x40: {  	_ =	shalt  }
0x41: {  	_ =	shalt  }
0x42: {  	_ =	shalt  }
0x43: {  	_ =	shalt  }
0x44: {  	_ =	shalt  }
0x45: {  	_ =	shalt  }
0x46: {  	_ =	shalt  }
0x47: {  	_ =	shalt  }
0x48: {  	_ =	shalt  }
0x49: {  	_ =	shalt  }
0x4a: {  	_ =	shalt  }
0x4b: {  	_ =	shalt  }
0x4c: {  	_ =	shalt  }
0x4d: {  	_ =	shalt  }
0x4e: {  	_ =	shalt  }
0x4f: {  	_ =	shalt  }
0x50: {  	_ =	shalt  }
0x51: {  	_ =	shalt  }
0x52: {  	_ =	shalt  }
0x53: {  	_ =	shalt  }
0x54: {  	_ =	shalt  }
0x55: {  	_ =	shalt  }
0x56: {  	_ =	shalt  }
0x57: {  	_ =	shalt  }
0x58: {  	_ =	shalt  }
0x59: {  	_ =	shalt  }
0x5a: {  	_ =	shalt  }
0x5b: {  	_ =	shalt  }
0x5c: {  	_ =	shalt  }
0x5d: {  	_ =	shalt  }
0x5e: {  	_ =	shalt  }
0x5f: {  	_ =	shalt  }
0x60: {  	_ =	shalt  }
0x61: {  	_ =	shalt  }
0x62: {  	_ =	shalt  }
0x63: {  	_ =	shalt  }
0x64: {  	_ =	shalt  }
0x65: {  	_ =	shalt  }
0x66: {  	_ =	shalt  }
0x67: {  	_ =	shalt  }
0x68: {  	_ =	shalt  }
0x69: {  	_ =	shalt  }
0x6a: {  	_ =	shalt  }
0x6b: {  	_ =	shalt  }
0x6c: {  	_ =	shalt  }
0x6d: {  	_ =	shalt  }
0x6e: {  	_ =	shalt  }
0x6f: {  	_ =	shalt  }
0x70: {  	_ =	shalt  }
0x71: {  	_ =	shalt  }
0x72: {  	_ =	shalt  }
0x73: {  	_ =	shalt  }
0x74: {  	_ =	shalt  }
0x75: {  	_ =	shalt  }
0x76: {  	_ =	shalt  }
0x77: {  	_ =	shalt  }
0x78: {  	_ =	shalt  }
0x79: {  	_ =	shalt  }
0x7a: {  	_ =	shalt  }
0x7b: {  	_ =	shalt  }
0x7c: {  	_ =	shalt  }
0x7d: {  	_ =	shalt  }
0x7e: {  	_ =	shalt  }
0x7f: {  	_ =	shalt  }
0x80: {  	_ =	shalt  }
0x81: {  	_ =	shalt  }
0x82: {  	_ =	shalt  }
0x83: {  	_ =	shalt  }
0x84: {  	_ =	shalt  }
0x85: {  	_ =	shalt  }
0x86: {  	_ =	shalt  }
0x87: {  	_ =	shalt  }
.Lfunc_end0:
.L_simem_size_0:
called_computation_lowered:
.L_overlay_start_0:
0x88: {  	s2 =	sld [smem:$0x3FD9]  }
0x89: {  	s3 =	sld [smem:$0x3FFE];
	_ =	sdelay $0x1  }
0x8a: {  	s1 =	srdreg.scid  }
0x8b: {  	s0 =	sand.u32 $0x1, s1  }
0x8c: {  	s18 =	sshll.u32 s0, $0xA;
	s2 =	sadd.s32 s3, s2  }
0x8d: {  	s2 =	sadd.s32 s2, s18  }
0x8e: {  	[smem:$0x3FC6] =	sst s2  }
0x8f: {  	_ = 	snop  }
0x90: {  	s2 =	sld [smem:$0x3FC9]  }
0x91: {  	s19 =	sld [smem:$0x3FC8]  }
0x92: {  	s4 =	sld [smem:$0x3FD0];
	(tm) =	ssettm $0x1  }
0x93: {  	s5 =	sld [smem:$0x3FFB];
	_ =	sdelay $0x3  }
0x94: {  	_ =	strace s5  }
0x95: {  	s5 =	sld [smem:$0x3FFC];
	_ =	sdelay $0x3  }
0x96: {  	_ =	strace s5  }
0x97: {  	s5 =	sld [smem:$0x3FFD];
	_ =	sdelay $0x3  }
0x98: {  	_ =	strace s5  }
0x99: {  	_ =	strace $0x8FFFFFFF  }
0x9a: {  	s20 =	sld [smem:$0x3FDB];
	_ =	sdelay $0x1  }
0x9b: {  	s6 =	simm.s32 $_scs_section_size  }
0x9c: {  	s7 =	simm.s32 $_size__tile_overlayer_lowered;
	s8 =	simm.s32 $_tile_overlayer_lowered  }
0x9d: {  	s23 =	simm.s32 $0x1BFF;
	s22 =	sshll.u32 s8, $0x1;
	s5 =	sadd.s32 s6, s20  }
0x9e: {  	s9 =	simm.s32 $0x0;
	s21 =	sshll.u32 s7, $0x1;
	s7 =	sadd.s32 s22, s5  }
0x9f: {  	[timem:s9], [sflag:s23] =	dma.local [hbm:s7], s21  }
0xa0: {  	_ =	swait.ge [sflag:s23], s21  }
0xa1: {  	s6 =	ssub.s32 $0x0, s21;
	[sflag:s23] =	ssyncset.done $0x0  }
0xa2: {  	[sflag:s23] =	ssyncadd.s32 s6;
	_ =	sdelay $0x1  }
0xa3: {  	s24 =	simm.s32 $0x1B8B  }
0xa4: {  	_ =	swait.ge [sflag:s24], $0x1  }
0xa5: {  	[sflag:s24] =	ssyncset.done $0x0  }
0xa6: {  	s25 =	simm.s32 $0x1B8E;
	[sflag:s24] =	ssyncadd.s32 $0xFFFFFFFF  }
0xa7: {  	s26 =	simm.s32 $execute0_lowered;
	[smem:$0x3FD2] =	sst s25  }
0xa8: {  	s6 =	sshll.u32 s26, $0x1;
	_ =	strace $0x80000046;
	[dreg:$0x1] =	wrdreg $0xFFFFFFFF  }
0xa9: {  	s28 =	simm.s32 $_size_execute0_lowered;
	s5 =	sadd.s32 s5, s6;
	[dreg:$0x0] =	wrdreg $0x0  }
0xaa: {  	s6 =	sshll.u32 s28, $0x1;
	[dreg:$0x2] =	wrdreg s5  }
0xab: {  	[dreg:$0x3] =	wrdreg s6  }
0xac: {  	[dreg:$0x4] =	wrdreg $0xC0  }
0xad: {  	_ =	task [dreg:s9], $0x5FFFF  }
0xae: {  	[dreg:$0x1] =	wrdreg $0xFFFFFFFF  }
0xaf: {  	[dreg:$0x0] =	wrdreg $0x60  }
0xb0: {  	[dreg:$0x2] =	wrdreg s2  }
0xb1: {  	[dreg:$0x3] =	wrdreg s19  }
0xb2: {  	[dreg:$0x4] =	wrdreg s4  }
0xb3: {  	[dreg:$0x5] =	wrdreg $0x9  }
0xb4: {  	_ =	task.clear_ibuf [dreg:s9], $0x6FFFF;
	_ =	strace $0x90000046  }
0xb5: {  	s29 =	simm.s32 $0x9;
	_ =	strace $0x80000048  }
0xb6: {  	_ =	swait.ge [sflag:s29], $0x1  }
0xb7: {  	[sflag:s29] =	ssyncadd.s32 $0xFFFFFFFF  }
0xb8: {  	_ =	strace $0x90000048  }
0xb9: {  	_ =	sfence  }
0xba: {  	s30 =	sld [smem:$0x0];
	_ =	sdelay $0x2  }
0xbb: {  	s31 =	sshll.u32 s1, $0xD;
	s1 =	sshrl.u32 s1, $0x2  }
0xbc: {  	s3 =	sand.u32 $0x4000, s31;
	s1 =	sadd.s32 s1, s30  }
0xbd: {  	s0 =	sor.u32 s3, s0;
	s1 =	sshll.u32 s1, $0x11  }
0xbe: {  	s0 =	sor.u32 s1, s0  }
0xbf: {  	s0 =	sadd.s32 $0x8F2B, s0  }
0xc0: {  	[sflag:s0] =	ssyncadd.remote.s32 $0x1  }
0xc1: {  	_ =	sfence.sel $0xFFFF  }
0xc2: {  	[dreg:$0x0] =	wrdreg $0xFFFFFFFF;
	(pc) =	sbr.abs _section_cstart, $3  }
0xc3: {  	[dreg:$0x1] =	wrdreg $0xFFFFFFFF  }
0xc4: {  	_ =	task.clear_ibuf [dreg:s9], $0x2FFFF;
	_ =	strace $0x9FFFFFFF  }
0xc5: {  	(tm) =	ssettm $0x7FFFFFFF  }
tec
execute0_lowered:
.L_overlay_start_1:
0x0: {  	(tag) =	ssettag $0x1  }
0x1: {  	s1 =	rddreg [dreg:$0x0]  }
0x2: {  	s2 =	rddreg [dreg:$0x1]  }
0x3: {  	s4 =	rddreg [dreg:$0x2]  }
0x4: {  	s0 =	srdreg.scid;
	s5 =	simm.s32 $0x0;
	s6 =	stileid.u32  }
0x5: {  	s16 =	simm.s32 $0x200;
	s17 =	simm.s32 $0x400;
	s18 =	simm.s32 $0x8000  }
0x6: {  	s19 =	simm.s32 $0x4000;
	s20 =	simm.s32 $0xC000;
	s21 =	simm.s32 $0x1  }
0x7: {  	v0 =	vlaneseq.u32;
	s22 =	simm.s32 $0x3;
	s23 =	simm.s32 $0x10000;
	s24 =	simm.s32 $0x2  }
0x8: {  	s28 =	simm.s32 $0x5;
	s29 =	simm.s32 $0x6;
	s30 =	simm.s32 $0x0;
	v0 =	vmul.u32 $0x8, v0  }
0x9: {  	s0 =	sand.u32 $0x1, s0;
	s6 =	sshll.u32 s6, $0x8;
	[smem:$0x7FF] =	sst s5  }
0xa: {  	s3 =	ssub.s32 $0x2, s0;
	s0 =	sshll.u32 s0, $0x7;
	_ =	strace $0x80000047;
	v1 =	vor.u32 $0x1, v0;
	[tilespmem:$0x1FFE0] =	vst v0  }
0xb: {  	s13 =	sadd.s32 $0x40, s4;
	s7 =	sshrl.u32 s3, $0x1;
	s0 =	sor.u32 s0, s6;
	v59 =	vor.u32 $0x2, v0;
	[tilespmem:$0x1FF80] =	vst v1  }
0xc: {  	v60 =	vor.u32 $0x3, v0;
	s3 =	ssub.s32 s3, s7;
	s6 =	sshll.u32 s0, $0x9;
	s11 =	sshrl.u32 s0, $0x3;
	[tilespmem:$0x1FF90] =	vst v59  }
.Ltmp0:
0xd: {  	v61 =	vor.u32 $0x4, v0;
	[tilespmem:$0x1FFA0] =	vst v60;
	s25 =	sadd.s32 s2, s6;
	s26 =	sadd.s32 s1, s6;
	(pc) =	sbr.rel .LBB2_1-.Ltmp0, $4  }
0xe: {  	v62 =	vor.u32 $0x5, v0;
	[tilespmem:$0x1FFB0] =	vst v61;
	s31 =	sor.u32 $0x40, s6;
	s12 =	sor.u32 $0x1000, s6;
	[dreg:$0x4] =	wrdreg s25  }
0xf: {  	v63 =	vor.u32 $0x6, v0;
	[tilespmem:$0x1FFC0] =	vst v62;
	s14 =	sor.u32 $0x1040, s6;
	[dreg:$0x5] =	wrdreg s26;
	s8 =	sadd.s32 s2, s31  }
0x10: {  	v0 =	vor.u32 $0x7, v0;
	[tilespmem:$0x1FFD0] =	vst v63;
	s15 =	smax.u32 s3, $0x1;
	s7 =	sadd.s32 s1, s31;
	[dreg:$0x6] =	wrdreg s8  }
0x11: {  	[tilespmem:$0x1FFF0] =	vst v0;
	s25 =	simm.s32 $0x4;
	s26 =	simm.s32 $0x14000;
	[dreg:$0x7] =	wrdreg s7  }
.LBB2_20:
0x12: {  	s30 =	sadd.s32 $0x1, s30  }
0x13: {  	_ =	swait.ge [sflag:s28], $0x4000;
	p0 =	sne.s32 s30, s15  }
.Ltmp1:
0x14: {  	[sflag:s28] =	ssyncset.done $0x0;
	(pc) =	sbr.rel @!p0 .LBB2_21-.Ltmp1, $4  }
0x15: {  	[sflag:s28] =	ssyncadd.s32 $0xFFFFC000  }
0x16: {  	_ =	swait.ge [sflag:s29], $0x4000  }
0x17: {  	[sflag:s29] =	ssyncset.done $0x0  }
0x18: {  	[sflag:s29] =	ssyncadd.s32 $0xFFFFC000  }
.LBB2_1:
0x19: {  	s0 =	rddreg [dreg:$0x4]  }
0x1a: {  	[tilespmem:s5], [sflag:$0x1] =	stream.strided.gather [hbm4b:s0+s16], $0x4000, s17, s16, $0x38;
	[tilespmem:$0x18000] =	vst v63  }
0x1b: {  	s8 =	rddreg [dreg:$0x5]  }
0x1c: {  	[tilespmem:s18], [sflag:$0x3] =	stream.strided.gather [hbm4b:s8+s16], $0x4000, s17, s16, $0x38;
	[tilespmem:$0x18000] =	vst v63  }
0x1d: {  	s9 =	rddreg [dreg:$0x6]  }
0x1e: {  	[tilespmem:s19], [sflag:$0x2] =	stream.strided.gather [hbm4b:s9+s16], $0x4000, s17, s16, $0x38;
	[tilespmem:$0x18000] =	vst v63  }
0x1f: {  	s10 =	rddreg [dreg:$0x7];
	s31 =	simm.s32 $0x0  }
0x20: {  	[tilespmem:s20], [sflag:$0x4] =	stream.strided.gather [hbm4b:s10+s16], $0x4000, s17, s16, $0x38;
	[tilespmem:$0x18000] =	vst v63  }
.LBB2_2:
0x21: {  	_ =	swait.ge [sflag:s21], $0x4000  }
0x22: {  	v11 =	vld [tilespmem:$0x1FF80]  }
0x23: {  	v12 =	vld [tilespmem:$0x1FF90]  }
0x24: {  	v18 =	vld [tilespmem:$0x1FFD0]  }
0x25: {  	v9 =	vld [tilespmem:$0x1FFE0]  }
0x26: {  	v16 =	vld [tilespmem:$0x1FFC0]  }
0x27: {  	v13 =	vld [tilespmem:$0x1FFA0]  }
0x28: {  	v10 =	vld [tilespmem:$0x1FFB0];
	_ =	sdelay $0x2  }
0x29: {  	v21 =	vand.u32 $0x7F, v11;
	v24 =	vand.u32 $0x7E, v12;
	v0 =	vshll.u32 v18, $0x2  }
0x2a: {  	[sflag:s21] =	ssyncset.done $0x0;
	v6 =	vand.u32 $0x78, v9;
	v1 =	vshll.u32 v12, $0x2;
	v14 =	vand.u32 $0x7F, v16  }
0x2b: {  	[sflag:s21] =	ssyncadd.s32 $0xFFFFC000;
	v2 =	vshll.u32 v13, $0x2;
	v3 =	vshll.u32 v10, $0x2;
	v4 =	vshll.u32 v9, $0x2  }
0x2c: {  	_ =	swait.ge [sflag:s22], $0x4000;
	v5 =	vshll.u32 v16, $0x2;
	v7 =	vshll.u32 v11, $0x2;
	v17 =	vand.u32 $0xFFFFFE00, v4  }
0x2d: {  	p0 =	seq.s32 s31, $0x0;
	v19 =	vld [tilespmem:$0x1FFF0];
	[sflag:s22] =	ssyncset.done $0x0;
	v15 =	vand.u32 $0x7F, v13;
	v31 =	vand.u32 $0xFFFFFE00, v5;
	v22 =	vor.u32 v6, v17  }
0x2e: {  	s0 =	simm.s32 @!p0 $0x5;
	[sflag:s22] =	ssyncadd.s32 $0xFFFFC000;
	v33 =	vand.u32 $0x7C, v10;
	[tilespmem:$0x1FED0] =	vst v6;
	v32 =	vand.u32 $0xFFFFFE00, v2;
	v20 =	vor.u32 v14, v31  }
0x2f: {  	v9 =	vadd.s32 $0x80, v9;
	v36 =	vand.u32 $0xFFFFFE00, v7;
	_ =	swait.ge @!p0 [sflag:s0], $0x4000;
	v23 =	vor.u32 v15, v32  }
0x30: {  	v10 =	vadd.s32 $0x80, v10;
	v34 =	vand.u32 $0xFFFFFE00, v3;
	v51 =	vor.u32 v21, v36;
	[sflag:s0] =	ssyncset.done @!p0 $0x0  }
0x31: {  	v35 =	vand.u32 $0xFFFFFE00, v0;
	v25 =	vor.u32 v33, v34;
	[tilespmem:$0x1FEE0] =	vst v14;
	v14 =	vand.u32 $0xFFFFFE00, v1;
	[sflag:s0] =	ssyncadd.s32 @!p0 $0xFFFFC000  }
0x32: {  	v0 =	vand.u32 $0x7E, v18;
	v4 =	vshll.u32 v19, $0x2;
	v50 =	vor.u32 v24, v14;
	v5 =	vld.idx.msk [tilespmem:v22+s5+$0x0], $0xffff  }
0x33: {  	v6 =	vand.u32 $0x7F, v19;
	[tilespmem:$0x1FF00] =	vst v21;
	v21 =	vor.u32 v0, v35;
	v4 =	vand.u32 $0xFFFFFE00, v4;
	v7 =	vld.idx.msk [tilespmem:v20+s5+$0x0], $0xffff  }
0x34: {  	v26 =	vadd.s32 $0x80, v11;
	v27 =	vadd.s32 $0x80, v13;
	v8 =	vor.u32 v6, v4;
	v6 =	vld.idx.msk [tilespmem:v23+s5+$0x0], $0xffff  }
0x35: {  	v2 =	vand.u32 $0x7F, v26;
	v3 =	vshll.u32 v27, $0x2;
	v28 =	vshll.u32 v10, $0x2;
	v40 =	vld.idx.msk [tilespmem:v51+s5+$0x0], $0xffff  }
0x36: {  	v29 =	vshll.u32 v9, $0x2;
	v30 =	vshll.u32 v26, $0x2;
	[tilespmem:$0x1FEF0] =	vst v24;
	v24 =	vadd.s32 $0x80, v12;
	v43 =	vld.idx.msk [tilespmem:v25+s5+$0x0], $0xffff  }
0x37: {  	v37 =	vand.u32 $0x7C, v10;
	v42 =	vand.u32 $0x7F, v27;
	v1 =	vshll.u32 v24, $0x2;
	v39 =	vld.idx.msk [tilespmem:v50+s5+$0x0], $0xffff  }
0x38: {  	v29 =	vand.u32 $0xFFFFFE00, v29;
	v0 =	vand.u32 $0x7E, v24;
	v1 =	vand.u32 $0xFFFFFE00, v1;
	v41 =	vld.idx.msk [tilespmem:v21+s5+$0x0], $0xffff  }
0x39: {  	v4 =	vand.u32 $0x78, v9;
	v1 =	vor.u32 v0, v1;
	v0 =	vand.u32 $0xFFFFFE00, v28;
	v38 =	vld.idx.msk [tilespmem:v8+s5+$0x0], $0xffff  }
0x3a: {  	v28 =	vand.u32 $0xFFFFFE00, v30;
	v30 =	vand.u32 $0xFFFFFE00, v3;
	v0 =	vor.u32 v37, v0  }
0x3b: {  	v3 =	vor.u32 v2, v28;
	v37 =	vor.u32 v4, v29;
	v2 =	vor.u32 v42, v30  }
0x3c: {  	v29 =	vmin.f32 v5, v40;
	v30 =	vmax.f32 v5, v40;
	v4 =	vmin.f32 v39, v6  }
0x3d: {  	v47 =	vmax.f32 v43, v7;
	v28 =	vmax.f32 v39, v6;
	v57 =	vmax.f32 v29, v4  }
0x3e: {  	v44 =	vmin.f32 v41, v38;
	v45 =	vmin.f32 v30, v28;
	v30 =	vmax.f32 v30, v28  }
0x3f: {  	v28 =	vmin.f32 v43, v7;
	v46 =	vmax.f32 v41, v38;
	v4 =	vmin.f32 v29, v4  }
0x40: {  	v48 =	vmin.f32 v28, v44;
	v28 =	vmax.f32 v28, v44;
	v58 =	vmin.f32 v47, v46  }
0x41: {  	v49 =	vmin.f32 v45, v57;
	v42 =	vmax.f32 v45, v57;
	v59 =	vmax.f32 v47, v46  }
0x42: {  	v29 =	vmin.f32 v58, v28;
	v44 =	vmax.f32 v58, v28;
	v28 =	vadd.s32 $0x80, v16  }
0x43: {  	v61 =	vld.idx.msk [tilespmem:v51+s18+$0x0], $0xffff;
	v4 =	vmax.f32 v4, v59;
	v30 =	vmax.f32 v30, v48;
	v44 =	vmax.f32 v49, v44  }
0x44: {  	[tilespmem:$0x1FF10] =	vst v22;
	v63 =	vld.idx.msk [tilespmem:v22+s18+$0x0], $0xffff;
	v60 =	vand.u32 $0x7F, v28;
	v29 =	vmax.f32 v42, v29;
	v62 =	vshll.u32 v28, $0x2  }
0x45: {  	[tilespmem:$0x1FF20] =	vst v51;
	v54 =	vld.idx.msk [tilespmem:v25+s18+$0x0], $0xffff;
	v42 =	vand.u32 $0xFFFFFE00, v62;
	v44 =	vmin.f32 v4, v44;
	v30 =	vmin.f32 v29, v30  }
0x46: {  	[tilespmem:$0x1FF40] =	vst v23;
	v55 =	vld.idx.msk [tilespmem:v20+s18+$0x0], $0xffff;
	v29 =	vadd.s32 $0x80, v18;
	v4 =	vor.u32 v60, v42;
	v44 =	vmin.f32 v44, v30  }
0x47: {  	[tilespmem:$0x1FF50] =	vst v25;
	v52 =	vld.idx.msk [tilespmem:v50+s18+$0x0], $0xffff;
	v53 =	vshll.u32 v29, $0x2;
	v30 =	vadd.s32 $0x80, v19;
	v62 =	vand.u32 $0x7E, v29  }
0x48: {  	[tilespmem:$0x1FF60] =	vst v20;
	v42 =	vadd.s32 $0x80, v24;
	vm0 =	vge.f32 v5, v44;
	v5 =	vld.idx.msk [tilespmem:v23+s18+$0x0], $0xffff;
	vm1 =	vge.f32 v40, v44  }
0x49: {  	[tilespmem:$0x1FF70] =	vst v21;
	v57 =	vld.idx.msk [tilespmem:v21+s18+$0x0], $0xffff;
	v46 =	vand.u32 $0xFFFFFE00, v53;
	vm2 =	vge.f32 v39, v44;
	vm3 =	vge.f32 v6, v44  }
0x4a: {  	[tilespmem:$0x1FF30] =	vst v50;
	v48 =	vld.idx.msk [tilespmem:v8+s18+$0x0], $0xffff;
	v6 =	vadd.s32 $0x80, v28;
	vm4 =	vge.f32 v43, v44;
	v56 =	vnsel vm0, $0x0, v63  }
0x4b: {  	vm13 =	vge.f32 v7, v44;
	vm14 =	vge.f32 v41, v44;
	v40 =	vnsel vm1, $0x0, v61;
	[tilespmem:v22+s23+$0x0] =	vst.idx.msk $0xffff, v56  }
0x4c: {  	v7 =	vadd.s32 $0x80, v9;
	vm15 =	vge.f32 v38, v44;
	v58 =	vnsel vm2, $0x0, v52;
	[tilespmem:v51+s23+$0x0] =	vst.idx.msk $0xffff, v40  }
0x4d: {  	v38 =	vadd.s32 $0x80, v10;
	v59 =	vshll.u32 v30, $0x2;
	v44 =	vmovc v8;
	[tilespmem:v50+s23+$0x0] =	vst.idx.msk $0xffff, v58;
	v5 =	vnsel vm3, $0x0, v5  }
0x4e: {  	v60 =	vand.u32 $0xFFFFFE00, v59;
	v61 =	vnsel vm4, $0x0, v54;
	[tilespmem:v23+s23+$0x0] =	vst.idx.msk $0xffff, v5;
	v5 =	vand.u32 $0x7F, v30  }
0x4f: {  	v39 =	vadd.s32 $0x80, v30;
	v45 =	vor.u32 v5, v60;
	[tilespmem:v25+s23+$0x0] =	vst.idx.msk $0xffff, v61;
	v5 =	vnsel vm13, $0x0, v55  }
0x50: {  	v41 =	vadd.s32 $0x80, v27;
	v43 =	vadd.s32 $0x80, v26;
	v63 =	vnsel vm14, $0x0, v57;
	[tilespmem:v20+s23+$0x0] =	vst.idx.msk $0xffff, v5  }
0x51: {  	s3 =	simm.s32 $0x1F;
	s7 =	simm.s32 $0x1E;
	s0 =	sshll.u32 s31, $0xC;
	v40 =	vadd.s32 $0x80, v29;
	v5 =	vor.u32 v62, v46;
	v46 =	vnsel vm15, $0x0, v48;
	[tilespmem:v21+s23+$0x0] =	vst.idx.msk $0xffff, v63  }
.LBB2_3:
0x52: {  	v47 =	vand.u32 $0x7F, v43;
	v48 =	vand.u32 $0x7E, v42;
	v49 =	vshll.u32 v40, $0x2;
	p1 =	sne.s32 s7, $0x1;
	s7 =	sadd.s32 $0xFFFFFFFF, s7;
	[tilespmem:v44+s23+$0x0] =	vst.idx.msk $0xffff, v46;
	v50 =	vmovc v39;
	v46 =	vmovc v40  }
0x53: {  	v51 =	vand.u32 $0x78, v7;
	v52 =	vshll.u32 v42, $0x2;
	v53 =	vand.u32 $0x7F, v6;
	v44 =	vmovc v45;
	v54 =	vld.idx.msk [tilespmem:v37+s5+$0x0], $0xffff  }
0x54: {  	v55 =	vshll.u32 v41, $0x2;
	v56 =	vshll.u32 v38, $0x2;
	v57 =	vshll.u32 v6, $0x2;
	v45 =	vld.idx.msk [tilespmem:v45+s5+$0x0], $0xffff  }
0x55: {  	v58 =	vshll.u32 v7, $0x2;
	v59 =	vshll.u32 v43, $0x2;
	v60 =	vand.u32 $0x7C, v38;
	v61 =	vld.idx.msk [tilespmem:v4+s5+$0x0], $0xffff  }
0x56: {  	v58 =	vand.u32 $0xFFFFFE00, v58;
	v52 =	vand.u32 $0xFFFFFE00, v52;
	v62 =	vld.idx.msk [tilespmem:v2+s5+$0x0], $0xffff  }
0x57: {  	v56 =	vand.u32 $0xFFFFFE00, v56;
	v48 =	vor.u32 v48, v52;
	v52 =	vand.u32 $0x7F, v41;
	v63 =	vld.idx.msk [tilespmem:v1+s5+$0x0], $0xffff  }
0x58: {  	v59 =	vand.u32 $0xFFFFFE00, v59;
	v56 =	vor.u32 v60, v56;
	v60 =	vld.idx.msk [tilespmem:v3+s5+$0x0], $0xffff  }
0x59: {  	v55 =	vand.u32 $0xFFFFFE00, v55;
	v47 =	vor.u32 v47, v59;
	v59 =	vld.idx.msk [tilespmem:v5+s5+$0x0], $0xffff  }
0x5a: {  	v51 =	vor.u32 v51, v58;
	v52 =	vor.u32 v52, v55;
	v55 =	vld.idx.msk [tilespmem:v0+s5+$0x0], $0xffff  }
0x5b: {  	v57 =	vand.u32 $0xFFFFFE00, v57;
	v49 =	vand.u32 $0xFFFFFE00, v49  }
0x5c: {  	v53 =	vor.u32 v53, v57  }
0x5d: {  	v57 =	vmin.f32 v63, v62;
	v58 =	vmax.f32 v63, v62  }
0x5e: {  	v18 =	vmin.f32 v54, v60  }
0x5f: {  	v19 =	vmax.f32 v54, v60;
	v20 =	vmax.f32 v18, v57;
	v21 =	vmin.f32 v59, v45  }
0x60: {  	v22 =	vmin.f32 v19, v58;
	v19 =	vmax.f32 v19, v58;
	v58 =	vmax.f32 v59, v45  }
0x61: {  	v23 =	vmin.f32 v22, v20;
	v25 =	vmin.f32 v55, v61;
	v13 =	vmax.f32 v55, v61  }
0x62: {  	v11 =	vmin.f32 v25, v21;
	v21 =	vmax.f32 v25, v21;
	v25 =	vmin.f32 v13, v58;
	v16 =	vld.idx.msk [tilespmem:v3+s18+$0x0], $0xffff  }
0x63: {  	v18 =	vmin.f32 v18, v57;
	v57 =	vmin.f32 v25, v21;
	v21 =	vmax.f32 v25, v21;
	v12 =	vld.idx.msk [tilespmem:v37+s18+$0x0], $0xffff  }
0x64: {  	v20 =	vmax.f32 v22, v20;
	v13 =	vmax.f32 v13, v58;
	v21 =	vmax.f32 v23, v21;
	v25 =	vld.idx.msk [tilespmem:v44+s18+$0x0], $0xffff  }
0x65: {  	v13 =	vmax.f32 v18, v13;
	v11 =	vmax.f32 v19, v11;
	v18 =	vmax.f32 v20, v57;
	v22 =	vld.idx.msk [tilespmem:v1+s18+$0x0], $0xffff  }
0x66: {  	v6 =	vadd.s32 $0x80, v6;
	v13 =	vmin.f32 v13, v21;
	v11 =	vmin.f32 v18, v11;
	v19 =	vld.idx.msk [tilespmem:v2+s18+$0x0], $0xffff  }
0x67: {  	v7 =	vadd.s32 $0x80, v7;
	v38 =	vadd.s32 $0x80, v38;
	v11 =	vmin.f32 v13, v11;
	v18 =	vld.idx.msk [tilespmem:v0+s18+$0x0], $0xffff  }
0x68: {  	vm0 =	vge.f32 v54, v11;
	vm1 =	vge.f32 v60, v11;
	vm2 =	vge.f32 v63, v11;
	v13 =	vld.idx.msk [tilespmem:v4+s18+$0x0], $0xffff  }
0x69: {  	v16 =	vnsel vm1, $0x0, v16;
	v12 =	vnsel vm0, $0x0, v12;
	vm0 =	vge.f32 v62, v11;
	v20 =	vld.idx.msk [tilespmem:v5+s18+$0x0], $0xffff  }
0x6a: {  	v39 =	vadd.s32 $0x80, v39;
	vm3 =	vge.f32 v61, v11;
	vm1 =	vge.f32 v55, v11;
	[tilespmem:v37+s23+$0x0] =	vst.idx.msk $0xffff, v12  }
0x6b: {  	vm4 =	vge.f32 v45, v11;
	[tilespmem:v3+s23+$0x0] =	vst.idx.msk $0xffff, v16;
	v16 =	vnsel vm2, $0x0, v22;
	vm2 =	vge.f32 v59, v11  }
.Ltmp2:
0x6c: {  	v40 =	vadd.s32 $0x80, v40;
	v11 =	vshll.u32 v50, $0x2;
	v12 =	vnsel vm0, $0x0, v19;
	v3 =	vmovc v47;
	[tilespmem:v1+s23+$0x0] =	vst.idx.msk $0xffff, v16;
	v1 =	vmovc v48;
	(pc) =	sbr.rel @p1 .LBB2_3-.Ltmp2, $4  }
0x6d: {  	v37 =	vmovc v51;
	v16 =	vand.u32 $0x7F, v50;
	v11 =	vand.u32 $0xFFFFFE00, v11;
	[tilespmem:v2+s23+$0x0] =	vst.idx.msk $0xffff, v12;
	v12 =	vnsel vm1, $0x0, v18;
	v2 =	vmovc v52  }
0x6e: {  	v41 =	vadd.s32 $0x80, v41;
	v45 =	vor.u32 v16, v11;
	v11 =	vnsel vm3, $0x0, v13;
	[tilespmem:v0+s23+$0x0] =	vst.idx.msk $0xffff, v12;
	v0 =	vmovc v56  }
0x6f: {  	v42 =	vadd.s32 $0x80, v42;
	v12 =	vand.u32 $0x7E, v46;
	[tilespmem:v4+s23+$0x0] =	vst.idx.msk $0xffff, v11;
	v11 =	vnsel vm2, $0x0, v20;
	v4 =	vmovc v53  }
0x70: {  	v43 =	vadd.s32 $0x80, v43;
	v46 =	vnsel vm4, $0x0, v25;
	[tilespmem:v5+s23+$0x0] =	vst.idx.msk $0xffff, v11;
	v5 =	vor.u32 v12, v49  }
0x71: {  	_ =	sdelay $0x3  }
0x72: {  	[tilespmem:v44+s23+$0x0] =	vst.idx.msk $0xffff, v46  }
0x73: {  	v6 =	vld.idx.msk [tilespmem:v37+s5+$0x0], $0xffff  }
0x74: {  	v7 =	vld.idx.msk [tilespmem:v45+s5+$0x0], $0xffff  }
0x75: {  	v11 =	vld.idx.msk [tilespmem:v2+s5+$0x0], $0xffff  }
0x76: {  	v12 =	vld.idx.msk [tilespmem:v1+s5+$0x0], $0xffff  }
0x77: {  	v13 =	vld.idx.msk [tilespmem:v3+s5+$0x0], $0xffff  }
0x78: {  	v16 =	vld.idx.msk [tilespmem:v5+s5+$0x0], $0xffff  }
0x79: {  	v18 =	vld.idx.msk [tilespmem:v4+s5+$0x0], $0xffff  }
0x7a: {  	v19 =	vld.idx.msk [tilespmem:v0+s5+$0x0], $0xffff;
	_ =	sdelay $0x2  }
0x7b: {  	v20 =	vmin.f32 v12, v11;
	v21 =	vmax.f32 v12, v11;
	v22 =	vmin.f32 v6, v13  }
0x7c: {  	v23 =	vmax.f32 v6, v13;
	v38 =	vmin.f32 v16, v7;
	v54 =	vmax.f32 v16, v7  }
0x7d: {  	v41 =	vmin.f32 v19, v18;
	v42 =	vmax.f32 v19, v18;
	v25 =	vmax.f32 v22, v20  }
0x7e: {  	v39 =	vmin.f32 v23, v21;
	v21 =	vmax.f32 v23, v21;
	v55 =	vmin.f32 v41, v38  }
0x7f: {  	v38 =	vmax.f32 v41, v38;
	v56 =	vmin.f32 v42, v54;
	v20 =	vmin.f32 v22, v20  }
0x80: {  	v43 =	vld.idx.msk [tilespmem:v3+s18+$0x0], $0xffff;
	v23 =	vmax.f32 v42, v54;
	v40 =	vmin.f32 v39, v25;
	v57 =	vmin.f32 v56, v38  }
0x81: {  	v46 =	vld.idx.msk [tilespmem:v37+s18+$0x0], $0xffff;
	v38 =	vmax.f32 v56, v38;
	v25 =	vmax.f32 v39, v25;
	v20 =	vmax.f32 v20, v23  }
0x82: {  	v58 =	vld.idx.msk [tilespmem:v45+s18+$0x0], $0xffff;
	v21 =	vmax.f32 v21, v55;
	v38 =	vmax.f32 v40, v38;
	v22 =	vmax.f32 v25, v57  }
0x83: {  	v59 =	vld.idx.msk [tilespmem:v1+s18+$0x0], $0xffff;
	v20 =	vmin.f32 v20, v38;
	v21 =	vmin.f32 v22, v21  }
0x84: {  	v60 =	vld.idx.msk [tilespmem:v2+s18+$0x0], $0xffff;
	v20 =	vmin.f32 v20, v21  }
0x85: {  	v61 =	vld.idx.msk [tilespmem:v0+s18+$0x0], $0xffff;
	vm0 =	vge.f32 v6, v20  }
0x86: {  	v62 =	vld.idx.msk [tilespmem:v4+s18+$0x0], $0xffff;
	vm1 =	vge.f32 v13, v20;
	vm2 =	vge.f32 v12, v20;
	v12 =	vnsel vm0, $0x0, v46  }
0x87: {  	v6 =	vld.idx.msk [tilespmem:v5+s18+$0x0], $0xffff;
	v13 =	vnsel vm1, $0x0, v43;
	[tilespmem:v37+s23+$0x0] =	vst.idx.msk $0xffff, v12  }
0x88: {  	vm13 =	vge.f32 v11, v20;
	v11 =	vnsel vm2, $0x0, v59;
	v12 =	vld [tilespmem:$0x1FFD0];
	[tilespmem:v3+s23+$0x0] =	vst.idx.msk $0xffff, v13  }
0x89: {  	vm14 =	vge.f32 v19, v20;
	vm4 =	vge.f32 v7, v20;
	v7 =	vnsel vm13, $0x0, v60;
	[tilespmem:v1+s23+$0x0] =	vst.idx.msk $0xffff, v11  }
0x8a: {  	vm15 =	vge.f32 v16, v20;
	v16 =	vnsel vm14, $0x0, v61;
	[tilespmem:v2+s23+$0x0] =	vst.idx.msk $0xffff, v7  }
0x8b: {  	[tilespmem:v0+s23+$0x0] =	vst.idx.msk $0xffff, v16;
	v0 =	vld [tilespmem:$0x1FEE0];
	_ =	sdelay $0x1  }
0x8c: {  	v13 =	vld [tilespmem:$0x1FFF0];
	v12 =	vand.u32 $0x7E, v12  }
0x8d: {  	v63 =	vor.u32 v35, v12;
	v12 =	vld [tilespmem:$0x1FEF0]  }
0x8e: {  	v1 =	vld [tilespmem:$0x1FF00]  }
0x8f: {  	v2 =	vor.u32 v31, v0;
	v0 =	vld [tilespmem:$0x1FED0]  }
0x90: {  	vm3 =	vge.f32 v18, v20  }
0x91: {  	v15 =	vor.u32 v32, v15;
	v18 =	vnsel vm3, $0x0, v62  }
0x92: {  	v19 =	vnsel vm4, $0x0, v58;
	v6 =	vnsel vm15, $0x0, v6;
	v35 =	vor.u32 v14, v12  }
0x93: {  	[tilespmem:v4+s23+$0x0] =	vst.idx.msk $0xffff, v18;
	v3 =	vshll.u32 v13, $0x2;
	v36 =	vor.u32 v36, v1;
	v11 =	vor.u32 $0x80, v35  }
0x94: {  	[tilespmem:v5+s23+$0x0] =	vst.idx.msk $0xffff, v6;
	v1 =	vand.u32 $0x7F, v13;
	v5 =	vmovc v11;
	v14 =	vor.u32 v17, v0;
	v0 =	vand.u32 $0xFFFFFE00, v3  }
0x95: {  	v32 =	vor.u32 v34, v33;
	[tilespmem:v45+s23+$0x0] =	vst.idx.msk $0xffff, v19;
	v31 =	vor.u32 $0x80, v2;
	v0 =	vor.u32 v0, v1  }
0x96: {  	[tilespmem:$0x1FEC0] =	vst v63;
	v16 =	vor.u32 $0x80, v36;
	v12 =	vor.u32 $0x80, v15;
	v33 =	vor.u32 $0x80, v0  }
0x97: {  	v13 =	vor.u32 $0x80, v32;
	v6 =	vmovc v16;
	[tilespmem:$0x1FEA0] =	vst v2;
	v4 =	vmov v12;
	v17 =	vor.u32 $0x80, v14  }
0x98: {  	v2 =	vmovc v31;
	v3 =	vmovc v13;
	v1 =	vor.u32 $0x80, v63;
	[tilespmem:$0x1FEB0] =	vst v0;
	v7 =	vmov v17;
	v0 =	vmov v33  }
.LBB2_5:
0x99: {  	v18 =	vand.u32 $0x7E, v24;
	v19 =	vshll.u32 v24, $0x2;
	v20 =	vand.u32 $0x7F, v28;
	p1 =	sne.s32 s3, $0x1;
	s3 =	sadd.s32 $0xFFFFFFFF, s3;
	v21 =	vld.idx.msk [tilespmem:v5+s5+$0x0], $0xffff  }
0x9a: {  	v22 =	vshll.u32 v28, $0x2;
	v23 =	vshll.u32 v29, $0x2;
	v25 =	vshll.u32 v30, $0x2;
	v34 =	vld.idx.msk [tilespmem:v31+s5+$0x0], $0xffff  }
0x9b: {  	v37 =	vshll.u32 v10, $0x2;
	v38 =	vand.u32 $0x7E, v29;
	v31 =	vshll.u32 v27, $0x2;
	v33 =	vld.idx.msk [tilespmem:v33+s5+$0x0], $0xffff  }
0x9c: {  	v39 =	vshll.u32 v9, $0x2;
	v40 =	vshll.u32 v26, $0x2;
	v41 =	vand.u32 $0x7F, v27;
	v42 =	vld.idx.msk [tilespmem:v4+s5+$0x0], $0xffff  }
0x9d: {  	v39 =	vand.u32 $0xFFFFFE00, v39;
	v19 =	vand.u32 $0xFFFFFE00, v19;
	v23 =	vand.u32 $0xFFFFFE00, v23;
	v43 =	vld.idx.msk [tilespmem:v1+s5+$0x0], $0xffff  }
0x9e: {  	v40 =	vand.u32 $0xFFFFFE00, v40;
	v37 =	vand.u32 $0xFFFFFE00, v37;
	v23 =	vor.u32 v23, v38;
	v38 =	vld.idx.msk [tilespmem:v6+s5+$0x0], $0xffff  }
0x9f: {  	v44 =	vand.u32 $0x78, v9;
	v45 =	vand.u32 $0x7C, v10;
	v31 =	vand.u32 $0xFFFFFE00, v31;
	v46 =	vld.idx.msk [tilespmem:v3+s5+$0x0], $0xffff  }
0xa0: {  	v47 =	vand.u32 $0x7F, v26;
	v18 =	vor.u32 v19, v18;
	v19 =	vand.u32 $0xFFFFFE00, v22;
	v22 =	vld.idx.msk [tilespmem:v7+s5+$0x0], $0xffff  }
0xa1: {  	v40 =	vor.u32 v40, v47;
	v47 =	vand.u32 $0x7F, v30;
	v18 =	vor.u32 $0x80, v18  }
0xa2: {  	v37 =	vor.u32 v37, v45;
	v31 =	vor.u32 v31, v41;
	v41 =	vmax.f32 v21, v42  }
0xa3: {  	v19 =	vor.u32 v19, v20;
	v45 =	vor.u32 $0x80, v31;
	v20 =	vmax.f32 v43, v33  }
0xa4: {  	v25 =	vand.u32 $0xFFFFFE00, v25;
	v39 =	vor.u32 v39, v44;
	v44 =	vmin.f32 v21, v42  }
0xa5: {  	v50 =	vmin.f32 v43, v33;
	v48 =	vmin.f32 v46, v34;
	v49 =	vmax.f32 v46, v34  }
0xa6: {  	v40 =	vor.u32 $0x80, v40;
	v37 =	vor.u32 $0x80, v37;
	v31 =	vmax.f32 v22, v38  }
0xa7: {  	v52 =	vmax.f32 v48, v50;
	v53 =	vmin.f32 v49, v20;
	v51 =	vmin.f32 v31, v41  }
0xa8: {  	v54 =	vmin.f32 v22, v38;
	v41 =	vmax.f32 v31, v41;
	v55 =	vmin.f32 v53, v52  }
0xa9: {  	v31 =	vor.u32 $0x80, v19;
	v56 =	vmin.f32 v54, v44;
	v44 =	vmax.f32 v54, v44;
	v19 =	vld.idx.msk [tilespmem:v6+s18+$0x0], $0xffff  }
0xaa: {  	v48 =	vmin.f32 v48, v50;
	v50 =	vmax.f32 v53, v52;
	v57 =	vmax.f32 v51, v44;
	v54 =	vld.idx.msk [tilespmem:v7+s18+$0x0], $0xffff  }
0xab: {  	v20 =	vmax.f32 v49, v20;
	v44 =	vmin.f32 v51, v44;
	v49 =	vmax.f32 v57, v55;
	v52 =	vld.idx.msk [tilespmem:v5+s18+$0x0], $0xffff  }
0xac: {  	v20 =	vmax.f32 v56, v20;
	v41 =	vmax.f32 v41, v48;
	v44 =	vmax.f32 v44, v50;
	v51 =	vld.idx.msk [tilespmem:v0+s18+$0x0], $0xffff  }
0xad: {  	v25 =	vor.u32 v25, v47;
	v20 =	vmin.f32 v20, v44;
	v41 =	vmin.f32 v49, v41;
	v47 =	vld.idx.msk [tilespmem:v4+s18+$0x0], $0xffff  }
0xae: {  	v20 =	vmin.f32 v20, v41;
	v44 =	vld.idx.msk [tilespmem:v3+s18+$0x0], $0xffff  }
0xaf: {  	vm0 =	vge.f32 v22, v20;
	vm1 =	vge.f32 v38, v20;
	vm2 =	vge.f32 v21, v20;
	v41 =	vld.idx.msk [tilespmem:v2+s18+$0x0], $0xffff  }
0xb0: {  	v21 =	vor.u32 $0x80, v39;
	v19 =	vnsel vm1, $0x0, v19;
	v38 =	vnsel vm0, $0x0, v54;
	v22 =	vld.idx.msk [tilespmem:v1+s18+$0x0], $0xffff  }
0xb1: {  	vm1 =	vge.f32 v46, v20;
	vm0 =	vge.f32 v42, v20;
	[tilespmem:v7+s23+$0x0] =	vst.idx.msk $0xffff, v38;
	v38 =	vnsel vm2, $0x0, v52  }
0xb2: {  	vm3 =	vge.f32 v43, v20;
	vm2 =	vge.f32 v34, v20;
	[tilespmem:v6+s23+$0x0] =	vst.idx.msk $0xffff, v19;
	v6 =	vmov v40  }
0xb3: {  	v7 =	vmovc v21;
	v19 =	vnsel vm0, $0x0, v47;
	vm0 =	vge.f32 v33, v20;
	[tilespmem:v5+s23+$0x0] =	vst.idx.msk $0xffff, v38;
	v5 =	vmov v18  }
.Ltmp3:
0xb4: {  	v29 =	vadd.s32 $0x80, v29;
	v18 =	vnsel vm1, $0x0, v44;
	[tilespmem:v4+s23+$0x0] =	vst.idx.msk $0xffff, v19;
	v4 =	vmov v45;
	(pc) =	sbr.rel @p1 .LBB2_5-.Ltmp3, $4  }
0xb5: {  	v10 =	vadd.s32 $0x80, v10;
	v27 =	vadd.s32 $0x80, v27;
	[tilespmem:v3+s23+$0x0] =	vst.idx.msk $0xffff, v18;
	v18 =	vnsel vm2, $0x0, v41;
	v3 =	vmovc v37  }
0xb6: {  	v26 =	vadd.s32 $0x80, v26;
	v33 =	vor.u32 $0x80, v25;
	[tilespmem:v2+s23+$0x0] =	vst.idx.msk $0xffff, v18;
	v18 =	vnsel vm3, $0x0, v22;
	v2 =	vmovc v31  }
0xb7: {  	v9 =	vadd.s32 $0x80, v9;
	v30 =	vadd.s32 $0x80, v30;
	[tilespmem:v1+s23+$0x0] =	vst.idx.msk $0xffff, v18;
	v18 =	vnsel vm0, $0x0, v51  }
0xb8: {  	v24 =	vadd.s32 $0x80, v24;
	v28 =	vadd.s32 $0x80, v28;
	v1 =	vor.u32 $0x80, v23;
	[tilespmem:v0+s23+$0x0] =	vst.idx.msk $0xffff, v18;
	v0 =	vmovc v33  }
0xb9: {  	_ =	sdelay $0x3  }
0xba: {  	v9 =	vld.idx.msk [tilespmem:v5+s5+$0x0], $0xffff  }
0xbb: {  	v10 =	vld.idx.msk [tilespmem:v31+s5+$0x0], $0xffff  }
0xbc: {  	v18 =	vld.idx.msk [tilespmem:v33+s5+$0x0], $0xffff  }
0xbd: {  	v19 =	vld.idx.msk [tilespmem:v4+s5+$0x0], $0xffff  }
0xbe: {  	v20 =	vld.idx.msk [tilespmem:v1+s5+$0x0], $0xffff  }
0xbf: {  	v21 =	vld.idx.msk [tilespmem:v6+s5+$0x0], $0xffff  }
0xc0: {  	v22 =	vld.idx.msk [tilespmem:v3+s5+$0x0], $0xffff  }
0xc1: {  	v23 =	vld.idx.msk [tilespmem:v7+s5+$0x0], $0xffff;
	_ =	sdelay $0x3  }
0xc2: {  	v24 =	vmax.f32 v9, v19;
	v25 =	vmax.f32 v20, v18;
	v26 =	vmin.f32 v9, v19  }
0xc3: {  	v27 =	vmin.f32 v22, v10;
	v28 =	vmin.f32 v20, v18;
	v29 =	vmax.f32 v23, v21  }
0xc4: {  	v30 =	vmax.f32 v22, v10;
	v37 =	vmin.f32 v23, v21;
	v31 =	vmin.f32 v29, v24  }
0xc5: {  	v52 =	vmax.f32 v27, v28;
	v34 =	vmin.f32 v30, v25;
	v24 =	vmax.f32 v29, v24  }
0xc6: {  	v39 =	vmin.f32 v37, v26;
	v26 =	vmax.f32 v37, v26;
	v27 =	vmin.f32 v27, v28  }
0xc7: {  	v53 =	vld.idx.msk [tilespmem:v7+s18+$0x0], $0xffff;
	v25 =	vmax.f32 v30, v25;
	v38 =	vmin.f32 v34, v52;
	v40 =	vmax.f32 v31, v26  }
0xc8: {  	v54 =	vld.idx.msk [tilespmem:v5+s18+$0x0], $0xffff;
	v28 =	vmax.f32 v34, v52;
	v26 =	vmin.f32 v31, v26;
	v25 =	vmax.f32 v39, v25  }
0xc9: {  	v29 =	vld.idx.msk [tilespmem:v6+s18+$0x0], $0xffff;
	v24 =	vmax.f32 v24, v27;
	v30 =	vmax.f32 v40, v38;
	v26 =	vmax.f32 v26, v28  }
0xca: {  	v55 =	vld.idx.msk [tilespmem:v3+s18+$0x0], $0xffff;
	v25 =	vmin.f32 v25, v26;
	v24 =	vmin.f32 v30, v24  }
0xcb: {  	v31 =	vld.idx.msk [tilespmem:v4+s18+$0x0], $0xffff;
	v24 =	vmin.f32 v25, v24  }
0xcc: {  	v56 =	vld.idx.msk [tilespmem:v2+s18+$0x0], $0xffff;
	[tilespmem:$0x1FCD0] =	vst v14;
	vm0 =	vge.f32 v23, v24  }
0xcd: {  	v57 =	vld.idx.msk [tilespmem:v1+s18+$0x0], $0xffff;
	[tilespmem:$0x1FCF0] =	vst v15;
	vm1 =	vge.f32 v21, v24;
	vm2 =	vge.f32 v9, v24;
	v9 =	vnsel vm0, $0x0, v53  }
0xce: {  	v28 =	vld.idx.msk [tilespmem:v0+s18+$0x0], $0xffff;
	v21 =	vnsel vm1, $0x0, v29;
	[tilespmem:v7+s23+$0x0] =	vst.idx.msk $0xffff, v9  }
0xcf: {  	vm15 =	vge.f32 v19, v24;
	v58 =	vnsel vm2, $0x0, v54;
	[tilespmem:v6+s23+$0x0] =	vst.idx.msk $0xffff, v21  }
0xd0: {  	vm6 =	vge.f32 v22, v24;
	vm7 =	vge.f32 v10, v24;
	v10 =	vnsel vm15, $0x0, v31;
	[tilespmem:v5+s23+$0x0] =	vst.idx.msk $0xffff, v58;
	v5 =	vld [tilespmem:$0x1FEA0]  }
0xd1: {  	v15 =	vor.u32 $0x100, v15;
	v7 =	vnsel vm6, $0x0, v55;
	[tilespmem:v4+s23+$0x0] =	vst.idx.msk $0xffff, v10;
	v4 =	vld [tilespmem:$0x1FFF0]  }
0xd2: {  	v26 =	vor.u32 $0x100, v36;
	vm3 =	vge.f32 v20, v24;
	v9 =	vnsel vm7, $0x0, v56;
	[tilespmem:v3+s23+$0x0] =	vst.idx.msk $0xffff, v7;
	v3 =	vld [tilespmem:$0x1FFD0]  }
0xd3: {  	v27 =	vor.u32 $0x100, v35;
	vm8 =	vge.f32 v18, v24;
	v18 =	vnsel vm3, $0x0, v57;
	[tilespmem:v2+s23+$0x0] =	vst.idx.msk $0xffff, v9;
	v2 =	vld [tilespmem:$0x1FFC0]  }
0xd4: {  	v6 =	vnsel vm8, $0x0, v28;
	v28 =	vor.u32 $0x100, v14;
	[tilespmem:v1+s23+$0x0] =	vst.idx.msk $0xffff, v18;
	v1 =	vld [tilespmem:$0x1FFB0]  }
0xd5: {  	v14 =	vor.u32 $0x100, v5;
	v5 =	vld [tilespmem:$0x1FEB0];
	[tilespmem:v0+s23+$0x0] =	vst.idx.msk $0xffff, v6  }
0xd6: {  	v10 =	vld.idx.msk [tilespmem:v15+s5+$0x0], $0xffff  }
0xd7: {  	v18 =	vld.idx.msk [tilespmem:v26+s5+$0x0], $0xffff  }
0xd8: {  	v24 =	vor.u32 $0x100, v32;
	v23 =	vld.idx.msk [tilespmem:v27+s5+$0x0], $0xffff  }
0xd9: {  	v25 =	vld.idx.msk [tilespmem:v28+s5+$0x0], $0xffff  }
0xda: {  	v41 =	vadd.s32 $0x80, v3;
	v3 =	vld [tilespmem:$0x1FFA0]  }
0xdb: {  	v44 =	vadd.s32 $0x80, v2;
	v2 =	vld [tilespmem:$0x1FF90]  }
0xdc: {  	v47 =	vadd.s32 $0x80, v1;
	v1 =	vld [tilespmem:$0x1FEC0]  }
0xdd: {  	v40 =	vadd.s32 $0x80, v4;
	v21 =	vld.idx.msk [tilespmem:v24+s5+$0x0], $0xffff;
	v19 =	vand.u32 $0x7E, v41  }
0xde: {  	[tilespmem:$0x1FCE0] =	vst v36;
	v29 =	vand.u32 $0x7F, v44;
	v56 =	vor.u32 $0x100, v5;
	v9 =	vld.idx.msk [tilespmem:v14+s5+$0x0], $0xffff;
	v5 =	vshll.u32 v47, $0x2  }
0xdf: {  	[tilespmem:$0x1FD00] =	vst v35;
	v31 =	vand.u32 $0x7C, v47;
	v5 =	vand.u32 $0xFFFFFE00, v5;
	v42 =	vadd.s32 $0x80, v3;
	v3 =	vld [tilespmem:$0x1FF80]  }
0xe0: {  	[tilespmem:$0x1FD10] =	vst v32;
	v52 =	vmin.f32 v25, v18;
	v53 =	vmax.f32 v25, v18;
	v45 =	vadd.s32 $0x80, v2;
	v2 =	vld [tilespmem:$0x1FFE0]  }
0xe1: {  	[tilespmem:$0x1FE60] =	vst v15;
	v48 =	vmin.f32 v23, v10;
	v62 =	vor.u32 v5, v31;
	v55 =	vor.u32 $0x100, v1  }
0xe2: {  	[tilespmem:$0x1FE50] =	vst v27;
	v49 =	vmin.f32 v52, v48;
	v38 =	vmax.f32 v52, v48;
	v0 =	vshll.u32 v45, $0x2  }
0xe3: {  	[tilespmem:$0x1FE40] =	vst v26;
	v60 =	vand.u32 $0x7F, v42;
	v4 =	vshll.u32 v42, $0x2;
	v35 =	vand.u32 $0xFFFFFE00, v0  }
0xe4: {  	[tilespmem:$0x1FDB0] =	vst v5;
	v5 =	vmin.f32 v21, v9;
	v43 =	vadd.s32 $0x80, v3;
	v3 =	vshll.u32 v40, $0x2  }
0xe5: {  	[tilespmem:$0x1FE70] =	vst v24;
	v20 =	vld.idx.msk [tilespmem:v56+s5+$0x0], $0xffff;
	v46 =	vadd.s32 $0x80, v2;
	v2 =	vshll.u32 v41, $0x2;
	v7 =	vshll.u32 v43, $0x2  }
0xe6: {  	[tilespmem:$0x1FE30] =	vst v28;
	v3 =	vand.u32 $0xFFFFFE00, v3;
	v61 =	vand.u32 $0x7F, v43;
	v7 =	vand.u32 $0xFFFFFE00, v7;
	v22 =	vld.idx.msk [tilespmem:v55+s5+$0x0], $0xffff  }
0xe7: {  	v59 =	vand.u32 $0x78, v46;
	v6 =	vshll.u32 v46, $0x2;
	v0 =	vand.u32 $0xFFFFFE00, v2;
	[tilespmem:$0x1FD50] =	vst v7  }
0xe8: {  	v2 =	vand.u32 $0xFFFFFE00, v4;
	v4 =	vand.u32 $0x7F, v40;
	v6 =	vand.u32 $0xFFFFFE00, v6;
	[tilespmem:$0x1FDD0] =	vst v0  }
0xe9: {  	v7 =	vor.u32 v7, v61;
	v0 =	vor.u32 v0, v19;
	v3 =	vor.u32 v3, v4;
	[tilespmem:$0x1FD30] =	vst v6  }
0xea: {  	v58 =	vld.idx.msk [tilespmem:v28+s18+$0x0], $0xffff;
	v4 =	vmax.f32 v21, v9;
	v6 =	vor.u32 v6, v59;
	[tilespmem:$0x1FD70] =	vst v7;
	v33 =	vor.u32 $0x100, v7  }
0xeb: {  	v51 =	vld.idx.msk [tilespmem:v15+s18+$0x0], $0xffff;
	v7 =	vmax.f32 v23, v10;
	[tilespmem:$0x1FD60] =	vst v6;
	v34 =	vor.u32 $0x100, v6;
	v6 =	vmin.f32 v22, v20  }
0xec: {  	[tilespmem:$0x1FE90] =	vst v14;
	v19 =	vmax.f32 v22, v20;
	v63 =	vmax.f32 v5, v6;
	v5 =	vmin.f32 v5, v6  }
0xed: {  	[tilespmem:$0x1FDE0] =	vst v29;
	v6 =	vmin.f32 v53, v7;
	v54 =	vmin.f32 v4, v19;
	v4 =	vmax.f32 v4, v19  }
0xee: {  	[tilespmem:$0x1FD80] =	vst v60;
	v7 =	vmax.f32 v53, v7;
	v50 =	vmax.f32 v6, v38;
	v57 =	vmin.f32 v54, v63  }
0xef: {  	[tilespmem:$0x1FD20] =	vst v59;
	v4 =	vmax.f32 v49, v4;
	v6 =	vmin.f32 v6, v38;
	v37 =	vmax.f32 v54, v63  }
0xf0: {  	v19 =	vld.idx.msk [tilespmem:v26+s18+$0x0], $0xffff;
	v5 =	vmax.f32 v7, v5;
	v59 =	vmax.f32 v50, v57;
	v6 =	vmax.f32 v6, v37  }
0xf1: {  	[tilespmem:$0x1FD40] =	vst v61;
	v61 =	vld.idx.msk [tilespmem:v27+s18+$0x0], $0xffff;
	v7 =	vmin.f32 v4, v6;
	v5 =	vmin.f32 v59, v5  }
0xf2: {  	[tilespmem:$0x1FD90] =	vst v2;
	v2 =	vor.u32 v2, v60;
	v60 =	vld.idx.msk [tilespmem:v56+s18+$0x0], $0xffff;
	v52 =	vmin.f32 v7, v5  }
0xf3: {  	[tilespmem:$0x1FE20] =	vst v62;
	v5 =	vor.u32 $0x100, v62;
	v62 =	vld.idx.msk [tilespmem:v24+s18+$0x0], $0xffff;
	vm9 =	vge.f32 v25, v52  }
0xf4: {  	[tilespmem:$0x1FDA0] =	vst v31;
	vm10 =	vge.f32 v18, v52;
	vm11 =	vge.f32 v23, v52;
	v18 =	vld.idx.msk [tilespmem:v14+s18+$0x0], $0xffff;
	v63 =	vnsel vm9, $0x0, v58  }
0xf5: {  	vm12 =	vge.f32 v10, v52;
	v10 =	vld.idx.msk [tilespmem:v55+s18+$0x0], $0xffff;
	v19 =	vnsel vm10, $0x0, v19;
	[tilespmem:v28+s23+$0x0] =	vst.idx.msk $0xffff, v63  }
0xf6: {  	vm14 =	vge.f32 v9, v52;
	v9 =	vnsel vm11, $0x0, v61;
	[tilespmem:v26+s23+$0x0] =	vst.idx.msk $0xffff, v19  }
0xf7: {  	vm13 =	vge.f32 v21, v52;
	[tilespmem:v27+s23+$0x0] =	vst.idx.msk $0xffff, v9;
	v9 =	vnsel vm12, $0x0, v51  }
0xf8: {  	v48 =	vadd.s32 $0x80, v40;
	v39 =	vadd.s32 $0x80, v42;
	[tilespmem:v15+s23+$0x0] =	vst.idx.msk $0xffff, v9;
	v9 =	vnsel vm13, $0x0, v62  }
0xf9: {  	v30 =	vand.u32 $0x7E, v45;
	v1 =	vshll.u32 v44, $0x2;
	[tilespmem:v24+s23+$0x0] =	vst.idx.msk $0xffff, v9;
	v9 =	vnsel vm14, $0x0, v18  }
0xfa: {  	v1 =	vand.u32 $0xFFFFFE00, v1;
	[tilespmem:$0x1FE00] =	vst v30;
	v31 =	vor.u32 $0x100, v2;
	vm15 =	vge.f32 v22, v52  }
0xfb: {  	[tilespmem:$0x1FDC0] =	vst v2;
	v2 =	vor.u32 v1, v29;
	v38 =	vadd.s32 $0x80, v41;
	v59 =	vnsel vm15, $0x0, v10;
	v10 =	vmovc v55  }
0xfc: {  	v49 =	vadd.s32 $0x80, v43;
	v54 =	vadd.s32 $0x80, v46;
	v37 =	vor.u32 $0x100, v2;
	[tilespmem:v14+s23+$0x0] =	vst.idx.msk $0xffff, v9;
	v9 =	vmovc v56  }
0xfd: {  	[tilespmem:$0x1FDF0] =	vst v1;
	v50 =	vadd.s32 $0x80, v44;
	v57 =	vor.u32 $0x100, v0;
	v4 =	vor.u32 v35, v30  }
0xfe: {  	[tilespmem:$0x1FE10] =	vst v35;
	v6 =	vor.u32 $0x100, v3;
	v7 =	vor.u32 $0x100, v4;
	vm4 =	vge.f32 v20, v52  }
0xff: {  	s3 =	simm.s32 $0x1E;
	[tilespmem:$0x1FE80] =	vst v0;
	v53 =	vmovc v37;
	v52 =	vadd.s32 $0x80, v47;
	v58 =	vnsel vm4, $0x0, v60;
	v51 =	vadd.s32 $0x80, v45  }
.LBB2_7:
0x100: {  	v18 =	vand.u32 $0x78, v54;
	v19 =	vand.u32 $0x7E, v51;
	v20 =	vand.u32 $0x7C, v52;
	p1 =	sne.s32 s3, $0x1;
	s3 =	sadd.s32 $0xFFFFFFFF, s3;
	[tilespmem:v10+s23+$0x0] =	vst.idx.msk $0xffff, v59;
	v10 =	vmovc v57  }
0x101: {  	v21 =	vshll.u32 v51, $0x2;
	v22 =	vand.u32 $0x7F, v39;
	v23 =	vshll.u32 v50, $0x2;
	[tilespmem:v9+s23+$0x0] =	vst.idx.msk $0xffff, v58;
	v9 =	vmovc v6  }
0x102: {  	v25 =	vand.u32 $0x7F, v50;
	v57 =	vshll.u32 v38, $0x2;
	v58 =	vshll.u32 v48, $0x2;
	v59 =	vld.idx.msk [tilespmem:v37+s5+$0x0], $0xffff  }
0x103: {  	v60 =	vshll.u32 v52, $0x2;
	v37 =	vshll.u32 v39, $0x2;
	v58 =	vand.u32 $0xFFFFFE00, v58;
	v24 =	vld.idx.msk [tilespmem:v31+s5+$0x0], $0xffff  }
0x104: {  	v26 =	vshll.u32 v54, $0x2;
	v27 =	vshll.u32 v49, $0x2;
	v28 =	vand.u32 $0x7E, v38;
	v29 =	vld.idx.msk [tilespmem:v33+s5+$0x0], $0xffff  }
0x105: {  	v30 =	vand.u32 $0x7F, v49;
	v26 =	vand.u32 $0xFFFFFE00, v26;
	v27 =	vand.u32 $0xFFFFFE00, v27;
	v35 =	vld.idx.msk [tilespmem:v6+s5+$0x0], $0xffff  }
0x106: {  	v6 =	vor.u32 v26, v18;
	v18 =	vand.u32 $0xFFFFFE00, v21;
	v21 =	vand.u32 $0xFFFFFE00, v23;
	v23 =	vld.idx.msk [tilespmem:v5+s5+$0x0], $0xffff  }
0x107: {  	v57 =	vand.u32 $0xFFFFFE00, v57;
	v26 =	vand.u32 $0xFFFFFE00, v60;
	v60 =	vld.idx.msk [tilespmem:v7+s5+$0x0], $0xffff  }
0x108: {  	v27 =	vor.u32 v27, v30;
	v30 =	vand.u32 $0xFFFFFE00, v37;
	v36 =	vld.idx.msk [tilespmem:v10+s5+$0x0], $0xffff  }
0x109: {  	v27 =	vor.u32 $0x100, v27;
	v14 =	vor.u32 $0x100, v6  }
0x10a: {  	v6 =	vor.u32 v30, v22;
	v20 =	vor.u32 v26, v20;
	v22 =	vand.u32 $0x7F, v48;
	v26 =	vld.idx.msk [tilespmem:v34+s5+$0x0], $0xffff  }
0x10b: {  	v28 =	vor.u32 v57, v28;
	v30 =	vor.u32 $0x100, v6  }
0x10c: {  	v6 =	vor.u32 v21, v25;
	v21 =	vor.u32 v58, v22;
	v22 =	vmax.f32 v23, v59  }
0x10d: {  	v37 =	vor.u32 $0x100, v6;
	v6 =	vor.u32 $0x100, v21;
	v21 =	vmax.f32 v60, v24  }
0x10e: {  	v18 =	vor.u32 v18, v19;
	v19 =	vmin.f32 v23, v59;
	v25 =	vmin.f32 v36, v35  }
0x10f: {  	v18 =	vor.u32 $0x100, v18;
	v57 =	vmax.f32 v36, v35;
	v58 =	vmax.f32 v19, v25  }
0x110: {  	v19 =	vmin.f32 v19, v25;
	v15 =	vmin.f32 v26, v29;
	v32 =	vmax.f32 v26, v29  }
0x111: {  	v20 =	vor.u32 $0x100, v20;
	v25 =	vmin.f32 v60, v24;
	v61 =	vmin.f32 v32, v21  }
0x112: {  	v62 =	vmin.f32 v15, v25;
	v15 =	vmax.f32 v15, v25;
	v25 =	vmin.f32 v22, v57  }
0x113: {  	v22 =	vmax.f32 v22, v57;
	v0 =	vmax.f32 v61, v15;
	v57 =	vmin.f32 v25, v58;
	v63 =	vld.idx.msk [tilespmem:v33+s18+$0x0], $0xffff  }
0x114: {  	v21 =	vmax.f32 v32, v21;
	v22 =	vmax.f32 v62, v22;
	v0 =	vmax.f32 v0, v57;
	v1 =	vld.idx.msk [tilespmem:v34+s18+$0x0], $0xffff  }
0x115: {  	v15 =	vmin.f32 v61, v15;
	v25 =	vmax.f32 v25, v58;
	v32 =	vld.idx.msk [tilespmem:v9+s18+$0x0], $0xffff  }
0x116: {  	v19 =	vmax.f32 v21, v19;
	v15 =	vmax.f32 v15, v25;
	v57 =	vld.idx.msk [tilespmem:v7+s18+$0x0], $0xffff  }
0x117: {  	v15 =	vmin.f32 v22, v15;
	v0 =	vmin.f32 v0, v19;
	v21 =	vld.idx.msk [tilespmem:v31+s18+$0x0], $0xffff  }
0x118: {  	v48 =	vadd.s32 $0x80, v48;
	v0 =	vmin.f32 v15, v0;
	v19 =	vld.idx.msk [tilespmem:v5+s18+$0x0], $0xffff  }
0x119: {  	vm0 =	vge.f32 v26, v0;
	vm1 =	vge.f32 v29, v0;
	vm2 =	vge.f32 v60, v0;
	v15 =	vld.idx.msk [tilespmem:v53+s18+$0x0], $0xffff  }
0x11a: {  	v25 =	vnsel vm1, $0x0, v63;
	v1 =	vnsel vm0, $0x0, v1;
	vm0 =	vge.f32 v24, v0;
	v22 =	vld.idx.msk [tilespmem:v10+s18+$0x0], $0xffff  }
0x11b: {  	v38 =	vadd.s32 $0x80, v38;
	vm3 =	vge.f32 v59, v0;
	vm1 =	vge.f32 v23, v0;
	[tilespmem:v34+s23+$0x0] =	vst.idx.msk $0xffff, v1  }
.Ltmp4:
0x11c: {  	vm4 =	vge.f32 v35, v0;
	v1 =	vnsel vm2, $0x0, v57;
	vm2 =	vge.f32 v36, v0;
	[tilespmem:v33+s23+$0x0] =	vst.idx.msk $0xffff, v25;
	(pc) =	sbr.rel @p1 .LBB2_7-.Ltmp4, $4  }
0x11d: {  	v39 =	vadd.s32 $0x80, v39;
	v58 =	vnsel vm4, $0x0, v32;
	v34 =	vmovc v14;
	v0 =	vnsel vm0, $0x0, v21;
	v33 =	vmovc v27;
	[tilespmem:v7+s23+$0x0] =	vst.idx.msk $0xffff, v1  }
0x11e: {  	v49 =	vadd.s32 $0x80, v49;
	v50 =	vadd.s32 $0x80, v50;
	v7 =	vmovc v18;
	[tilespmem:v31+s23+$0x0] =	vst.idx.msk $0xffff, v0;
	v0 =	vnsel vm1, $0x0, v19;
	v31 =	vmovc v30  }
0x11f: {  	v51 =	vadd.s32 $0x80, v51;
	v52 =	vadd.s32 $0x80, v52;
	[tilespmem:v5+s23+$0x0] =	vst.idx.msk $0xffff, v0;
	v0 =	vnsel vm3, $0x0, v15;
	v5 =	vmovc v20  }
0x120: {  	v54 =	vadd.s32 $0x80, v54;
	v57 =	vor.u32 $0x100, v28;
	v59 =	vnsel vm2, $0x0, v22;
	[tilespmem:v53+s23+$0x0] =	vst.idx.msk $0xffff, v0;
	v53 =	vmovc v37  }
0x121: {  	_ =	sdelay $0x3  }
0x122: {  	[tilespmem:v10+s23+$0x0] =	vst.idx.msk $0xffff, v59  }
0x123: {  	[tilespmem:v9+s23+$0x0] =	vst.idx.msk $0xffff, v58  }
0x124: {  	v0 =	vld.idx.msk [tilespmem:v37+s5+$0x0], $0xffff  }
0x125: {  	v1 =	vld.idx.msk [tilespmem:v31+s5+$0x0], $0xffff  }
0x126: {  	v9 =	vld.idx.msk [tilespmem:v33+s5+$0x0], $0xffff  }
0x127: {  	v10 =	vld.idx.msk [tilespmem:v6+s5+$0x0], $0xffff  }
0x128: {  	v14 =	vld.idx.msk [tilespmem:v5+s5+$0x0], $0xffff  }
0x129: {  	v15 =	vld.idx.msk [tilespmem:v57+s5+$0x0], $0xffff  }
0x12a: {  	v18 =	vld.idx.msk [tilespmem:v7+s5+$0x0], $0xffff  }
0x12b: {  	v19 =	vld.idx.msk [tilespmem:v34+s5+$0x0], $0xffff;
	_ =	sdelay $0x3  }
0x12c: {  	v20 =	vmax.f32 v14, v0;
	v21 =	vmin.f32 v14, v0;
	v22 =	vmin.f32 v15, v10  }
0x12d: {  	v23 =	vmax.f32 v18, v1;
	v24 =	vmax.f32 v15, v10;
	v26 =	vmin.f32 v19, v9  }
0x12e: {  	v27 =	vmax.f32 v19, v9;
	v28 =	vmin.f32 v18, v1;
	v25 =	vmax.f32 v21, v22  }
0x12f: {  	v21 =	vmin.f32 v21, v22;
	v48 =	vmin.f32 v27, v23;
	v29 =	vmax.f32 v26, v28  }
0x130: {  	v26 =	vmin.f32 v26, v28;
	v49 =	vmin.f32 v20, v24;
	v20 =	vmax.f32 v20, v24  }
0x131: {  	v30 =	vld.idx.msk [tilespmem:v33+s18+$0x0], $0xffff;
	v23 =	vmax.f32 v27, v23;
	v32 =	vmax.f32 v48, v29;
	v50 =	vmin.f32 v49, v25  }
0x132: {  	v35 =	vld.idx.msk [tilespmem:v34+s18+$0x0], $0xffff;
	v20 =	vmax.f32 v26, v20;
	v22 =	vmin.f32 v48, v29;
	v25 =	vmax.f32 v49, v25  }
0x133: {  	v51 =	vld.idx.msk [tilespmem:v6+s18+$0x0], $0xffff;
	v21 =	vmax.f32 v23, v21;
	v24 =	vmax.f32 v32, v50;
	v22 =	vmax.f32 v22, v25  }
0x134: {  	v52 =	vld.idx.msk [tilespmem:v7+s18+$0x0], $0xffff;
	v20 =	vmin.f32 v20, v22;
	v21 =	vmin.f32 v24, v21  }
0x135: {  	v54 =	vld.idx.msk [tilespmem:v31+s18+$0x0], $0xffff;
	v20 =	vmin.f32 v20, v21  }
0x136: {  	v58 =	vld.idx.msk [tilespmem:v5+s18+$0x0], $0xffff;
	vm0 =	vge.f32 v19, v20  }
0x137: {  	v59 =	vld.idx.msk [tilespmem:v53+s18+$0x0], $0xffff;
	vm1 =	vge.f32 v9, v20;
	v19 =	vnsel vm0, $0x0, v35  }
0x138: {  	v9 =	vld.idx.msk [tilespmem:v57+s18+$0x0], $0xffff;
	vm5 =	vge.f32 v18, v20;
	v18 =	vnsel vm1, $0x0, v30;
	[tilespmem:v34+s23+$0x0] =	vst.idx.msk $0xffff, v19  }
0x139: {  	vm6 =	vge.f32 v1, v20;
	v1 =	vnsel vm5, $0x0, v52;
	[tilespmem:v33+s23+$0x0] =	vst.idx.msk $0xffff, v18  }
0x13a: {  	vm7 =	vge.f32 v14, v20;
	[tilespmem:v7+s23+$0x0] =	vst.idx.msk $0xffff, v1;
	v1 =	vnsel vm6, $0x0, v54  }
0x13b: {  	vm8 =	vge.f32 v0, v20;
	v0 =	vnsel vm7, $0x0, v58;
	[tilespmem:v31+s23+$0x0] =	vst.idx.msk $0xffff, v1  }
0x13c: {  	vm9 =	vge.f32 v15, v20;
	[tilespmem:v5+s23+$0x0] =	vst.idx.msk $0xffff, v0;
	v0 =	vnsel vm8, $0x0, v59  }
0x13d: {  	[tilespmem:v53+s23+$0x0] =	vst.idx.msk $0xffff, v0;
	v0 =	vnsel vm9, $0x0, v9  }
0x13e: {  	[tilespmem:v57+s23+$0x0] =	vst.idx.msk $0xffff, v0;
	v0 =	vld [tilespmem:$0x1FEB0];
	_ =	sdelay $0x4  }
0x13f: {  	v14 =	vor.u32 $0x180, v0;
	v0 =	vld [tilespmem:$0x1FD10]  }
0x140: {  	v1 =	vld [tilespmem:$0x1FEA0];
	_ =	sdelay $0x3  }
0x141: {  	v33 =	vor.u32 $0x180, v0;
	v0 =	vld [tilespmem:$0x1FEC0]  }
0x142: {  	v31 =	vor.u32 $0x180, v1;
	v1 =	vld [tilespmem:$0x1FCF0];
	_ =	sdelay $0x3  }
0x143: {  	v15 =	vor.u32 $0x180, v0;
	v0 =	vld [tilespmem:$0x1FD00]  }
0x144: {  	v32 =	vor.u32 $0x180, v1;
	v1 =	vld [tilespmem:$0x1FCE0];
	_ =	sdelay $0x3  }
0x145: {  	vm10 =	vge.f32 v10, v20;
	v35 =	vor.u32 $0x180, v0;
	v0 =	vld [tilespmem:$0x1FCD0]  }
0x146: {  	v34 =	vor.u32 $0x180, v1;
	v1 =	vnsel vm10, $0x0, v51  }
0x147: {  	[tilespmem:v6+s23+$0x0] =	vst.idx.msk $0xffff, v1  }
0x148: {  	v9 =	vld.idx.msk [tilespmem:v31+s5+$0x0], $0xffff  }
0x149: {  	v10 =	vld.idx.msk [tilespmem:v32+s5+$0x0], $0xffff  }
0x14a: {  	v19 =	vld.idx.msk [tilespmem:v14+s5+$0x0], $0xffff;
	v36 =	vor.u32 $0x180, v0  }
0x14b: {  	v20 =	vld.idx.msk [tilespmem:v33+s5+$0x0], $0xffff  }
0x14c: {  	v21 =	vld.idx.msk [tilespmem:v15+s5+$0x0], $0xffff  }
0x14d: {  	v18 =	vld.idx.msk [tilespmem:v34+s5+$0x0], $0xffff  }
0x14e: {  	v22 =	vld.idx.msk [tilespmem:v35+s5+$0x0], $0xffff  }
0x14f: {  	v23 =	vld.idx.msk [tilespmem:v36+s5+$0x0], $0xffff  }
0x150: {  	v7 =	vor.u32 $0x180, v2;
	v1 =	vor.u32 $0x180, v3;
	v6 =	vmax.f32 v20, v9  }
0x151: {  	v2 =	vmin.f32 v20, v9;
	v3 =	vmin.f32 v21, v19;
	v61 =	vmax.f32 v21, v19  }
0x152: {  	v62 =	vmax.f32 v2, v3;
	v51 =	vmin.f32 v6, v61  }
0x153: {  	v2 =	vmin.f32 v2, v3;
	v6 =	vmax.f32 v6, v61;
	v53 =	vmin.f32 v51, v62  }
0x154: {  	v54 =	vld.idx.msk [tilespmem:v14+s18+$0x0], $0xffff;
	v26 =	vmax.f32 v51, v62;
	v60 =	vmax.f32 v22, v10;
	v48 =	vmax.f32 v23, v18  }
0x155: {  	v0 =	vld [tilespmem:$0x1FD60];
	v49 =	vmin.f32 v22, v10;
	v39 =	vmin.f32 v23, v18;
	v3 =	vmin.f32 v48, v60  }
0x156: {  	v59 =	vld.idx.msk [tilespmem:v33+s18+$0x0], $0xffff;
	v50 =	vmax.f32 v39, v49;
	v27 =	vmin.f32 v39, v49;
	v24 =	vmax.f32 v48, v60  }
0x157: {  	v39 =	vld.idx.msk [tilespmem:v36+s18+$0x0], $0xffff;
	v38 =	vmax.f32 v3, v50;
	v6 =	vmax.f32 v27, v6;
	v3 =	vmin.f32 v3, v50  }
0x158: {  	v52 =	vld.idx.msk [tilespmem:v34+s18+$0x0], $0xffff;
	v2 =	vmax.f32 v24, v2;
	v25 =	vmax.f32 v38, v53;
	v26 =	vmax.f32 v3, v26  }
0x159: {  	v57 =	vld.idx.msk [tilespmem:v35+s18+$0x0], $0xffff;
	v58 =	vmin.f32 v6, v26;
	v25 =	vmin.f32 v25, v2  }
0x15a: {  	v5 =	vor.u32 $0x180, v0;
	v0 =	vld [tilespmem:$0x1FD70];
	v24 =	vmin.f32 v58, v25  }
0x15b: {  	v60 =	vld.idx.msk [tilespmem:v31+s18+$0x0], $0xffff;
	vm11 =	vge.f32 v23, v24  }
0x15c: {  	v3 =	vor.u32 $0x180, v4;
	v4 =	vld.idx.msk [tilespmem:v32+s18+$0x0], $0xffff;
	vm12 =	vge.f32 v18, v24;
	v61 =	vnsel vm11, $0x0, v39  }
0x15d: {  	vm2 =	vge.f32 v22, v24;
	v18 =	vld.idx.msk [tilespmem:v15+s18+$0x0], $0xffff;
	v62 =	vnsel vm12, $0x0, v52;
	[tilespmem:v36+s23+$0x0] =	vst.idx.msk $0xffff, v61  }
0x15e: {  	vm3 =	vge.f32 v9, v24;
	v9 =	vnsel vm2, $0x0, v57;
	[tilespmem:v34+s23+$0x0] =	vst.idx.msk $0xffff, v62  }
0x15f: {  	[tilespmem:v35+s23+$0x0] =	vst.idx.msk $0xffff, v9;
	v9 =	vld [tilespmem:$0x1FE80];
	_ =	sdelay $0x1  }
0x160: {  	[tilespmem:$0x1FCC0] =	vst v31  }
0x161: {  	v37 =	vadd.s32 $0x80, v41;
	[tilespmem:$0x1FCA0] =	vst v32;
	v63 =	vor.u32 $0x180, v0;
	v0 =	vld [tilespmem:$0x1FDC0];
	vm13 =	vge.f32 v10, v24  }
0x162: {  	[tilespmem:$0x1FCB0] =	vst v33;
	v51 =	vadd.s32 $0x80, v46;
	v2 =	vld [tilespmem:$0x1FE20];
	vm14 =	vge.f32 v20, v24;
	v4 =	vnsel vm13, $0x0, v4  }
0x163: {  	v48 =	vadd.s32 $0x80, v44;
	[tilespmem:v32+s23+$0x0] =	vst.idx.msk $0xffff, v4;
	v4 =	vnsel vm14, $0x0, v59;
	v52 =	vor.u32 $0x180, v9;
	v9 =	vmovc v15  }
0x164: {  	v49 =	vadd.s32 $0x80, v45;
	v50 =	vadd.s32 $0x80, v47;
	v10 =	vmovc v14;
	[tilespmem:v33+s23+$0x0] =	vst.idx.msk $0xffff, v4;
	v4 =	vnsel vm3, $0x0, v60  }
0x165: {  	[tilespmem:$0x1FC80] =	vst v34;
	v38 =	vadd.s32 $0x80, v42;
	v6 =	vadd.s32 $0x80, v40;
	vm4 =	vge.f32 v19, v24  }
0x166: {  	[tilespmem:$0x1FC90] =	vst v35;
	v0 =	vor.u32 $0x180, v0;
	vm15 =	vge.f32 v21, v24;
	v53 =	vnsel vm4, $0x0, v54  }
0x167: {  	s3 =	simm.s32 $0x1E;
	v39 =	vadd.s32 $0x80, v43;
	v2 =	vor.u32 $0x180, v2;
	v54 =	vnsel vm15, $0x0, v18;
	[tilespmem:v31+s23+$0x0] =	vst.idx.msk $0xffff, v4;
	v4 =	vmovc v7  }
.LBB2_9:
0x168: {  	v18 =	vand.u32 $0x78, v51;
	v19 =	vand.u32 $0x7E, v49;
	v20 =	vand.u32 $0x7C, v50;
	p1 =	sne.s32 s3, $0x1;
	s3 =	sadd.s32 $0xFFFFFFFF, s3;
	[tilespmem:v9+s23+$0x0] =	vst.idx.msk $0xffff, v54;
	v9 =	vmovc v52  }
0x169: {  	v21 =	vshll.u32 v49, $0x2;
	v22 =	vand.u32 $0x7F, v38;
	v23 =	vshll.u32 v48, $0x2;
	[tilespmem:v10+s23+$0x0] =	vst.idx.msk $0xffff, v53;
	v10 =	vmovc v1  }
0x16a: {  	v24 =	vand.u32 $0x7F, v48;
	v25 =	vshll.u32 v37, $0x2;
	v26 =	vshll.u32 v6, $0x2;
	v27 =	vld.idx.msk [tilespmem:v7+s5+$0x0], $0xffff  }
0x16b: {  	v28 =	vshll.u32 v50, $0x2;
	v26 =	vand.u32 $0xFFFFFE00, v26;
	v7 =	vshll.u32 v38, $0x2;
	v29 =	vld.idx.msk [tilespmem:v0+s5+$0x0], $0xffff  }
0x16c: {  	v30 =	vshll.u32 v51, $0x2;
	v52 =	vshll.u32 v39, $0x2;
	v53 =	vand.u32 $0x7E, v37;
	v54 =	vld.idx.msk [tilespmem:v63+s5+$0x0], $0xffff  }
0x16d: {  	v57 =	vand.u32 $0x7F, v39;
	v30 =	vand.u32 $0xFFFFFE00, v30;
	v52 =	vand.u32 $0xFFFFFE00, v52;
	v58 =	vld.idx.msk [tilespmem:v1+s5+$0x0], $0xffff  }
0x16e: {  	v1 =	vor.u32 v30, v18;
	v18 =	vand.u32 $0xFFFFFE00, v21;
	v21 =	vand.u32 $0xFFFFFE00, v23;
	v23 =	vld.idx.msk [tilespmem:v2+s5+$0x0], $0xffff  }
0x16f: {  	v28 =	vand.u32 $0xFFFFFE00, v28;
	v25 =	vand.u32 $0xFFFFFE00, v25;
	v30 =	vld.idx.msk [tilespmem:v3+s5+$0x0], $0xffff  }
0x170: {  	v52 =	vor.u32 v52, v57;
	v7 =	vand.u32 $0xFFFFFE00, v7;
	v57 =	vld.idx.msk [tilespmem:v9+s5+$0x0], $0xffff  }
0x171: {  	v52 =	vor.u32 $0x180, v52;
	v59 =	vor.u32 $0x180, v1  }
0x172: {  	v20 =	vor.u32 v28, v20;
	v1 =	vor.u32 v7, v22;
	v7 =	vand.u32 $0x7F, v6;
	v22 =	vld.idx.msk [tilespmem:v5+s5+$0x0], $0xffff  }
0x173: {  	v25 =	vor.u32 v25, v53;
	v28 =	vor.u32 $0x180, v1  }
0x174: {  	v1 =	vor.u32 v21, v24;
	v21 =	vor.u32 v26, v7;
	v24 =	vmax.f32 v23, v27  }
0x175: {  	v7 =	vor.u32 $0x180, v1;
	v1 =	vor.u32 $0x180, v21;
	v21 =	vmax.f32 v30, v29  }
0x176: {  	v18 =	vor.u32 v18, v19;
	v19 =	vmin.f32 v23, v27;
	v26 =	vmin.f32 v57, v58  }
0x177: {  	v18 =	vor.u32 $0x180, v18;
	v53 =	vmax.f32 v57, v58;
	v60 =	vmax.f32 v19, v26  }
0x178: {  	v19 =	vmin.f32 v19, v26;
	v61 =	vmin.f32 v22, v54;
	v62 =	vmax.f32 v22, v54  }
0x179: {  	v20 =	vor.u32 $0x180, v20;
	v26 =	vmin.f32 v30, v29;
	v31 =	vmin.f32 v62, v21  }
0x17a: {  	v32 =	vmin.f32 v61, v26;
	v26 =	vmax.f32 v61, v26;
	v61 =	vmin.f32 v24, v53  }
0x17b: {  	v24 =	vmax.f32 v24, v53;
	v34 =	vmax.f32 v31, v26;
	v53 =	vmin.f32 v61, v60;
	v33 =	vld.idx.msk [tilespmem:v63+s18+$0x0], $0xffff  }
0x17c: {  	v21 =	vmax.f32 v62, v21;
	v24 =	vmax.f32 v32, v24;
	v32 =	vmax.f32 v34, v53;
	v35 =	vld.idx.msk [tilespmem:v5+s18+$0x0], $0xffff  }
0x17d: {  	v26 =	vmin.f32 v31, v26;
	v31 =	vmax.f32 v61, v60;
	v34 =	vld.idx.msk [tilespmem:v10+s18+$0x0], $0xffff  }
0x17e: {  	v19 =	vmax.f32 v21, v19;
	v26 =	vmax.f32 v26, v31;
	v53 =	vld.idx.msk [tilespmem:v3+s18+$0x0], $0xffff  }
0x17f: {  	v24 =	vmin.f32 v24, v26;
	v19 =	vmin.f32 v32, v19;
	v21 =	vld.idx.msk [tilespmem:v0+s18+$0x0], $0xffff  }
0x180: {  	v6 =	vadd.s32 $0x80, v6;
	v19 =	vmin.f32 v24, v19;
	v26 =	vld.idx.msk [tilespmem:v2+s18+$0x0], $0xffff  }
0x181: {  	vm0 =	vge.f32 v22, v19;
	vm1 =	vge.f32 v54, v19;
	vm2 =	vge.f32 v30, v19;
	v24 =	vld.idx.msk [tilespmem:v4+s18+$0x0], $0xffff  }
0x182: {  	v31 =	vnsel vm1, $0x0, v33;
	v30 =	vnsel vm0, $0x0, v35;
	vm0 =	vge.f32 v29, v19;
	v22 =	vld.idx.msk [tilespmem:v9+s18+$0x0], $0xffff  }
0x183: {  	v37 =	vadd.s32 $0x80, v37;
	vm3 =	vge.f32 v27, v19;
	vm1 =	vge.f32 v23, v19;
	[tilespmem:v5+s23+$0x0] =	vst.idx.msk $0xffff, v30  }
.Ltmp5:
0x184: {  	vm4 =	vge.f32 v58, v19;
	v23 =	vnsel vm2, $0x0, v53;
	vm2 =	vge.f32 v57, v19;
	[tilespmem:v63+s23+$0x0] =	vst.idx.msk $0xffff, v31;
	(pc) =	sbr.rel @p1 .LBB2_9-.Ltmp5, $4  }
0x185: {  	v38 =	vadd.s32 $0x80, v38;
	v53 =	vnsel vm4, $0x0, v34;
	v5 =	vmovc v59;
	v21 =	vnsel vm0, $0x0, v21;
	v63 =	vmovc v52;
	[tilespmem:v3+s23+$0x0] =	vst.idx.msk $0xffff, v23  }
0x186: {  	v39 =	vadd.s32 $0x80, v39;
	v48 =	vadd.s32 $0x80, v48;
	v19 =	vnsel vm1, $0x0, v26;
	v3 =	vmovc v18;
	[tilespmem:v0+s23+$0x0] =	vst.idx.msk $0xffff, v21;
	v0 =	vmovc v28  }
0x187: {  	v49 =	vadd.s32 $0x80, v49;
	v50 =	vadd.s32 $0x80, v50;
	v18 =	vnsel vm3, $0x0, v24;
	[tilespmem:v2+s23+$0x0] =	vst.idx.msk $0xffff, v19;
	v2 =	vmovc v20  }
0x188: {  	v51 =	vadd.s32 $0x80, v51;
	v52 =	vor.u32 $0x180, v25;
	v54 =	vnsel vm2, $0x0, v22;
	[tilespmem:v4+s23+$0x0] =	vst.idx.msk $0xffff, v18;
	v4 =	vmovc v7  }
0x189: {  	_ =	sdelay $0x3  }
0x18a: {  	[tilespmem:v9+s23+$0x0] =	vst.idx.msk $0xffff, v54  }
0x18b: {  	[tilespmem:v10+s23+$0x0] =	vst.idx.msk $0xffff, v53  }
0x18c: {  	v6 =	vld.idx.msk [tilespmem:v7+s5+$0x0], $0xffff  }
0x18d: {  	v7 =	vld.idx.msk [tilespmem:v0+s5+$0x0], $0xffff  }
0x18e: {  	v9 =	vld.idx.msk [tilespmem:v63+s5+$0x0], $0xffff  }
0x18f: {  	v10 =	vld.idx.msk [tilespmem:v1+s5+$0x0], $0xffff  }
0x190: {  	v18 =	vld.idx.msk [tilespmem:v2+s5+$0x0], $0xffff  }
0x191: {  	v19 =	vld.idx.msk [tilespmem:v52+s5+$0x0], $0xffff  }
0x192: {  	v20 =	vld.idx.msk [tilespmem:v3+s5+$0x0], $0xffff  }
0x193: {  	v21 =	vld.idx.msk [tilespmem:v5+s5+$0x0], $0xffff;
	_ =	sdelay $0x3  }
0x194: {  	v22 =	vmax.f32 v18, v6;
	v23 =	vmin.f32 v18, v6;
	v24 =	vmin.f32 v19, v10  }
0x195: {  	v25 =	vmax.f32 v20, v7;
	v26 =	vmax.f32 v19, v10;
	v28 =	vmin.f32 v21, v9  }
0x196: {  	v29 =	vmax.f32 v21, v9;
	v30 =	vmin.f32 v20, v7;
	v27 =	vmax.f32 v23, v24  }
0x197: {  	v23 =	vmin.f32 v23, v24;
	v48 =	vmin.f32 v29, v25;
	v31 =	vmax.f32 v28, v30  }
0x198: {  	v28 =	vmin.f32 v28, v30;
	v49 =	vmin.f32 v22, v26;
	v22 =	vmax.f32 v22, v26  }
0x199: {  	v32 =	vld.idx.msk [tilespmem:v63+s18+$0x0], $0xffff;
	v25 =	vmax.f32 v29, v25;
	v33 =	vmax.f32 v48, v31;
	v50 =	vmin.f32 v49, v27  }
0x19a: {  	v34 =	vld.idx.msk [tilespmem:v5+s18+$0x0], $0xffff;
	v22 =	vmax.f32 v28, v22;
	v24 =	vmin.f32 v48, v31;
	v27 =	vmax.f32 v49, v27  }
0x19b: {  	v51 =	vld.idx.msk [tilespmem:v1+s18+$0x0], $0xffff;
	v23 =	vmax.f32 v25, v23;
	v26 =	vmax.f32 v33, v50;
	v24 =	vmax.f32 v24, v27  }
0x19c: {  	v53 =	vld.idx.msk [tilespmem:v3+s18+$0x0], $0xffff;
	v22 =	vmin.f32 v22, v24;
	v23 =	vmin.f32 v26, v23  }
0x19d: {  	v54 =	vld.idx.msk [tilespmem:v0+s18+$0x0], $0xffff;
	v22 =	vmin.f32 v22, v23  }
0x19e: {  	v57 =	vld.idx.msk [tilespmem:v2+s18+$0x0], $0xffff;
	vm0 =	vge.f32 v21, v22  }
0x19f: {  	v23 =	vld.idx.msk [tilespmem:v4+s18+$0x0], $0xffff;
	vm1 =	vge.f32 v9, v22;
	v21 =	vnsel vm0, $0x0, v34  }
0x1a0: {  	v9 =	vld.idx.msk [tilespmem:v52+s18+$0x0], $0xffff;
	vm5 =	vge.f32 v20, v22;
	v20 =	vnsel vm1, $0x0, v32;
	[tilespmem:v5+s23+$0x0] =	vst.idx.msk $0xffff, v21  }
0x1a1: {  	vm6 =	vge.f32 v7, v22;
	v5 =	vnsel vm5, $0x0, v53;
	[tilespmem:v63+s23+$0x0] =	vst.idx.msk $0xffff, v20  }
0x1a2: {  	vm7 =	vge.f32 v18, v22;
	[tilespmem:v3+s23+$0x0] =	vst.idx.msk $0xffff, v5;
	v3 =	vnsel vm6, $0x0, v54  }
0x1a3: {  	vm8 =	vge.f32 v6, v22;
	[tilespmem:v0+s23+$0x0] =	vst.idx.msk $0xffff, v3;
	v0 =	vnsel vm7, $0x0, v57  }
0x1a4: {  	vm9 =	vge.f32 v19, v22;
	[tilespmem:v2+s23+$0x0] =	vst.idx.msk $0xffff, v0;
	v0 =	vnsel vm8, $0x0, v23  }
0x1a5: {  	s3 =	sadd.s32 s11, s31;
	vm10 =	vge.f32 v10, v22;
	[tilespmem:v4+s23+$0x0] =	vst.idx.msk $0xffff, v0;
	v0 =	vnsel vm9, $0x0, v9  }
0x1a6: {  	s3 =	sshll.u32 s3, $0xC;
	v2 =	vnsel vm10, $0x0, v51;
	[tilespmem:v52+s23+$0x0] =	vst.idx.msk $0xffff, v0  }
0x1a7: {  	p1 =	seq.s32 s31, $0xF;
	s3 =	sadd.s32 s4, s3;
	[tilespmem:v1+s23+$0x0] =	vst.idx.msk $0xffff, v2  }
0x1a8: {  	[hbm4b:s3+s16] =	stream.strided.scatter [tilespmem:s23], [sflag:$0x5], $0x4000, s17, s16, $0x38;
	[tilespmem:$0x18000] =	vst v63  }
0x1a9: {  	s8 =	simm.s32 @!p1 $0x200;
	s3 =	sadd.s32 @!p1 s0, s12  }
0x1aa: {  	s9 =	simm.s32 @!p1 $0x400;
	s10 =	simm.s32 @!p1 $0x0;
	s7 =	sadd.s32 @!p1 s2, s3  }
0x1ab: {  	[tilespmem:s10], [sflag:$0x1] =	stream.strided.gather @!p1 [hbm4b:s7+s8], $0x4000, s9, s8, $0x38;
	[tilespmem:$0x18000] =	vst v63  }
0x1ac: {  	s3 =	sadd.s32 @!p1 s1, s3;
	s7 =	simm.s32 @!p1 $0x8000  }
0x1ad: {  	[tilespmem:s7], [sflag:$0x3] =	stream.strided.gather @!p1 [hbm4b:s3+s8], $0x4000, s9, s8, $0x38;
	[tilespmem:$0x18000] =	vst v63  }
0x1ae: {  	_ =	swait.ge [sflag:s24], $0x4000  }
0x1af: {  	[sflag:s24] =	ssyncset.done $0x0  }
0x1b0: {  	[sflag:s24] =	ssyncadd.s32 $0xFFFFC000  }
0x1b1: {  	_ =	swait.ge [sflag:s25], $0x4000  }
0x1b2: {  	[sflag:s25] =	ssyncset.done $0x0  }
0x1b3: {  	s3 =	simm.s32 @!p0 $0x6;
	[sflag:s25] =	ssyncadd.s32 $0xFFFFC000  }
0x1b4: {  	_ =	swait.ge @!p0 [sflag:s3], $0x4000  }
0x1b5: {  	v0 =	vld [tilespmem:$0x1FE00]  }
0x1b6: {  	v1 =	vld [tilespmem:$0x1FE10];
	_ =	sdelay $0x2  }
0x1b7: {  	v49 =	vld [tilespmem:$0x1FF10]  }
0x1b8: {  	v50 =	vld [tilespmem:$0x1FF40]  }
0x1b9: {  	v2 =	vor.u32 v0, v1;
	v0 =	vld [tilespmem:$0x1FDA0]  }
0x1ba: {  	v1 =	vld [tilespmem:$0x1FDB0]  }
0x1bb: {  	v52 =	vld [tilespmem:$0x1FF30]  }
0x1bc: {  	v53 =	vld [tilespmem:$0x1FF20]  }
0x1bd: {  	v39 =	vld [tilespmem:$0x1FF70]  }
0x1be: {  	v3 =	vld [tilespmem:$0x1FD50]  }
0x1bf: {  	v0 =	vor.u32 v0, v1;
	v1 =	vld [tilespmem:$0x1FD40]  }
0x1c0: {  	[sflag:s3] =	ssyncset.done @!p0 $0x0;
	v35 =	vld [tilespmem:$0x1FF60]  }
0x1c1: {  	v51 =	vld [tilespmem:$0x1FF50];
	[sflag:s3] =	ssyncadd.s32 @!p0 $0xFFFFC000  }
0x1c2: {  	v9 =	vld.idx.msk [tilespmem:v8+s19+$0x0], $0xffff  }
0x1c3: {  	v6 =	vld.idx.msk [tilespmem:v49+s19+$0x0], $0xffff  }
0x1c4: {  	v4 =	vor.u32 v1, v3;
	v1 =	vld [tilespmem:$0x1FD20]  }
0x1c5: {  	v3 =	vld [tilespmem:$0x1FD30]  }
0x1c6: {  	v10 =	vld.idx.msk [tilespmem:v50+s19+$0x0], $0xffff  }
0x1c7: {  	v18 =	vld.idx.msk [tilespmem:v52+s19+$0x0], $0xffff  }
0x1c8: {  	v19 =	vld.idx.msk [tilespmem:v53+s19+$0x0], $0xffff  }
0x1c9: {  	v20 =	vld.idx.msk [tilespmem:v39+s19+$0x0], $0xffff  }
0x1ca: {  	v5 =	vor.u32 v1, v3;
	v1 =	vld [tilespmem:$0x1FD80]  }
0x1cb: {  	v3 =	vld [tilespmem:$0x1FD90]  }
0x1cc: {  	v21 =	vld.idx.msk [tilespmem:v35+s19+$0x0], $0xffff  }
0x1cd: {  	v22 =	vld.idx.msk [tilespmem:v51+s19+$0x0], $0xffff;
	_ =	sdelay $0x1  }
0x1ce: {  	v7 =	vld [tilespmem:$0x1FDF0]  }
0x1cf: {  	v23 =	vmax.f32 v18, v10;
	v3 =	vor.u32 v1, v3;
	v1 =	vld [tilespmem:$0x1FDE0]  }
0x1d0: {  	v58 =	vmin.f32 v6, v19;
	v59 =	vmax.f32 v6, v19;
	v60 =	vmin.f32 v20, v9  }
0x1d1: {  	v62 =	vmax.f32 v20, v9;
	v37 =	vmin.f32 v22, v21;
	v38 =	vmax.f32 v22, v21  }
0x1d2: {  	v61 =	vmin.f32 v59, v23;
	v23 =	vmax.f32 v59, v23;
	v48 =	vmin.f32 v37, v60  }
0x1d3: {  	v27 =	vmax.f32 v37, v60;
	v54 =	vmin.f32 v38, v62;
	v25 =	vmax.f32 v38, v62  }
0x1d4: {  	v23 =	vmax.f32 v23, v48;
	v1 =	vor.u32 v1, v7;
	v7 =	vmin.f32 v18, v10  }
0x1d5: {  	v26 =	vmax.f32 v58, v7;
	v7 =	vmin.f32 v58, v7;
	v58 =	vmin.f32 v54, v27  }
0x1d6: {  	v32 =	vld.idx.msk [tilespmem:v53+s20+$0x0], $0xffff;
	v27 =	vmax.f32 v54, v27;
	v63 =	vmin.f32 v61, v26;
	v26 =	vmax.f32 v61, v26  }
0x1d7: {  	v57 =	vld.idx.msk [tilespmem:v49+s20+$0x0], $0xffff;
	v25 =	vmax.f32 v7, v25;
	v27 =	vmax.f32 v63, v27;
	v24 =	vmax.f32 v26, v58  }
0x1d8: {  	v59 =	vld.idx.msk [tilespmem:v8+s20+$0x0], $0xffff;
	v25 =	vmin.f32 v25, v27;
	v23 =	vmin.f32 v24, v23  }
0x1d9: {  	v60 =	vld.idx.msk [tilespmem:v52+s20+$0x0], $0xffff;
	v23 =	vmin.f32 v25, v23  }
0x1da: {  	vm11 =	vge.f32 v6, v23;
	v6 =	vld.idx.msk [tilespmem:v39+s20+$0x0], $0xffff  }
0x1db: {  	v37 =	vadd.s32 $0x80, v46;
	v38 =	vadd.s32 $0x80, v40;
	v61 =	vld.idx.msk [tilespmem:v50+s20+$0x0], $0xffff  }
0x1dc: {  	v62 =	vld.idx.msk [tilespmem:v51+s20+$0x0], $0xffff;
	v48 =	vadd.s32 $0x80, v47;
	v7 =	vadd.s32 $0x80, v44;
	vm12 =	vge.f32 v19, v23  }
0x1dd: {  	v63 =	vld.idx.msk [tilespmem:v35+s20+$0x0], $0xffff;
	vm2 =	vge.f32 v18, v23;
	vm13 =	vge.f32 v10, v23;
	v18 =	vnsel vm11, $0x0, v57  }
0x1de: {  	vm14 =	vge.f32 v22, v23;
	vm15 =	vge.f32 v20, v23;
	v19 =	vnsel vm12, $0x0, v32;
	[tilespmem:v49+s26+$0x0] =	vst.idx.msk $0xffff, v18  }
0x1df: {  	vm3 =	vge.f32 v21, v23;
	v10 =	vnsel vm2, $0x0, v60;
	[tilespmem:v53+s26+$0x0] =	vst.idx.msk $0xffff, v19;
	v19 =	vnsel vm15, $0x0, v6;
	v6 =	vld [tilespmem:$0x1FDD0]  }
0x1e0: {  	vm4 =	vge.f32 v9, v23;
	v9 =	vshll.u32 v40, $0x2;
	[tilespmem:v52+s26+$0x0] =	vst.idx.msk $0xffff, v10;
	v10 =	vnsel vm13, $0x0, v61  }
0x1e1: {  	v20 =	vadd.s32 $0x80, v41;
	v21 =	vadd.s32 $0x80, v42;
	[tilespmem:v50+s26+$0x0] =	vst.idx.msk $0xffff, v10;
	v10 =	vnsel vm14, $0x0, v62  }
0x1e2: {  	v9 =	vand.u32 $0xFFFFFE00, v9;
	v18 =	vand.u32 $0x7F, v40;
	[tilespmem:v51+s26+$0x0] =	vst.idx.msk $0xffff, v10;
	v10 =	vnsel vm3, $0x0, v63  }
0x1e3: {  	v23 =	vor.u32 v18, v9;
	v18 =	vand.u32 $0x7E, v41;
	v9 =	vadd.s32 $0x80, v45;
	[tilespmem:v35+s26+$0x0] =	vst.idx.msk $0xffff, v10  }
0x1e4: {  	s7 =	simm.s32 $0x1E;
	s3 =	simm.s32 $0x1F;
	v10 =	vadd.s32 $0x80, v43;
	[tilespmem:v39+s26+$0x0] =	vst.idx.msk $0xffff, v19;
	v6 =	vor.u32 v18, v6;
	v18 =	vnsel vm4, $0x0, v59  }
.LBB2_11:
0x1e5: {  	v19 =	vand.u32 $0x7F, v10;
	v22 =	vand.u32 $0x7E, v9;
	v24 =	vshll.u32 v20, $0x2;
	p0 =	sne.s32 s7, $0x1;
	s7 =	sadd.s32 $0xFFFFFFFF, s7;
	[tilespmem:v8+s26+$0x0] =	vst.idx.msk $0xffff, v18;
	v25 =	vmovc v38;
	v18 =	vmovc v20  }
0x1e6: {  	v26 =	vand.u32 $0x78, v37;
	v27 =	vshll.u32 v9, $0x2;
	v28 =	vand.u32 $0x7F, v7;
	v8 =	vmovc v23;
	v29 =	vld.idx.msk [tilespmem:v5+s19+$0x0], $0xffff  }
0x1e7: {  	v30 =	vshll.u32 v21, $0x2;
	v31 =	vshll.u32 v48, $0x2;
	v32 =	vshll.u32 v7, $0x2;
	v23 =	vld.idx.msk [tilespmem:v23+s19+$0x0], $0xffff  }
0x1e8: {  	v33 =	vshll.u32 v37, $0x2;
	v34 =	vshll.u32 v10, $0x2;
	v35 =	vand.u32 $0x7C, v48;
	v39 =	vld.idx.msk [tilespmem:v1+s19+$0x0], $0xffff  }
0x1e9: {  	v33 =	vand.u32 $0xFFFFFE00, v33;
	v27 =	vand.u32 $0xFFFFFE00, v27;
	v49 =	vld.idx.msk [tilespmem:v3+s19+$0x0], $0xffff  }
0x1ea: {  	v31 =	vand.u32 $0xFFFFFE00, v31;
	v22 =	vor.u32 v22, v27;
	v27 =	vand.u32 $0x7F, v21;
	v50 =	vld.idx.msk [tilespmem:v2+s19+$0x0], $0xffff  }
0x1eb: {  	v34 =	vand.u32 $0xFFFFFE00, v34;
	v31 =	vor.u32 v35, v31;
	v35 =	vld.idx.msk [tilespmem:v4+s19+$0x0], $0xffff  }
0x1ec: {  	v30 =	vand.u32 $0xFFFFFE00, v30;
	v19 =	vor.u32 v19, v34;
	v34 =	vld.idx.msk [tilespmem:v6+s19+$0x0], $0xffff  }
0x1ed: {  	v26 =	vor.u32 v26, v33;
	v27 =	vor.u32 v27, v30;
	v30 =	vld.idx.msk [tilespmem:v0+s19+$0x0], $0xffff  }
0x1ee: {  	v32 =	vand.u32 $0xFFFFFE00, v32;
	v24 =	vand.u32 $0xFFFFFE00, v24  }
0x1ef: {  	v28 =	vor.u32 v28, v32  }
0x1f0: {  	v32 =	vmin.f32 v50, v49;
	v33 =	vmax.f32 v50, v49  }
0x1f1: {  	v51 =	vmin.f32 v29, v35  }
0x1f2: {  	v52 =	vmax.f32 v29, v35;
	v53 =	vmax.f32 v51, v32;
	v54 =	vmin.f32 v34, v23  }
0x1f3: {  	v57 =	vmin.f32 v52, v33;
	v33 =	vmax.f32 v52, v33;
	v52 =	vmax.f32 v34, v23  }
0x1f4: {  	v58 =	vmin.f32 v57, v53;
	v59 =	vmin.f32 v30, v39;
	v60 =	vmax.f32 v30, v39  }
0x1f5: {  	v62 =	vmin.f32 v59, v54;
	v54 =	vmax.f32 v59, v54;
	v59 =	vmin.f32 v60, v52;
	v61 =	vld.idx.msk [tilespmem:v4+s20+$0x0], $0xffff  }
0x1f6: {  	v32 =	vmin.f32 v51, v32;
	v51 =	vmin.f32 v59, v54;
	v54 =	vmax.f32 v59, v54;
	v63 =	vld.idx.msk [tilespmem:v5+s20+$0x0], $0xffff  }
0x1f7: {  	v53 =	vmax.f32 v57, v53;
	v52 =	vmax.f32 v60, v52;
	v54 =	vmax.f32 v58, v54;
	v59 =	vld.idx.msk [tilespmem:v8+s20+$0x0], $0xffff  }
0x1f8: {  	v32 =	vmax.f32 v32, v52;
	v33 =	vmax.f32 v33, v62;
	v51 =	vmax.f32 v53, v51;
	v57 =	vld.idx.msk [tilespmem:v2+s20+$0x0], $0xffff  }
0x1f9: {  	v7 =	vadd.s32 $0x80, v7;
	v32 =	vmin.f32 v32, v54;
	v33 =	vmin.f32 v51, v33;
	v52 =	vld.idx.msk [tilespmem:v3+s20+$0x0], $0xffff  }
0x1fa: {  	v37 =	vadd.s32 $0x80, v37;
	v48 =	vadd.s32 $0x80, v48;
	v32 =	vmin.f32 v32, v33;
	v51 =	vld.idx.msk [tilespmem:v0+s20+$0x0], $0xffff  }
0x1fb: {  	vm0 =	vge.f32 v29, v32;
	vm1 =	vge.f32 v35, v32;
	vm2 =	vge.f32 v50, v32;
	v33 =	vld.idx.msk [tilespmem:v1+s20+$0x0], $0xffff  }
0x1fc: {  	v50 =	vnsel vm1, $0x0, v61;
	v35 =	vnsel vm0, $0x0, v63;
	vm0 =	vge.f32 v49, v32;
	v29 =	vld.idx.msk [tilespmem:v6+s20+$0x0], $0xffff  }
0x1fd: {  	v38 =	vadd.s32 $0x80, v38;
	vm3 =	vge.f32 v39, v32;
	vm1 =	vge.f32 v30, v32;
	[tilespmem:v5+s26+$0x0] =	vst.idx.msk $0xffff, v35  }
0x1fe: {  	vm4 =	vge.f32 v23, v32;
	v30 =	vnsel vm2, $0x0, v57;
	vm2 =	vge.f32 v34, v32;
	[tilespmem:v4+s26+$0x0] =	vst.idx.msk $0xffff, v50  }
.Ltmp6:
0x1ff: {  	v20 =	vadd.s32 $0x80, v20;
	v32 =	vshll.u32 v25, $0x2;
	v23 =	vnsel vm0, $0x0, v52;
	v4 =	vmovc v19;
	[tilespmem:v2+s26+$0x0] =	vst.idx.msk $0xffff, v30;
	v2 =	vmovc v22;
	(pc) =	sbr.rel @p0 .LBB2_11-.Ltmp6, $4  }
0x200: {  	v5 =	vmovc v26;
	v19 =	vand.u32 $0x7F, v25;
	v22 =	vand.u32 $0xFFFFFE00, v32;
	v25 =	vnsel vm1, $0x0, v51;
	[tilespmem:v3+s26+$0x0] =	vst.idx.msk $0xffff, v23;
	v3 =	vmovc v27  }
0x201: {  	v21 =	vadd.s32 $0x80, v21;
	v23 =	vor.u32 v19, v22;
	v19 =	vnsel vm3, $0x0, v33;
	[tilespmem:v0+s26+$0x0] =	vst.idx.msk $0xffff, v25;
	v0 =	vmovc v31  }
0x202: {  	v9 =	vadd.s32 $0x80, v9;
	v18 =	vand.u32 $0x7E, v18;
	[tilespmem:v1+s26+$0x0] =	vst.idx.msk $0xffff, v19;
	v19 =	vnsel vm2, $0x0, v29;
	v1 =	vmovc v28  }
0x203: {  	v10 =	vadd.s32 $0x80, v10;
	[tilespmem:v6+s26+$0x0] =	vst.idx.msk $0xffff, v19;
	v6 =	vor.u32 v18, v24;
	v18 =	vnsel vm4, $0x0, v59  }
0x204: {  	_ =	sdelay $0x3  }
0x205: {  	[tilespmem:v8+s26+$0x0] =	vst.idx.msk $0xffff, v18  }
0x206: {  	v7 =	vld.idx.msk [tilespmem:v5+s19+$0x0], $0xffff  }
0x207: {  	v8 =	vld.idx.msk [tilespmem:v23+s19+$0x0], $0xffff  }
0x208: {  	v9 =	vld.idx.msk [tilespmem:v3+s19+$0x0], $0xffff  }
0x209: {  	v10 =	vld.idx.msk [tilespmem:v2+s19+$0x0], $0xffff  }
0x20a: {  	v18 =	vld.idx.msk [tilespmem:v4+s19+$0x0], $0xffff  }
0x20b: {  	v19 =	vld.idx.msk [tilespmem:v6+s19+$0x0], $0xffff  }
0x20c: {  	v20 =	vld.idx.msk [tilespmem:v1+s19+$0x0], $0xffff  }
0x20d: {  	v21 =	vld.idx.msk [tilespmem:v0+s19+$0x0], $0xffff;
	_ =	sdelay $0x2  }
0x20e: {  	v22 =	vmin.f32 v10, v9;
	v24 =	vmax.f32 v10, v9;
	v25 =	vmin.f32 v7, v18  }
0x20f: {  	v26 =	vmax.f32 v7, v18;
	v28 =	vmin.f32 v19, v8;
	v54 =	vmax.f32 v19, v8  }
0x210: {  	v31 =	vmin.f32 v21, v20;
	v32 =	vmax.f32 v21, v20;
	v27 =	vmax.f32 v25, v22  }
0x211: {  	v29 =	vmin.f32 v26, v24;
	v24 =	vmax.f32 v26, v24;
	v34 =	vmin.f32 v31, v28  }
0x212: {  	v28 =	vmax.f32 v31, v28;
	v57 =	vmin.f32 v32, v54;
	v22 =	vmin.f32 v25, v22  }
0x213: {  	v33 =	vld.idx.msk [tilespmem:v4+s20+$0x0], $0xffff;
	v26 =	vmax.f32 v32, v54;
	v30 =	vmin.f32 v29, v27;
	v58 =	vmin.f32 v57, v28  }
0x214: {  	v35 =	vld.idx.msk [tilespmem:v5+s20+$0x0], $0xffff;
	v28 =	vmax.f32 v57, v28;
	v27 =	vmax.f32 v29, v27;
	v22 =	vmax.f32 v22, v26  }
0x215: {  	v59 =	vld.idx.msk [tilespmem:v23+s20+$0x0], $0xffff;
	v24 =	vmax.f32 v24, v34;
	v28 =	vmax.f32 v30, v28;
	v25 =	vmax.f32 v27, v58  }
0x216: {  	v60 =	vld.idx.msk [tilespmem:v2+s20+$0x0], $0xffff;
	v22 =	vmin.f32 v22, v28;
	v24 =	vmin.f32 v25, v24  }
0x217: {  	v61 =	vld.idx.msk [tilespmem:v3+s20+$0x0], $0xffff;
	v22 =	vmin.f32 v22, v24  }
0x218: {  	v62 =	vld.idx.msk [tilespmem:v0+s20+$0x0], $0xffff;
	vm0 =	vge.f32 v7, v22  }
0x219: {  	v63 =	vld.idx.msk [tilespmem:v1+s20+$0x0], $0xffff;
	vm1 =	vge.f32 v18, v22;
	v18 =	vnsel vm0, $0x0, v35  }
0x21a: {  	v7 =	vld.idx.msk [tilespmem:v6+s20+$0x0], $0xffff;
	vm10 =	vge.f32 v10, v22;
	v10 =	vnsel vm1, $0x0, v33;
	[tilespmem:v5+s26+$0x0] =	vst.idx.msk $0xffff, v18  }
0x21b: {  	vm11 =	vge.f32 v9, v22;
	[tilespmem:v4+s26+$0x0] =	vst.idx.msk $0xffff, v10;
	v4 =	vnsel vm10, $0x0, v60  }
0x21c: {  	vm12 =	vge.f32 v21, v22;
	[tilespmem:v2+s26+$0x0] =	vst.idx.msk $0xffff, v4;
	v2 =	vnsel vm11, $0x0, v61  }
0x21d: {  	vm13 =	vge.f32 v20, v22;
	[tilespmem:v3+s26+$0x0] =	vst.idx.msk $0xffff, v2;
	v2 =	vnsel vm12, $0x0, v62  }
0x21e: {  	[tilespmem:v0+s26+$0x0] =	vst.idx.msk $0xffff, v2;
	v0 =	vnsel vm13, $0x0, v63  }
0x21f: {  	[tilespmem:v1+s26+$0x0] =	vst.idx.msk $0xffff, v0;
	v1 =	vld [tilespmem:$0x1FEA0];
	_ =	sdelay $0x3  }
0x220: {  	vm14 =	vge.f32 v19, v22  }
0x221: {  	vm15 =	vge.f32 v8, v22;
	v0 =	vnsel vm14, $0x0, v7;
	v3 =	vor.u32 $0x80, v1;
	v1 =	vld [tilespmem:$0x1FEB0]  }
0x222: {  	[tilespmem:v6+s26+$0x0] =	vst.idx.msk $0xffff, v0;
	v0 =	vnsel vm15, $0x0, v59  }
0x223: {  	[tilespmem:v23+s26+$0x0] =	vst.idx.msk $0xffff, v0;
	v0 =	vld [tilespmem:$0x1FEC0];
	_ =	sdelay $0x2  }
0x224: {  	v4 =	vor.u32 $0x80, v1;
	_ =	sdelay $0x1  }
0x225: {  	v2 =	vmov v3;
	v1 =	vor.u32 $0x80, v0;
	v0 =	vmov v4  }
.LBB2_13:
0x226: {  	v5 =	vand.u32 $0x7E, v45;
	v6 =	vshll.u32 v45, $0x2;
	v7 =	vand.u32 $0x7F, v44;
	p0 =	sne.s32 s3, $0x1;
	s3 =	sadd.s32 $0xFFFFFFFF, s3;
	v8 =	vld.idx.msk [tilespmem:v11+s19+$0x0], $0xffff  }
0x227: {  	v9 =	vshll.u32 v44, $0x2;
	v10 =	vshll.u32 v41, $0x2;
	v18 =	vshll.u32 v40, $0x2;
	v19 =	vld.idx.msk [tilespmem:v3+s19+$0x0], $0xffff  }
0x228: {  	v20 =	vshll.u32 v47, $0x2;
	v21 =	vand.u32 $0x7E, v41;
	v3 =	vshll.u32 v42, $0x2;
	v4 =	vld.idx.msk [tilespmem:v4+s19+$0x0], $0xffff  }
0x229: {  	v22 =	vshll.u32 v46, $0x2;
	v23 =	vshll.u32 v43, $0x2;
	v24 =	vand.u32 $0x7F, v42;
	v25 =	vld.idx.msk [tilespmem:v12+s19+$0x0], $0xffff  }
0x22a: {  	v22 =	vand.u32 $0xFFFFFE00, v22;
	v6 =	vand.u32 $0xFFFFFE00, v6;
	v10 =	vand.u32 $0xFFFFFE00, v10;
	v26 =	vld.idx.msk [tilespmem:v1+s19+$0x0], $0xffff  }
0x22b: {  	v23 =	vand.u32 $0xFFFFFE00, v23;
	v20 =	vand.u32 $0xFFFFFE00, v20;
	v10 =	vor.u32 v10, v21;
	v21 =	vld.idx.msk [tilespmem:v16+s19+$0x0], $0xffff  }
0x22c: {  	v27 =	vand.u32 $0x78, v46;
	v28 =	vand.u32 $0x7C, v47;
	v3 =	vand.u32 $0xFFFFFE00, v3;
	v29 =	vld.idx.msk [tilespmem:v13+s19+$0x0], $0xffff  }
0x22d: {  	v30 =	vand.u32 $0x7F, v43;
	v5 =	vor.u32 v6, v5;
	v6 =	vand.u32 $0xFFFFFE00, v9;
	v9 =	vld.idx.msk [tilespmem:v17+s19+$0x0], $0xffff  }
0x22e: {  	v23 =	vor.u32 v23, v30;
	v30 =	vand.u32 $0x7F, v40;
	v5 =	vor.u32 $0x80, v5  }
0x22f: {  	v20 =	vor.u32 v20, v28;
	v3 =	vor.u32 v3, v24;
	v24 =	vmax.f32 v8, v25  }
0x230: {  	v28 =	vor.u32 $0x80, v3;
	v3 =	vor.u32 v6, v7;
	v6 =	vmax.f32 v26, v4  }
0x231: {  	v18 =	vand.u32 $0xFFFFFE00, v18;
	v7 =	vor.u32 v22, v27;
	v22 =	vmin.f32 v8, v25  }
0x232: {  	v32 =	vmin.f32 v26, v4;
	v27 =	vmin.f32 v29, v19;
	v31 =	vmax.f32 v29, v19  }
0x233: {  	v23 =	vor.u32 $0x80, v23;
	v20 =	vor.u32 $0x80, v20;
	v33 =	vmax.f32 v9, v21  }
0x234: {  	v35 =	vmax.f32 v27, v32;
	v37 =	vmin.f32 v31, v6;
	v34 =	vmin.f32 v33, v24  }
0x235: {  	v38 =	vmin.f32 v9, v21;
	v24 =	vmax.f32 v33, v24;
	v33 =	vmin.f32 v37, v35  }
0x236: {  	v3 =	vor.u32 $0x80, v3;
	v48 =	vmin.f32 v38, v22;
	v22 =	vmax.f32 v38, v22;
	v39 =	vld.idx.msk [tilespmem:v16+s20+$0x0], $0xffff  }
0x237: {  	v27 =	vmin.f32 v27, v32;
	v32 =	vmax.f32 v37, v35;
	v49 =	vmax.f32 v34, v22;
	v38 =	vld.idx.msk [tilespmem:v17+s20+$0x0], $0xffff  }
0x238: {  	v6 =	vmax.f32 v31, v6;
	v22 =	vmin.f32 v34, v22;
	v31 =	vmax.f32 v49, v33;
	v35 =	vld.idx.msk [tilespmem:v11+s20+$0x0], $0xffff  }
0x239: {  	v6 =	vmax.f32 v48, v6;
	v24 =	vmax.f32 v24, v27;
	v22 =	vmax.f32 v22, v32;
	v33 =	vld.idx.msk [tilespmem:v0+s20+$0x0], $0xffff  }
0x23a: {  	v18 =	vor.u32 v18, v30;
	v6 =	vmin.f32 v6, v22;
	v22 =	vmin.f32 v31, v24;
	v27 =	vld.idx.msk [tilespmem:v12+s20+$0x0], $0xffff  }
0x23b: {  	v6 =	vmin.f32 v6, v22;
	v24 =	vld.idx.msk [tilespmem:v13+s20+$0x0], $0xffff  }
0x23c: {  	vm0 =	vge.f32 v9, v6;
	vm1 =	vge.f32 v21, v6;
	vm2 =	vge.f32 v8, v6;
	v22 =	vld.idx.msk [tilespmem:v2+s20+$0x0], $0xffff  }
0x23d: {  	v7 =	vor.u32 $0x80, v7;
	v21 =	vnsel vm1, $0x0, v39;
	v9 =	vnsel vm0, $0x0, v38;
	v8 =	vld.idx.msk [tilespmem:v1+s20+$0x0], $0xffff  }
0x23e: {  	vm1 =	vge.f32 v29, v6;
	vm0 =	vge.f32 v25, v6;
	[tilespmem:v17+s26+$0x0] =	vst.idx.msk $0xffff, v9;
	v9 =	vnsel vm2, $0x0, v35  }
0x23f: {  	vm3 =	vge.f32 v26, v6;
	vm2 =	vge.f32 v19, v6;
	[tilespmem:v16+s26+$0x0] =	vst.idx.msk $0xffff, v21;
	v16 =	vmov v23  }
0x240: {  	v17 =	vmovc v7;
	[tilespmem:v11+s26+$0x0] =	vst.idx.msk $0xffff, v9;
	v9 =	vnsel vm0, $0x0, v27;
	vm0 =	vge.f32 v4, v6;
	v11 =	vmov v5  }
.Ltmp7:
0x241: {  	v41 =	vadd.s32 $0x80, v41;
	v4 =	vnsel vm1, $0x0, v24;
	[tilespmem:v12+s26+$0x0] =	vst.idx.msk $0xffff, v9;
	v12 =	vmov v28;
	(pc) =	sbr.rel @p0 .LBB2_13-.Ltmp7, $4  }
0x242: {  	v47 =	vadd.s32 $0x80, v47;
	v42 =	vadd.s32 $0x80, v42;
	v5 =	vnsel vm2, $0x0, v22;
	[tilespmem:v13+s26+$0x0] =	vst.idx.msk $0xffff, v4;
	v13 =	vmovc v20  }
0x243: {  	v43 =	vadd.s32 $0x80, v43;
	v4 =	vor.u32 $0x80, v18;
	[tilespmem:v2+s26+$0x0] =	vst.idx.msk $0xffff, v5;
	v5 =	vnsel vm3, $0x0, v8;
	v2 =	vmovc v3  }
0x244: {  	v46 =	vadd.s32 $0x80, v46;
	v40 =	vadd.s32 $0x80, v40;
	[tilespmem:v1+s26+$0x0] =	vst.idx.msk $0xffff, v5;
	v5 =	vnsel vm0, $0x0, v33  }
0x245: {  	v45 =	vadd.s32 $0x80, v45;
	v44 =	vadd.s32 $0x80, v44;
	v1 =	vor.u32 $0x80, v10;
	[tilespmem:v0+s26+$0x0] =	vst.idx.msk $0xffff, v5;
	v0 =	vmovc v4  }
0x246: {  	_ =	sdelay $0x3  }
0x247: {  	v5 =	vld.idx.msk [tilespmem:v11+s19+$0x0], $0xffff  }
0x248: {  	v3 =	vld.idx.msk [tilespmem:v3+s19+$0x0], $0xffff  }
0x249: {  	v4 =	vld.idx.msk [tilespmem:v4+s19+$0x0], $0xffff  }
0x24a: {  	v6 =	vld.idx.msk [tilespmem:v12+s19+$0x0], $0xffff  }
0x24b: {  	v7 =	vld.idx.msk [tilespmem:v1+s19+$0x0], $0xffff  }
0x24c: {  	v8 =	vld.idx.msk [tilespmem:v16+s19+$0x0], $0xffff  }
0x24d: {  	v9 =	vld.idx.msk [tilespmem:v13+s19+$0x0], $0xffff  }
0x24e: {  	v10 =	vld.idx.msk [tilespmem:v17+s19+$0x0], $0xffff;
	_ =	sdelay $0x3  }
0x24f: {  	v18 =	vmax.f32 v5, v6;
	v19 =	vmax.f32 v7, v4;
	v20 =	vmin.f32 v5, v6  }
0x250: {  	v21 =	vmin.f32 v9, v3;
	v22 =	vmin.f32 v7, v4;
	v23 =	vmax.f32 v10, v8  }
0x251: {  	v24 =	vmax.f32 v9, v3;
	v28 =	vmin.f32 v10, v8;
	v25 =	vmin.f32 v23, v18  }
0x252: {  	v26 =	vmax.f32 v21, v22;
	v27 =	vmin.f32 v24, v19;
	v18 =	vmax.f32 v23, v18  }
0x253: {  	v30 =	vmin.f32 v28, v20;
	v20 =	vmax.f32 v28, v20;
	v21 =	vmin.f32 v21, v22  }
0x254: {  	v23 =	vld.idx.msk [tilespmem:v16+s20+$0x0], $0xffff;
	v19 =	vmax.f32 v24, v19;
	v29 =	vmin.f32 v27, v26;
	v31 =	vmax.f32 v25, v20  }
0x255: {  	v28 =	vld.idx.msk [tilespmem:v17+s20+$0x0], $0xffff;
	v22 =	vmax.f32 v27, v26;
	v20 =	vmin.f32 v25, v20;
	v19 =	vmax.f32 v30, v19  }
0x256: {  	v26 =	vld.idx.msk [tilespmem:v11+s20+$0x0], $0xffff;
	v18 =	vmax.f32 v18, v21;
	v24 =	vmax.f32 v31, v29;
	v20 =	vmax.f32 v20, v22  }
0x257: {  	v25 =	vld.idx.msk [tilespmem:v0+s20+$0x0], $0xffff;
	v19 =	vmin.f32 v19, v20;
	v18 =	vmin.f32 v24, v18  }
0x258: {  	v21 =	vld.idx.msk [tilespmem:v12+s20+$0x0], $0xffff;
	v18 =	vmin.f32 v19, v18  }
0x259: {  	v20 =	vld.idx.msk [tilespmem:v13+s20+$0x0], $0xffff;
	vm0 =	vge.f32 v10, v18  }
0x25a: {  	v19 =	vld.idx.msk [tilespmem:v2+s20+$0x0], $0xffff;
	vm1 =	vge.f32 v8, v18;
	vm2 =	vge.f32 v5, v18;
	v5 =	vnsel vm0, $0x0, v28  }
0x25b: {  	v10 =	vld.idx.msk [tilespmem:v1+s20+$0x0], $0xffff;
	v8 =	vnsel vm1, $0x0, v23;
	[tilespmem:v17+s26+$0x0] =	vst.idx.msk $0xffff, v5  }
0x25c: {  	vm15 =	vge.f32 v6, v18;
	v5 =	vnsel vm2, $0x0, v26;
	[tilespmem:v16+s26+$0x0] =	vst.idx.msk $0xffff, v8  }
0x25d: {  	vm7 =	vge.f32 v3, v18;
	v3 =	vnsel vm15, $0x0, v21;
	[tilespmem:v11+s26+$0x0] =	vst.idx.msk $0xffff, v5  }
0x25e: {  	[tilespmem:v12+s26+$0x0] =	vst.idx.msk $0xffff, v3;
	v3 =	vld [tilespmem:$0x1FFF0];
	_ =	sdelay $0x2  }
0x25f: {  	v45 =	vld [tilespmem:$0x1FE90]  }
0x260: {  	v46 =	vld [tilespmem:$0x1FE60]  }
0x261: {  	v5 =	vnsel vm7, $0x0, v19;
	v19 =	vadd.s32 $0x80, v3;
	v3 =	vld [tilespmem:$0x1FFD0]  }
0x262: {  	v49 =	vld [tilespmem:$0x1FE50];
	vm6 =	vge.f32 v9, v18  }
0x263: {  	v47 =	vld [tilespmem:$0x1FE70];
	vm8 =	vge.f32 v4, v18;
	v4 =	vnsel vm6, $0x0, v20  }
0x264: {  	v48 =	vld [tilespmem:$0x1FE40];
	vm3 =	vge.f32 v7, v18;
	[tilespmem:v13+s26+$0x0] =	vst.idx.msk $0xffff, v4  }
0x265: {  	v50 =	vld [tilespmem:$0x1FE30];
	v6 =	vnsel vm3, $0x0, v10;
	[tilespmem:v2+s26+$0x0] =	vst.idx.msk $0xffff, v5  }
0x266: {  	v7 =	vnsel vm8, $0x0, v25;
	[tilespmem:v1+s26+$0x0] =	vst.idx.msk $0xffff, v6;
	v18 =	vadd.s32 $0x80, v3;
	v3 =	vld [tilespmem:$0x1FFA0]  }
0x267: {  	v2 =	vld [tilespmem:$0x1FF90];
	[tilespmem:v0+s26+$0x0] =	vst.idx.msk $0xffff, v7  }
0x268: {  	v24 =	vld.idx.msk [tilespmem:v46+s19+$0x0], $0xffff  }
0x269: {  	v27 =	vld.idx.msk [tilespmem:v56+s19+$0x0], $0xffff  }
0x26a: {  	v30 =	vld.idx.msk [tilespmem:v49+s19+$0x0], $0xffff  }
0x26b: {  	v17 =	vadd.s32 $0x80, v3;
	v3 =	vld [tilespmem:$0x1FF80]  }
0x26c: {  	v31 =	vld.idx.msk [tilespmem:v55+s19+$0x0], $0xffff  }
0x26d: {  	v32 =	vld.idx.msk [tilespmem:v48+s19+$0x0], $0xffff  }
0x26e: {  	v33 =	vld.idx.msk [tilespmem:v50+s19+$0x0], $0xffff  }
0x26f: {  	v13 =	vadd.s32 $0x80, v2;
	v2 =	vld [tilespmem:$0x1FFB0]  }
0x270: {  	v11 =	vadd.s32 $0x80, v3;
	v3 =	vld [tilespmem:$0x1FFC0]  }
0x271: {  	v0 =	vshll.u32 v19, $0x2  }
0x272: {  	v22 =	vand.u32 $0xFFFFFE00, v0;
	v6 =	vand.u32 $0x7E, v13;
	v1 =	vshll.u32 v13, $0x2  }
0x273: {  	v29 =	vand.u32 $0xFFFFFE00, v1;
	v34 =	vmin.f32 v31, v27;
	v35 =	vmin.f32 v33, v32  }
0x274: {  	v38 =	vmax.f32 v33, v32;
	v39 =	vmin.f32 v30, v24;
	v9 =	vshll.u32 v18, $0x2  }
0x275: {  	v26 =	vand.u32 $0x7E, v18;
	v16 =	vadd.s32 $0x80, v2;
	v12 =	vadd.s32 $0x80, v3;
	v3 =	vld [tilespmem:$0x1FFE0]  }
0x276: {  	v10 =	vld.idx.msk [tilespmem:v45+s19+$0x0], $0xffff;
	v41 =	vmax.f32 v35, v39;
	v35 =	vmin.f32 v35, v39;
	v21 =	vshll.u32 v16, $0x2  }
0x277: {  	v28 =	vld.idx.msk [tilespmem:v47+s19+$0x0], $0xffff;
	v9 =	vand.u32 $0xFFFFFE00, v9;
	v21 =	vand.u32 $0xFFFFFE00, v21;
	v4 =	vand.u32 $0x7F, v17  }
0x278: {  	v20 =	vshll.u32 v17, $0x2;
	v23 =	vshll.u32 v11, $0x2;
	v25 =	vand.u32 $0x7F, v11  }
0x279: {  	v23 =	vand.u32 $0xFFFFFE00, v23;
	v5 =	vshll.u32 v12, $0x2;
	v7 =	vand.u32 $0x7F, v12  }
0x27a: {  	v5 =	vand.u32 $0xFFFFFE00, v5;
	v8 =	vadd.s32 $0x80, v3;
	v3 =	vand.u32 $0x7C, v16  }
0x27b: {  	v2 =	vand.u32 $0x78, v8;
	v0 =	vshll.u32 v8, $0x2;
	v21 =	vor.u32 v21, v3  }
0x27c: {  	v3 =	vor.u32 v5, v7;
	v7 =	vmax.f32 v28, v10;
	v0 =	vand.u32 $0xFFFFFE00, v0  }
0x27d: {  	v0 =	vor.u32 v0, v2;
	v2 =	vand.u32 $0xFFFFFE00, v20;
	v20 =	vor.u32 v9, v26  }
0x27e: {  	v9 =	vmax.f32 v30, v24;
	v26 =	vmin.f32 v28, v10;
	v2 =	vor.u32 v2, v4  }
0x27f: {  	v4 =	vand.u32 $0x7F, v19;
	v58 =	vmin.f32 v38, v9;
	v9 =	vmax.f32 v38, v9  }
0x280: {  	v4 =	vor.u32 v22, v4;
	v22 =	vor.u32 v29, v6;
	v6 =	vmax.f32 v31, v27  }
0x281: {  	v42 =	vld.idx.msk [tilespmem:v48+s20+$0x0], $0xffff;
	v29 =	vmax.f32 v26, v34;
	v26 =	vmin.f32 v26, v34;
	v43 =	vmax.f32 v58, v41  }
0x282: {  	v44 =	vld.idx.msk [tilespmem:v50+s20+$0x0], $0xffff;
	v34 =	vmin.f32 v58, v41;
	v59 =	vmin.f32 v7, v6;
	v6 =	vmax.f32 v7, v6  }
0x283: {  	v60 =	vld.idx.msk [tilespmem:v56+s20+$0x0], $0xffff;
	v9 =	vmax.f32 v9, v26;
	v7 =	vmin.f32 v59, v29;
	v29 =	vmax.f32 v59, v29  }
0x284: {  	v61 =	vld.idx.msk [tilespmem:v49+s20+$0x0], $0xffff;
	v6 =	vmax.f32 v35, v6;
	v7 =	vmax.f32 v43, v7;
	v29 =	vmax.f32 v34, v29  }
0x285: {  	v62 =	vld.idx.msk [tilespmem:v47+s20+$0x0], $0xffff;
	v1 =	vor.u32 v23, v25;
	v6 =	vmin.f32 v6, v29;
	v9 =	vmin.f32 v7, v9  }
0x286: {  	v25 =	vor.u32 $0x100, v1;
	v40 =	vor.u32 $0x100, v3;
	v26 =	vld.idx.msk [tilespmem:v46+s20+$0x0], $0xffff;
	v6 =	vmin.f32 v6, v9  }
0x287: {  	v63 =	vld.idx.msk [tilespmem:v55+s20+$0x0], $0xffff;
	v37 =	vor.u32 $0x100, v0;
	v38 =	vor.u32 $0x100, v21;
	vm9 =	vge.f32 v33, v6  }
0x288: {  	v23 =	vor.u32 $0x100, v2;
	v9 =	vld.idx.msk [tilespmem:v45+s20+$0x0], $0xffff;
	vm10 =	vge.f32 v32, v6;
	v29 =	vnsel vm9, $0x0, v44  }
0x289: {  	vm11 =	vge.f32 v30, v6;
	vm12 =	vge.f32 v24, v6;
	v30 =	vnsel vm10, $0x0, v42;
	[tilespmem:v50+s26+$0x0] =	vst.idx.msk $0xffff, v29  }
0x28a: {  	vm13 =	vge.f32 v28, v6;
	vm14 =	vge.f32 v10, v6;
	v10 =	vnsel vm11, $0x0, v61;
	[tilespmem:v48+s26+$0x0] =	vst.idx.msk $0xffff, v30  }
0x28b: {  	vm15 =	vge.f32 v31, v6;
	vm4 =	vge.f32 v27, v6;
	v6 =	vnsel vm12, $0x0, v26;
	[tilespmem:v49+s26+$0x0] =	vst.idx.msk $0xffff, v10  }
0x28c: {  	v41 =	vadd.s32 $0x80, v18;
	v5 =	vor.u32 $0x100, v4;
	[tilespmem:v46+s26+$0x0] =	vst.idx.msk $0xffff, v6;
	v6 =	vnsel vm13, $0x0, v62  }
0x28d: {  	v39 =	vor.u32 $0x100, v22;
	v7 =	vadd.s32 $0x80, v19;
	[tilespmem:v47+s26+$0x0] =	vst.idx.msk $0xffff, v6;
	v6 =	vnsel vm14, $0x0, v9  }
0x28e: {  	v28 =	vadd.s32 $0x80, v17;
	v27 =	vadd.s32 $0x80, v8;
	v26 =	vadd.s32 $0x80, v13  }
0x28f: {  	v42 =	vadd.s32 $0x80, v16;
	v24 =	vnsel vm15, $0x0, v63;
	v29 =	vadd.s32 $0x80, v11  }
0x290: {  	s3 =	simm.s32 $0x1E;
	v30 =	vadd.s32 $0x80, v12;
	v10 =	vnsel vm4, $0x0, v60;
	v9 =	vor.u32 $0x100, v20;
	[tilespmem:v45+s26+$0x0] =	vst.idx.msk $0xffff, v6;
	v6 =	vmovc v40  }
.LBB2_15:
0x291: {  	v31 =	vand.u32 $0x78, v27;
	v32 =	vand.u32 $0x7E, v26;
	v33 =	vand.u32 $0x7C, v42;
	p0 =	sne.s32 s3, $0x1;
	s3 =	sadd.s32 $0xFFFFFFFF, s3;
	[tilespmem:v55+s26+$0x0] =	vst.idx.msk $0xffff, v24;
	v55 =	vmovc v9  }
0x292: {  	v9 =	vshll.u32 v26, $0x2;
	v24 =	vand.u32 $0x7F, v28;
	v34 =	vshll.u32 v30, $0x2;
	[tilespmem:v56+s26+$0x0] =	vst.idx.msk $0xffff, v10;
	v56 =	vmovc v5  }
0x293: {  	v35 =	vshll.u32 v41, $0x2;
	v43 =	vshll.u32 v7, $0x2;
	v10 =	vand.u32 $0x7F, v30;
	v44 =	vld.idx.msk [tilespmem:v40+s19+$0x0], $0xffff  }
0x294: {  	v45 =	vshll.u32 v42, $0x2;
	v43 =	vand.u32 $0xFFFFFE00, v43;
	v40 =	vshll.u32 v28, $0x2;
	v46 =	vld.idx.msk [tilespmem:v23+s19+$0x0], $0xffff  }
0x295: {  	v47 =	vshll.u32 v27, $0x2;
	v48 =	vshll.u32 v29, $0x2;
	v49 =	vand.u32 $0x7E, v41;
	v50 =	vld.idx.msk [tilespmem:v25+s19+$0x0], $0xffff  }
0x296: {  	v51 =	vand.u32 $0x7F, v29;
	v47 =	vand.u32 $0xFFFFFE00, v47;
	v48 =	vand.u32 $0xFFFFFE00, v48;
	v52 =	vld.idx.msk [tilespmem:v5+s19+$0x0], $0xffff  }
0x297: {  	v9 =	vand.u32 $0xFFFFFE00, v9;
	v5 =	vor.u32 v47, v31;
	v31 =	vand.u32 $0xFFFFFE00, v34;
	v34 =	vld.idx.msk [tilespmem:v38+s19+$0x0], $0xffff  }
0x298: {  	v45 =	vand.u32 $0xFFFFFE00, v45;
	v35 =	vand.u32 $0xFFFFFE00, v35;
	v47 =	vld.idx.msk [tilespmem:v39+s19+$0x0], $0xffff  }
0x299: {  	v48 =	vor.u32 v48, v51;
	v40 =	vand.u32 $0xFFFFFE00, v40;
	v51 =	vld.idx.msk [tilespmem:v55+s19+$0x0], $0xffff  }
0x29a: {  	v48 =	vor.u32 $0x100, v48;
	v53 =	vor.u32 $0x100, v5  }
0x29b: {  	v5 =	vor.u32 v40, v24;
	v24 =	vor.u32 v45, v33;
	v33 =	vand.u32 $0x7F, v7;
	v45 =	vld.idx.msk [tilespmem:v37+s19+$0x0], $0xffff  }
0x29c: {  	v35 =	vor.u32 v35, v49;
	v54 =	vor.u32 $0x100, v5  }
0x29d: {  	v5 =	vor.u32 v31, v10;
	v10 =	vor.u32 v43, v33;
	v31 =	vmax.f32 v34, v44  }
0x29e: {  	v40 =	vor.u32 $0x100, v5;
	v5 =	vor.u32 $0x100, v10;
	v10 =	vmax.f32 v47, v46  }
0x29f: {  	v9 =	vor.u32 v9, v32;
	v32 =	vmin.f32 v34, v44;
	v33 =	vmin.f32 v51, v52  }
0x2a0: {  	v9 =	vor.u32 $0x100, v9;
	v43 =	vmax.f32 v51, v52;
	v49 =	vmax.f32 v32, v33  }
0x2a1: {  	v32 =	vmin.f32 v32, v33;
	v57 =	vmin.f32 v45, v50;
	v58 =	vmax.f32 v45, v50  }
0x2a2: {  	v24 =	vor.u32 $0x100, v24;
	v33 =	vmin.f32 v47, v46;
	v59 =	vmin.f32 v58, v10  }
0x2a3: {  	v60 =	vmin.f32 v57, v33;
	v33 =	vmax.f32 v57, v33;
	v57 =	vmin.f32 v31, v43  }
0x2a4: {  	v31 =	vmax.f32 v31, v43;
	v62 =	vmax.f32 v59, v33;
	v43 =	vmin.f32 v57, v49;
	v61 =	vld.idx.msk [tilespmem:v25+s20+$0x0], $0xffff  }
0x2a5: {  	v10 =	vmax.f32 v58, v10;
	v31 =	vmax.f32 v60, v31;
	v43 =	vmax.f32 v62, v43;
	v63 =	vld.idx.msk [tilespmem:v37+s20+$0x0], $0xffff  }
0x2a6: {  	v33 =	vmin.f32 v59, v33;
	v49 =	vmax.f32 v57, v49;
	v58 =	vld.idx.msk [tilespmem:v56+s20+$0x0], $0xffff  }
0x2a7: {  	v10 =	vmax.f32 v10, v32;
	v33 =	vmax.f32 v33, v49;
	v57 =	vld.idx.msk [tilespmem:v39+s20+$0x0], $0xffff  }
0x2a8: {  	v31 =	vmin.f32 v31, v33;
	v10 =	vmin.f32 v43, v10;
	v32 =	vld.idx.msk [tilespmem:v23+s20+$0x0], $0xffff  }
0x2a9: {  	v7 =	vadd.s32 $0x80, v7;
	v10 =	vmin.f32 v31, v10;
	v33 =	vld.idx.msk [tilespmem:v38+s20+$0x0], $0xffff  }
0x2aa: {  	vm0 =	vge.f32 v45, v10;
	vm1 =	vge.f32 v50, v10;
	vm2 =	vge.f32 v47, v10;
	v31 =	vld.idx.msk [tilespmem:v6+s20+$0x0], $0xffff  }
0x2ab: {  	v47 =	vnsel vm1, $0x0, v61;
	v45 =	vnsel vm0, $0x0, v63;
	vm0 =	vge.f32 v46, v10;
	v43 =	vld.idx.msk [tilespmem:v55+s20+$0x0], $0xffff  }
0x2ac: {  	v41 =	vadd.s32 $0x80, v41;
	vm3 =	vge.f32 v44, v10;
	vm1 =	vge.f32 v34, v10;
	[tilespmem:v37+s26+$0x0] =	vst.idx.msk $0xffff, v45  }
.Ltmp8:
0x2ad: {  	vm4 =	vge.f32 v52, v10;
	v34 =	vnsel vm2, $0x0, v57;
	vm2 =	vge.f32 v51, v10;
	[tilespmem:v25+s26+$0x0] =	vst.idx.msk $0xffff, v47;
	(pc) =	sbr.rel @p0 .LBB2_15-.Ltmp8, $4  }
0x2ae: {  	v28 =	vadd.s32 $0x80, v28;
	v10 =	vnsel vm4, $0x0, v58;
	v37 =	vmovc v53;
	v32 =	vnsel vm0, $0x0, v32;
	v25 =	vmovc v48;
	[tilespmem:v39+s26+$0x0] =	vst.idx.msk $0xffff, v34  }
0x2af: {  	v29 =	vadd.s32 $0x80, v29;
	v30 =	vadd.s32 $0x80, v30;
	v39 =	vmovc v9;
	[tilespmem:v23+s26+$0x0] =	vst.idx.msk $0xffff, v32;
	v32 =	vnsel vm1, $0x0, v33;
	v23 =	vmovc v54  }
0x2b0: {  	v26 =	vadd.s32 $0x80, v26;
	v42 =	vadd.s32 $0x80, v42;
	v31 =	vnsel vm3, $0x0, v31;
	[tilespmem:v38+s26+$0x0] =	vst.idx.msk $0xffff, v32;
	v38 =	vmovc v24  }
0x2b1: {  	v27 =	vadd.s32 $0x80, v27;
	v9 =	vor.u32 $0x100, v35;
	v24 =	vnsel vm2, $0x0, v43;
	[tilespmem:v6+s26+$0x0] =	vst.idx.msk $0xffff, v31;
	v6 =	vmovc v40  }
0x2b2: {  	_ =	sdelay $0x3  }
0x2b3: {  	[tilespmem:v55+s26+$0x0] =	vst.idx.msk $0xffff, v24  }
0x2b4: {  	[tilespmem:v56+s26+$0x0] =	vst.idx.msk $0xffff, v10  }
0x2b5: {  	v7 =	vld.idx.msk [tilespmem:v40+s19+$0x0], $0xffff  }
0x2b6: {  	v10 =	vld.idx.msk [tilespmem:v23+s19+$0x0], $0xffff  }
0x2b7: {  	v24 =	vld.idx.msk [tilespmem:v25+s19+$0x0], $0xffff  }
0x2b8: {  	v26 =	vld.idx.msk [tilespmem:v5+s19+$0x0], $0xffff  }
0x2b9: {  	v27 =	vld.idx.msk [tilespmem:v38+s19+$0x0], $0xffff  }
0x2ba: {  	v28 =	vld.idx.msk [tilespmem:v9+s19+$0x0], $0xffff  }
0x2bb: {  	v29 =	vld.idx.msk [tilespmem:v39+s19+$0x0], $0xffff  }
0x2bc: {  	v30 =	vld.idx.msk [tilespmem:v37+s19+$0x0], $0xffff;
	_ =	sdelay $0x3  }
0x2bd: {  	v31 =	vmax.f32 v27, v7;
	v32 =	vmin.f32 v27, v7;
	v33 =	vmin.f32 v28, v26  }
0x2be: {  	v34 =	vmax.f32 v29, v10;
	v35 =	vmax.f32 v28, v26;
	v41 =	vmin.f32 v30, v24  }
0x2bf: {  	v42 =	vmax.f32 v30, v24;
	v43 =	vmin.f32 v29, v10;
	v57 =	vmax.f32 v32, v33  }
0x2c0: {  	v32 =	vmin.f32 v32, v33;
	v58 =	vmin.f32 v42, v34;
	v44 =	vmax.f32 v41, v43  }
0x2c1: {  	v45 =	vld.idx.msk [tilespmem:v25+s20+$0x0], $0xffff;
	v41 =	vmin.f32 v41, v43;
	v59 =	vmin.f32 v31, v35;
	v31 =	vmax.f32 v31, v35  }
0x2c2: {  	v47 =	vld.idx.msk [tilespmem:v37+s20+$0x0], $0xffff;
	v34 =	vmax.f32 v42, v34;
	v46 =	vmax.f32 v58, v44;
	v60 =	vmin.f32 v59, v57  }
0x2c3: {  	v61 =	vld.idx.msk [tilespmem:v5+s20+$0x0], $0xffff;
	v31 =	vmax.f32 v41, v31;
	v33 =	vmin.f32 v58, v44;
	v40 =	vmax.f32 v59, v57  }
0x2c4: {  	v32 =	vmax.f32 v34, v32;
	v35 =	vmax.f32 v46, v60;
	v33 =	vmax.f32 v33, v40;
	v40 =	vld.idx.msk [tilespmem:v38+s20+$0x0], $0xffff  }
0x2c5: {  	v62 =	vld.idx.msk [tilespmem:v39+s20+$0x0], $0xffff;
	v31 =	vmin.f32 v31, v33;
	v32 =	vmin.f32 v35, v32  }
0x2c6: {  	v63 =	vld.idx.msk [tilespmem:v23+s20+$0x0], $0xffff;
	v31 =	vmin.f32 v31, v32  }
0x2c7: {  	v43 =	vld.idx.msk [tilespmem:v6+s20+$0x0], $0xffff;
	vm0 =	vge.f32 v30, v31;
	vm1 =	vge.f32 v24, v31  }
0x2c8: {  	v44 =	vld.idx.msk [tilespmem:v9+s20+$0x0], $0xffff;
	vm5 =	vge.f32 v29, v31;
	vm7 =	vge.f32 v27, v31;
	v30 =	vnsel vm0, $0x0, v47  }
0x2c9: {  	vm8 =	vge.f32 v7, v31;
	v45 =	vnsel vm1, $0x0, v45;
	[tilespmem:v37+s26+$0x0] =	vst.idx.msk $0xffff, v30;
	v7 =	vnsel vm7, $0x0, v40;
	v40 =	vld [tilespmem:$0x1FCC0]  }
0x2ca: {  	v41 =	vld [tilespmem:$0x1FCA0];
	vm6 =	vge.f32 v10, v31;
	v10 =	vnsel vm5, $0x0, v62;
	[tilespmem:v25+s26+$0x0] =	vst.idx.msk $0xffff, v45  }
0x2cb: {  	[tilespmem:v39+s26+$0x0] =	vst.idx.msk $0xffff, v10;
	v10 =	vnsel vm6, $0x0, v63  }
0x2cc: {  	v42 =	vld [tilespmem:$0x1FCB0];
	[tilespmem:v23+s26+$0x0] =	vst.idx.msk $0xffff, v10  }
0x2cd: {  	vm9 =	vge.f32 v28, v31;
	[tilespmem:v38+s26+$0x0] =	vst.idx.msk $0xffff, v7;
	v7 =	vnsel vm8, $0x0, v43  }
0x2ce: {  	vm10 =	vge.f32 v26, v31;
	[tilespmem:v6+s26+$0x0] =	vst.idx.msk $0xffff, v7;
	v6 =	vnsel vm9, $0x0, v44  }
0x2cf: {  	v43 =	vld [tilespmem:$0x1FC80];
	v7 =	vnsel vm10, $0x0, v61;
	[tilespmem:v9+s26+$0x0] =	vst.idx.msk $0xffff, v6  }
0x2d0: {  	v44 =	vld [tilespmem:$0x1FC90];
	[tilespmem:v5+s26+$0x0] =	vst.idx.msk $0xffff, v7  }
0x2d1: {  	v6 =	vld.idx.msk [tilespmem:v40+s19+$0x0], $0xffff  }
0x2d2: {  	v10 =	vld.idx.msk [tilespmem:v41+s19+$0x0], $0xffff  }
0x2d3: {  	v24 =	vld.idx.msk [tilespmem:v14+s19+$0x0], $0xffff  }
0x2d4: {  	v25 =	vld.idx.msk [tilespmem:v42+s19+$0x0], $0xffff  }
0x2d5: {  	v26 =	vld.idx.msk [tilespmem:v15+s19+$0x0], $0xffff  }
0x2d6: {  	v47 =	vld.idx.msk [tilespmem:v36+s19+$0x0], $0xffff  }
0x2d7: {  	v23 =	vld.idx.msk [tilespmem:v43+s19+$0x0], $0xffff  }
0x2d8: {  	v9 =	vor.u32 $0x180, v3;
	v5 =	vor.u32 $0x180, v0;
	v46 =	vld.idx.msk [tilespmem:v44+s19+$0x0], $0xffff  }
0x2d9: {  	v0 =	vor.u32 $0x180, v2;
	v2 =	vor.u32 $0x180, v4;
	v7 =	vmax.f32 v25, v6  }
0x2da: {  	v3 =	vmin.f32 v25, v6;
	v4 =	vmin.f32 v26, v24;
	v49 =	vmax.f32 v26, v24  }
0x2db: {  	v50 =	vmax.f32 v3, v4;
	v55 =	vmin.f32 v7, v49  }
0x2dc: {  	v3 =	vmin.f32 v3, v4;
	v7 =	vmax.f32 v7, v49;
	v57 =	vmin.f32 v55, v50  }
0x2dd: {  	v31 =	vmax.f32 v55, v50;
	v52 =	vmax.f32 v47, v23;
	v48 =	vmax.f32 v46, v10  }
0x2de: {  	v51 =	vmin.f32 v47, v23;
	v53 =	vmin.f32 v46, v10;
	v4 =	vmin.f32 v52, v48  }
0x2df: {  	v39 =	vld.idx.msk [tilespmem:v36+s20+$0x0], $0xffff;
	v54 =	vmax.f32 v51, v53;
	v32 =	vmin.f32 v51, v53;
	v29 =	vmax.f32 v52, v48  }
0x2e0: {  	v58 =	vld.idx.msk [tilespmem:v14+s20+$0x0], $0xffff;
	v56 =	vmax.f32 v4, v54;
	v7 =	vmax.f32 v32, v7;
	v4 =	vmin.f32 v4, v54  }
0x2e1: {  	v37 =	vld.idx.msk [tilespmem:v43+s20+$0x0], $0xffff;
	v3 =	vmax.f32 v29, v3;
	v30 =	vmax.f32 v56, v57;
	v31 =	vmax.f32 v4, v31  }
0x2e2: {  	v59 =	vld.idx.msk [tilespmem:v44+s20+$0x0], $0xffff;
	v60 =	vmin.f32 v7, v31;
	v30 =	vmin.f32 v30, v3  }
0x2e3: {  	v4 =	vor.u32 $0x180, v22;
	v22 =	vld.idx.msk [tilespmem:v41+s20+$0x0], $0xffff;
	v7 =	vadd.s32 $0x80, v19;
	v19 =	vmin.f32 v60, v30  }
0x2e4: {  	v3 =	vor.u32 $0x180, v21;
	v21 =	vld.idx.msk [tilespmem:v42+s20+$0x0], $0xffff;
	vm11 =	vge.f32 v47, v19  }
0x2e5: {  	v61 =	vld.idx.msk [tilespmem:v40+s20+$0x0], $0xffff;
	vm12 =	vge.f32 v23, v19;
	v62 =	vnsel vm11, $0x0, v39  }
0x2e6: {  	vm2 =	vge.f32 v46, v19;
	v23 =	vld.idx.msk [tilespmem:v15+s20+$0x0], $0xffff;
	v63 =	vnsel vm12, $0x0, v37;
	[tilespmem:v36+s26+$0x0] =	vst.idx.msk $0xffff, v62  }
0x2e7: {  	vm13 =	vge.f32 v10, v19;
	vm3 =	vge.f32 v6, v19;
	v6 =	vnsel vm2, $0x0, v59;
	[tilespmem:v43+s26+$0x0] =	vst.idx.msk $0xffff, v63  }
0x2e8: {  	vm14 =	vge.f32 v25, v19;
	[tilespmem:v44+s26+$0x0] =	vst.idx.msk $0xffff, v6;
	v6 =	vnsel vm13, $0x0, v22  }
0x2e9: {  	v1 =	vor.u32 $0x180, v1;
	v17 =	vadd.s32 $0x80, v17;
	[tilespmem:v41+s26+$0x0] =	vst.idx.msk $0xffff, v6;
	v6 =	vnsel vm14, $0x0, v21  }
0x2ea: {  	v11 =	vadd.s32 $0x80, v11;
	v12 =	vadd.s32 $0x80, v12;
	[tilespmem:v42+s26+$0x0] =	vst.idx.msk $0xffff, v6;
	v6 =	vnsel vm3, $0x0, v61  }
0x2eb: {  	v13 =	vadd.s32 $0x80, v13;
	v16 =	vadd.s32 $0x80, v16;
	v8 =	vadd.s32 $0x80, v8  }
0x2ec: {  	v10 =	vadd.s32 $0x80, v18;
	vm15 =	vge.f32 v26, v19;
	vm4 =	vge.f32 v24, v19  }
0x2ed: {  	s3 =	simm.s32 $0x1E;
	v18 =	vor.u32 $0x180, v20;
	v19 =	vnsel vm4, $0x0, v58;
	v20 =	vnsel vm15, $0x0, v23;
	[tilespmem:v40+s26+$0x0] =	vst.idx.msk $0xffff, v6;
	v6 =	vmovc v9  }
.LBB2_17:
0x2ee: {  	v21 =	vand.u32 $0x78, v8;
	v22 =	vand.u32 $0x7E, v13;
	v23 =	vand.u32 $0x7C, v16;
	p0 =	sne.s32 s3, $0x1;
	s3 =	sadd.s32 $0xFFFFFFFF, s3;
	[tilespmem:v15+s26+$0x0] =	vst.idx.msk $0xffff, v20;
	v15 =	vmovc v18  }
0x2ef: {  	v18 =	vshll.u32 v13, $0x2;
	v20 =	vand.u32 $0x7F, v17;
	v24 =	vshll.u32 v12, $0x2;
	[tilespmem:v14+s26+$0x0] =	vst.idx.msk $0xffff, v19;
	v14 =	vmovc v2  }
0x2f0: {  	v25 =	vshll.u32 v10, $0x2;
	v26 =	vshll.u32 v7, $0x2;
	v19 =	vand.u32 $0x7F, v12;
	v27 =	vld.idx.msk [tilespmem:v9+s19+$0x0], $0xffff  }
0x2f1: {  	v28 =	vshll.u32 v16, $0x2;
	v26 =	vand.u32 $0xFFFFFE00, v26;
	v9 =	vshll.u32 v17, $0x2;
	v29 =	vld.idx.msk [tilespmem:v0+s19+$0x0], $0xffff  }
0x2f2: {  	v30 =	vshll.u32 v8, $0x2;
	v31 =	vshll.u32 v11, $0x2;
	v32 =	vand.u32 $0x7E, v10;
	v33 =	vld.idx.msk [tilespmem:v1+s19+$0x0], $0xffff  }
0x2f3: {  	v34 =	vand.u32 $0x7F, v11;
	v30 =	vand.u32 $0xFFFFFE00, v30;
	v31 =	vand.u32 $0xFFFFFE00, v31;
	v35 =	vld.idx.msk [tilespmem:v2+s19+$0x0], $0xffff  }
0x2f4: {  	v18 =	vand.u32 $0xFFFFFE00, v18;
	v2 =	vor.u32 v30, v21;
	v21 =	vand.u32 $0xFFFFFE00, v24;
	v24 =	vld.idx.msk [tilespmem:v3+s19+$0x0], $0xffff  }
0x2f5: {  	v28 =	vand.u32 $0xFFFFFE00, v28;
	v25 =	vand.u32 $0xFFFFFE00, v25;
	v30 =	vld.idx.msk [tilespmem:v4+s19+$0x0], $0xffff  }
0x2f6: {  	v31 =	vor.u32 v31, v34;
	v9 =	vand.u32 $0xFFFFFE00, v9;
	v34 =	vld.idx.msk [tilespmem:v15+s19+$0x0], $0xffff  }
0x2f7: {  	v31 =	vor.u32 $0x180, v31;
	v36 =	vor.u32 $0x180, v2  }
0x2f8: {  	v2 =	vor.u32 v9, v20;
	v20 =	vor.u32 v28, v23;
	v9 =	vand.u32 $0x7F, v7;
	v23 =	vld.idx.msk [tilespmem:v5+s19+$0x0], $0xffff  }
0x2f9: {  	v25 =	vor.u32 v25, v32;
	v28 =	vor.u32 $0x180, v2  }
0x2fa: {  	v2 =	vor.u32 v21, v19;
	v19 =	vor.u32 v26, v9;
	v21 =	vmax.f32 v24, v27  }
0x2fb: {  	v9 =	vor.u32 $0x180, v2;
	v2 =	vor.u32 $0x180, v19;
	v19 =	vmax.f32 v30, v29  }
0x2fc: {  	v18 =	vor.u32 v18, v22;
	v22 =	vmin.f32 v24, v27;
	v26 =	vmin.f32 v34, v35  }
0x2fd: {  	v18 =	vor.u32 $0x180, v18;
	v32 =	vmax.f32 v34, v35;
	v37 =	vmax.f32 v22, v26  }
0x2fe: {  	v22 =	vmin.f32 v22, v26;
	v38 =	vmin.f32 v23, v33;
	v39 =	vmax.f32 v23, v33  }
0x2ff: {  	v20 =	vor.u32 $0x180, v20;
	v26 =	vmin.f32 v30, v29;
	v40 =	vmin.f32 v39, v19  }
0x300: {  	v41 =	vmin.f32 v38, v26;
	v26 =	vmax.f32 v38, v26;
	v38 =	vmin.f32 v21, v32  }
0x301: {  	v21 =	vmax.f32 v21, v32;
	v43 =	vmax.f32 v40, v26;
	v32 =	vmin.f32 v38, v37;
	v42 =	vld.idx.msk [tilespmem:v1+s20+$0x0], $0xffff  }
0x302: {  	v19 =	vmax.f32 v39, v19;
	v21 =	vmax.f32 v41, v21;
	v32 =	vmax.f32 v43, v32;
	v44 =	vld.idx.msk [tilespmem:v5+s20+$0x0], $0xffff  }
0x303: {  	v26 =	vmin.f32 v40, v26;
	v37 =	vmax.f32 v38, v37;
	v39 =	vld.idx.msk [tilespmem:v14+s20+$0x0], $0xffff  }
0x304: {  	v19 =	vmax.f32 v19, v22;
	v26 =	vmax.f32 v26, v37;
	v38 =	vld.idx.msk [tilespmem:v4+s20+$0x0], $0xffff  }
0x305: {  	v21 =	vmin.f32 v21, v26;
	v19 =	vmin.f32 v32, v19;
	v22 =	vld.idx.msk [tilespmem:v0+s20+$0x0], $0xffff  }
0x306: {  	v7 =	vadd.s32 $0x80, v7;
	v19 =	vmin.f32 v21, v19;
	v26 =	vld.idx.msk [tilespmem:v3+s20+$0x0], $0xffff  }
0x307: {  	vm0 =	vge.f32 v23, v19;
	vm1 =	vge.f32 v33, v19;
	vm2 =	vge.f32 v30, v19;
	v21 =	vld.idx.msk [tilespmem:v6+s20+$0x0], $0xffff  }
0x308: {  	v32 =	vnsel vm1, $0x0, v42;
	v30 =	vnsel vm0, $0x0, v44;
	vm0 =	vge.f32 v29, v19;
	v23 =	vld.idx.msk [tilespmem:v15+s20+$0x0], $0xffff  }
0x309: {  	v10 =	vadd.s32 $0x80, v10;
	vm3 =	vge.f32 v27, v19;
	vm1 =	vge.f32 v24, v19;
	[tilespmem:v5+s26+$0x0] =	vst.idx.msk $0xffff, v30  }
.Ltmp9:
0x30a: {  	vm4 =	vge.f32 v35, v19;
	v24 =	vnsel vm2, $0x0, v38;
	vm2 =	vge.f32 v34, v19;
	[tilespmem:v1+s26+$0x0] =	vst.idx.msk $0xffff, v32;
	(pc) =	sbr.rel @p0 .LBB2_17-.Ltmp9, $4  }
0x30b: {  	v17 =	vadd.s32 $0x80, v17;
	v19 =	vnsel vm4, $0x0, v39;
	v5 =	vmovc v36;
	v1 =	vmovc v31;
	[tilespmem:v4+s26+$0x0] =	vst.idx.msk $0xffff, v24;
	v24 =	vnsel vm0, $0x0, v22  }
0x30c: {  	v11 =	vadd.s32 $0x80, v11;
	v12 =	vadd.s32 $0x80, v12;
	v22 =	vnsel vm1, $0x0, v26;
	v4 =	vmovc v18;
	[tilespmem:v0+s26+$0x0] =	vst.idx.msk $0xffff, v24;
	v0 =	vmovc v28  }
0x30d: {  	v13 =	vadd.s32 $0x80, v13;
	v16 =	vadd.s32 $0x80, v16;
	v21 =	vnsel vm3, $0x0, v21;
	[tilespmem:v3+s26+$0x0] =	vst.idx.msk $0xffff, v22;
	v3 =	vmovc v20  }
0x30e: {  	v8 =	vadd.s32 $0x80, v8;
	v18 =	vor.u32 $0x180, v25;
	v20 =	vnsel vm2, $0x0, v23;
	[tilespmem:v6+s26+$0x0] =	vst.idx.msk $0xffff, v21;
	v6 =	vmovc v9  }
0x30f: {  	_ =	sdelay $0x3  }
0x310: {  	[tilespmem:v15+s26+$0x0] =	vst.idx.msk $0xffff, v20  }
0x311: {  	[tilespmem:v14+s26+$0x0] =	vst.idx.msk $0xffff, v19  }
0x312: {  	v7 =	vld.idx.msk [tilespmem:v9+s19+$0x0], $0xffff  }
0x313: {  	v8 =	vld.idx.msk [tilespmem:v0+s19+$0x0], $0xffff  }
0x314: {  	v44 =	vld.idx.msk [tilespmem:v1+s19+$0x0], $0xffff  }
0x315: {  	v10 =	vld.idx.msk [tilespmem:v2+s19+$0x0], $0xffff  }
0x316: {  	v11 =	vld.idx.msk [tilespmem:v3+s19+$0x0], $0xffff  }
0x317: {  	v12 =	vld.idx.msk [tilespmem:v18+s19+$0x0], $0xffff  }
0x318: {  	v13 =	vld.idx.msk [tilespmem:v4+s19+$0x0], $0xffff  }
0x319: {  	v14 =	vld.idx.msk [tilespmem:v5+s19+$0x0], $0xffff;
	_ =	sdelay $0x3  }
0x31a: {  	v45 =	vmax.f32 v11, v7;
	v16 =	vmin.f32 v11, v7;
	v17 =	vmin.f32 v12, v10  }
0x31b: {  	v46 =	vmax.f32 v13, v8;
	v47 =	vmax.f32 v12, v10;
	v22 =	vmin.f32 v14, v44  }
0x31c: {  	v23 =	vmax.f32 v14, v44;
	v24 =	vmin.f32 v13, v8;
	v21 =	vmax.f32 v16, v17  }
0x31d: {  	v16 =	vmin.f32 v16, v17;
	v48 =	vmin.f32 v23, v46;
	v25 =	vmax.f32 v22, v24  }
0x31e: {  	v22 =	vmin.f32 v22, v24;
	v49 =	vmin.f32 v45, v47;
	v15 =	vmax.f32 v45, v47  }
0x31f: {  	v26 =	vld.idx.msk [tilespmem:v1+s20+$0x0], $0xffff;
	v19 =	vmax.f32 v23, v46;
	v27 =	vmax.f32 v48, v25;
	v50 =	vmin.f32 v49, v21  }
0x320: {  	v28 =	vld.idx.msk [tilespmem:v5+s20+$0x0], $0xffff;
	v15 =	vmax.f32 v22, v15;
	v17 =	vmin.f32 v48, v25;
	v21 =	vmax.f32 v49, v21  }
0x321: {  	v51 =	vld.idx.msk [tilespmem:v2+s20+$0x0], $0xffff;
	v16 =	vmax.f32 v19, v16;
	v20 =	vmax.f32 v27, v50;
	v17 =	vmax.f32 v17, v21  }
0x322: {  	v52 =	vld.idx.msk [tilespmem:v4+s20+$0x0], $0xffff;
	v15 =	vmin.f32 v15, v17;
	v16 =	vmin.f32 v20, v16  }
0x323: {  	v53 =	vld.idx.msk [tilespmem:v0+s20+$0x0], $0xffff;
	v15 =	vmin.f32 v15, v16  }
0x324: {  	v54 =	vld.idx.msk [tilespmem:v3+s20+$0x0], $0xffff;
	vm0 =	vge.f32 v14, v15  }
0x325: {  	v55 =	vld.idx.msk [tilespmem:v6+s20+$0x0], $0xffff;
	vm1 =	vge.f32 v44, v15;
	v14 =	vnsel vm0, $0x0, v28  }
0x326: {  	v56 =	vld.idx.msk [tilespmem:v18+s20+$0x0], $0xffff;
	vm10 =	vge.f32 v13, v15;
	v57 =	vnsel vm1, $0x0, v26;
	[tilespmem:v5+s26+$0x0] =	vst.idx.msk $0xffff, v14  }
0x327: {  	vm11 =	vge.f32 v8, v15;
	v58 =	vnsel vm10, $0x0, v52;
	[tilespmem:v1+s26+$0x0] =	vst.idx.msk $0xffff, v57  }
0x328: {  	vm12 =	vge.f32 v11, v15;
	v59 =	vnsel vm11, $0x0, v53;
	[tilespmem:v4+s26+$0x0] =	vst.idx.msk $0xffff, v58  }
0x329: {  	vm13 =	vge.f32 v7, v15;
	v60 =	vnsel vm12, $0x0, v54;
	[tilespmem:v0+s26+$0x0] =	vst.idx.msk $0xffff, v59  }
.Ltmp10:
0x32a: {  	vm14 =	vge.f32 v12, v15;
	v61 =	vnsel vm13, $0x0, v55;
	[tilespmem:v3+s26+$0x0] =	vst.idx.msk $0xffff, v60;
	(pc) =	sbr.rel @p1 .LBB2_20-.Ltmp10, $4  }
0x32b: {  	vm15 =	vge.f32 v10, v15;
	v62 =	vnsel vm14, $0x0, v56;
	[tilespmem:v6+s26+$0x0] =	vst.idx.msk $0xffff, v61  }
0x32c: {  	s3 =	sor.u32 s0, s6;
	v63 =	vnsel vm15, $0x0, v51;
	[tilespmem:v18+s26+$0x0] =	vst.idx.msk $0xffff, v62  }
0x32d: {  	s3 =	sadd.s32 s3, s13;
	[tilespmem:v2+s26+$0x0] =	vst.idx.msk $0xffff, v63  }
0x32e: {  	[hbm4b:s3+s16] =	stream.strided.scatter [tilespmem:s26], [sflag:$0x6], $0x4000, s17, s16, $0x38;
	[tilespmem:$0x18000] =	vst v63  }
.Ltmp11:
0x32f: {  	s0 =	sadd.s32 s0, s14;
	(pc) =	sbr.rel .LBB2_2-.Ltmp11, $4  }
0x330: {  	s3 =	sadd.s32 s2, s0  }
0x331: {  	[tilespmem:s19], [sflag:$0x2] =	stream.strided.gather [hbm4b:s3+s16], $0x4000, s17, s16, $0x38;
	[tilespmem:$0x18000] =	vst v63  }
0x332: {  	s31 =	sadd.s32 $0x1, s31;
	s0 =	sadd.s32 s1, s0  }
0x333: {  	[tilespmem:s20], [sflag:$0x4] =	stream.strided.gather [hbm4b:s0+s16], $0x4000, s17, s16, $0x38;
	[tilespmem:$0x18000] =	vst v63  }
.LBB2_21:
0x334: {  	_ =	sfence.sel $0x180000  }
0x335: {  	[bflag:$0x0] =	sbarrier.arrive $0xFFFF  }
0x336: {  	_ =	strace $0x90000047  }
0x337: {  	s0 =	stileid.u32;
	[bflag:$0x2] =	sbarrier.arrive $0xFFFF  }
0x338: {  	p0 =	sne.s32 s0, $0x0;
	s0 =	rddreg [dreg:$0x3]  }
0x339: {  	s0 =	sadd.s32 @!p0 $0x100000, s0  }
0x33a: {  	[sflag:s0] =	ssyncadd.tile.s32 @!p0 $0x1;
	_ =	shalt  }
.Lfunc_end2:
_tile_overlayer_lowered:
.L_overlay_start_2:
0x33b: {  	(tag) =	ssettag $0x2  }
0x33c: {  	s0 =	rddreg [dreg:$0x0];
	s2 =	stileid.u32  }
0x33d: {  	s1 =	rddreg [dreg:$0x1];
	p0 =	sne.s32 s2, $0x0  }
0x33e: {  	s3 =	rddreg [dreg:$0x2];
	[bflag:$0x3] =	sbarrier.arrive $0xFFFF;
	s2 =	simm.s32 @!p0 $0x1C07  }
0x33f: {  	[timem:s3], [sflag:s2] =	dma.local @!p0 [hbm:s0], s1  }
0x340: {  	s0 =	simm.s32 @!p0 $0x7  }
0x341: {  	_ =	swait.ge @!p0 [sflag:s0], s1  }
0x342: {  	s1 =	ssub.s32 @!p0 $0x0, s1;
	[sflag:s0] =	ssyncset.done @!p0 $0x0  }
0x343: {  	[sflag:s0] =	ssyncadd.s32 @!p0 s1  }
0x344: {  	[bflag:$0x3] =	sbarrier.arrive $0xFFFF  }
0x345: {  	_ =	shalt  }

</sc_bundles>
